<compile_context>
chip_gen: v7x
topology: tpu7x:2x2x1
jax: 0.10.2.dev20260603
libtpu: 0.0.44.dev20260713+nightly
codegen_flags: <defaults>
</compile_context>

<pallas_src>
import functools

import jax
import jax.numpy as jnp
from jax import lax
from jax.experimental import pallas as pl
from jax.experimental.pallas import tpu as pltpu
from jax.experimental.pallas import tpu_sc as plsc

N_I = 819200
N_P = 100000
D = 64
L = 16
NC = 2
NS = 16
GROUPS = D // L
PASSES = GROUPS // NC
ROWS_PER_TILE = N_I // NS
CH = 512
NCH = ROWS_PER_TILE // CH
SCB = 128
K = CH // SCB
P_PER_TILE = N_P // NS
PCH = 625
NPCH = P_PER_TILE // PCH

_mesh = plsc.VectorSubcoreMesh(core_axis_name="c", subcore_axis_name="s")


@functools.partial(
    pl.kernel,
    mesh=_mesh,
    out_type=jax.ShapeDtypeStruct((N_P, D), jnp.float32),
    scratch_types=[
        pltpu.VMEM((CH, L), jnp.float32),
        pltpu.VMEM((CH, L), jnp.float32),
        pltpu.VMEM((K, SCB), jnp.int32),
        pltpu.VMEM((K, SCB), jnp.int32),
        pltpu.VMEM((PCH, L), jnp.float32),
        pltpu.VMEM_SHARED((N_P, L), jnp.float32),
        pltpu.SemaphoreType.DMA,
        pltpu.SemaphoreType.DMA,
        pltpu.SemaphoreType.DMA,
        pltpu.SemaphoreType.DMA,
    ],
    compiler_params=pltpu.CompilerParams(use_tc_tiling_on_sc=False),
)
def _scatter_add(i_hbm, idx_hbm, p_hbm, out_hbm,
                 ib0, ib1, xb0, xb1, pbuf, acc,
                 ls0, ls1, ss0, ss1):
    cid = lax.axis_index("c")
    sid = lax.axis_index("s")
    row0 = sid * ROWS_PER_TILE
    blk0 = sid * (ROWS_PER_TILE // SCB)
    prow0 = sid * P_PER_TILE

    ibufs, xbufs = (ib0, ib1), (xb0, xb1)
    lsems, ssems = (ls0, ls1), (ss0, ss1)

    def load_start(b, c, c0):
        pltpu.async_copy(idx_hbm.at[pl.ds(blk0 + c * K, K)], xbufs[b],
                         lsems[b])
        pltpu.async_copy(i_hbm.at[pl.ds(row0 + c * CH, CH), pl.ds(c0, L)],
                         ibufs[b], lsems[b])

    def load_wait(b, c, c0):
        pltpu.make_async_copy(idx_hbm.at[pl.ds(blk0 + c * K, K)], xbufs[b],
                              lsems[b]).wait()
        pltpu.make_async_copy(i_hbm.at[pl.ds(row0 + c * CH, CH),
                                       pl.ds(c0, L)],
                              ibufs[b], lsems[b]).wait()

    def scatter_start(b):
        for j in range(K):
            pltpu.async_copy(ibufs[b].at[pl.ds(j * SCB, SCB)],
                             acc.at[xbufs[b].at[j]], ssems[b], add=True)

    def scatter_wait(b):
        for j in range(K):
            pltpu.make_async_copy(ibufs[b].at[pl.ds(j * SCB, SCB)],
                                  acc.at[xbufs[b].at[j]], ssems[b]).wait()

    load_start(0, 0, cid * L)
    load_start(1, 1, cid * L)

    for pz in range(PASSES):
        c0 = (pz * NC + cid) * L

        for q in range(NPCH):
            r = prow0 + q * PCH
            pltpu.sync_copy(p_hbm.at[pl.ds(r, PCH), pl.ds(c0, L)], pbuf)
            pltpu.sync_copy(pbuf, acc.at[pl.ds(r, PCH)])
        plsc.subcore_barrier()

        load_wait(0, 0, c0)
        scatter_start(0)

        def body(t, carry):
            ca = 2 * t
            load_wait(1, ca + 1, c0)
            scatter_start(1)
            scatter_wait(0)
            load_start(0, ca + 2, c0)
            load_wait(0, ca + 2, c0)
            scatter_start(0)
            scatter_wait(1)
            load_start(1, ca + 3, c0)
            return carry

        lax.fori_loop(0, (NCH - 2) // 2, body, 0)
        load_wait(1, NCH - 1, c0)
        scatter_start(1)
        scatter_wait(0)
        if pz + 1 < PASSES:
            load_start(0, 0, ((pz + 1) * NC + cid) * L)
        scatter_wait(1)
        if pz + 1 < PASSES:
            load_start(1, 1, ((pz + 1) * NC + cid) * L)
        plsc.subcore_barrier()

        for q in range(NPCH):
            r = prow0 + q * PCH
            pltpu.sync_copy(acc.at[pl.ds(r, PCH)], pbuf)
            pltpu.sync_copy(pbuf, out_hbm.at[pl.ds(r, PCH), pl.ds(c0, L)])


@jax.jit
def kernel(i, idx_i, p):
    idx = jnp.asarray(idx_i, jnp.int32).reshape(N_I // SCB, SCB)
    return _scatter_add(i, idx, p)

# --- scband reference (transcript-rebuilt; emitter-appended) ---
"""Pipeline reference for scband-iplayer-15745350107643 (READ-ONLY COPY).

The authoritative reference and input builder live on the scoring server;
editing this copy changes nothing except your own understanding.
"""

import jax, jax.numpy as jnp
import numpy as np


def setup_inputs(seed: int = 0) -> dict:
    key = jax.random.key(seed)
    k1, k2, k3 = jax.random.split(key, 3)
    i = jax.random.normal(k1, (819200, 64), dtype=jnp.float32)
    idx_i = jax.random.randint(k2, (819200,), 0, 100000, dtype=jnp.int64)
    p = jax.random.normal(k3, (100000, 64), dtype=jnp.float32)
    return {"i": i, "idx_i": idx_i, "p": p}


def reference(i, idx_i, p):
    # torch: p.index_add(0, idx_i, i) -> scatter-add of rows of `i` into `p` at rows `idx_i`
    out = p.at[idx_i].add(i)
    return out

if __name__ == "__main__":
    import jax
    _d = setup_inputs()
    print(jax.jit(kernel)(*tuple(_d.values())))

</pallas_src>

<mosaic_0001>
#map = affine_map<(d0, d1) -> (0, 0)>
module attributes {stable_mosaic.version = 14 : i64} {
  func.func @_scatter_add(%arg0: i32, %arg1: i32, %arg2: memref<819200x64xf32, #tpu.memory_space<hbm>>, %arg3: memref<6400x128xi32, #tpu.memory_space<hbm>>, %arg4: memref<100000x64xf32, #tpu.memory_space<hbm>>, %arg5: memref<100000x64xf32, #tpu.memory_space<hbm>>, %arg6: memref<512x16xf32, #tpu.memory_space<vmem>>, %arg7: memref<512x16xf32, #tpu.memory_space<vmem>>, %arg8: memref<4x128xi32, #tpu.memory_space<vmem>>, %arg9: memref<4x128xi32, #tpu.memory_space<vmem>>, %arg10: memref<625x16xf32, #tpu.memory_space<vmem>>, %arg11: memref<100000x16xf32, #tpu.memory_space<vmem_shared>>, %arg12: memref<!tpu.dma_semaphore, #tpu.memory_space<semaphore_mem>>, %arg13: memref<!tpu.dma_semaphore, #tpu.memory_space<semaphore_mem>>, %arg14: memref<!tpu.dma_semaphore, #tpu.memory_space<semaphore_mem>>, %arg15: memref<!tpu.dma_semaphore, #tpu.memory_space<semaphore_mem>>) attributes {dimension_semantics = [#tpu.dimension_semantics<core_parallel>, #tpu.dimension_semantics<subcore_parallel>], iteration_bounds = array<i64: 2, 16>, scalar_prefetch = 0 : i64, scratch_operands = 10 : i64, tpu.core_type = #tpu.core_type<sc_vector_subcore>, window_params = [{transform_indices = #map}, {transform_indices = #map}, {transform_indices = #map}, {transform_indices = #map}]} {
    %mul3A = arith.constant 51200 : i32
    %mul3A_0 = arith.muli %arg1, %mul3A : i32
    %mul3A_1 = arith.constant 400 : i32
    %mul3A_2 = arith.muli %arg1, %mul3A_1 : i32
    %mul3A_3 = arith.constant 6250 : i32
    %mul3A_4 = arith.muli %arg1, %mul3A_3 : i32
    %mul3A_5 = arith.constant 16 : i32
    %mul3A_6 = arith.muli %arg0, %mul3A_5 : i32
    %add3A = arith.constant 0 : i32
    %add3A_7 = arith.addi %mul3A_2, %add3A : i32
    %dma_start3A = arith.constant 0 : i32
    %dma_start3A_8 = tpu.memref_slice %arg3[%add3A_7, %dma_start3A] : memref<6400x128xi32, #tpu.memory_space<hbm>> -> memref<4x128xi32, #tpu.memory_space<hbm>>
    %dma_start3A_9 = arith.constant 0 : i32
    %dma_start3A_10 = tpu.memref_slice %arg3[%add3A_7, %dma_start3A_9] : memref<6400x128xi32, #tpu.memory_space<hbm>> -> memref<4x128xi32, #tpu.memory_space<hbm>>
    tpu.enqueue_dma source(%dma_start3A_10 : memref<4x128xi32, #tpu.memory_space<hbm>>) target(%arg8 : memref<4x128xi32, #tpu.memory_space<vmem>>) target_semaphore(%arg12 : memref<!tpu.dma_semaphore, #tpu.memory_space<semaphore_mem>>)
    %add3A_11 = arith.constant 0 : i32
    %add3A_12 = arith.addi %mul3A_0, %add3A_11 : i32
    %dma_start3A_13 = tpu.memref_slice %arg2[%add3A_12, %mul3A_6] : memref<819200x64xf32, #tpu.memory_space<hbm>> -> memref<512x16xf32, #tpu.memory_space<hbm>>
    %dma_start3A_14 = tpu.memref_slice %arg2[%add3A_12, %mul3A_6] : memref<819200x64xf32, #tpu.memory_space<hbm>> -> memref<512x16xf32, #tpu.memory_space<hbm>>
    tpu.enqueue_dma source(%dma_start3A_14 : memref<512x16xf32, #tpu.memory_space<hbm>>) target(%arg6 : memref<512x16xf32, #tpu.memory_space<vmem>>) target_semaphore(%arg12 : memref<!tpu.dma_semaphore, #tpu.memory_space<semaphore_mem>>)
    %mul3A_15 = arith.constant 16 : i32
    %mul3A_16 = arith.muli %arg0, %mul3A_15 : i32
    %add3A_17 = arith.constant 4 : i32
    %add3A_18 = arith.addi %mul3A_2, %add3A_17 : i32
    %dma_start3A_19 = arith.constant 0 : i32
    %dma_start3A_20 = tpu.memref_slice %arg3[%add3A_18, %dma_start3A_19] : memref<6400x128xi32, #tpu.memory_space<hbm>> -> memref<4x128xi32, #tpu.memory_space<hbm>>
    %dma_start3A_21 = arith.constant 0 : i32
    %dma_start3A_22 = tpu.memref_slice %arg3[%add3A_18, %dma_start3A_21] : memref<6400x128xi32, #tpu.memory_space<hbm>> -> memref<4x128xi32, #tpu.memory_space<hbm>>
    tpu.enqueue_dma source(%dma_start3A_22 : memref<4x128xi32, #tpu.memory_space<hbm>>) target(%arg9 : memref<4x128xi32, #tpu.memory_space<vmem>>) target_semaphore(%arg13 : memref<!tpu.dma_semaphore, #tpu.memory_space<semaphore_mem>>)
    %add3A_23 = arith.constant 512 : i32
    %add3A_24 = arith.addi %mul3A_0, %add3A_23 : i32
    %dma_start3A_25 = tpu.memref_slice %arg2[%add3A_24, %mul3A_16] : memref<819200x64xf32, #tpu.memory_space<hbm>> -> memref<512x16xf32, #tpu.memory_space<hbm>>
    %dma_start3A_26 = tpu.memref_slice %arg2[%add3A_24, %mul3A_16] : memref<819200x64xf32, #tpu.memory_space<hbm>> -> memref<512x16xf32, #tpu.memory_space<hbm>>
    tpu.enqueue_dma source(%dma_start3A_26 : memref<512x16xf32, #tpu.memory_space<hbm>>) target(%arg7 : memref<512x16xf32, #tpu.memory_space<vmem>>) target_semaphore(%arg13 : memref<!tpu.dma_semaphore, #tpu.memory_space<semaphore_mem>>)
    %add3A_27 = arith.constant 0 : i32
    %add3A_28 = arith.addi %add3A_27, %arg0 : i32
    %mul3A_29 = arith.constant 16 : i32
    %mul3A_30 = arith.muli %add3A_28, %mul3A_29 : i32
    %add3A_31 = arith.constant 0 : i32
    %add3A_32 = arith.addi %mul3A_4, %add3A_31 : i32
    "tpu.region"() ({
      %run_scoped3A = tpu.sem_alloc : memref<!tpu.dma_semaphore, #tpu.memory_space<semaphore_mem>>
      %dma_start3A_516 = tpu.memref_slice %arg4[%add3A_32, %mul3A_30] : memref<100000x64xf32, #tpu.memory_space<hbm>> -> memref<625x16xf32, #tpu.memory_space<hbm>>
      %dma_start3A_517 = tpu.memref_slice %arg4[%add3A_32, %mul3A_30] : memref<100000x64xf32, #tpu.memory_space<hbm>> -> memref<625x16xf32, #tpu.memory_space<hbm>>
      tpu.enqueue_dma source(%dma_start3A_517 : memref<625x16xf32, #tpu.memory_space<hbm>>) target(%arg10 : memref<625x16xf32, #tpu.memory_space<vmem>>) target_semaphore(%run_scoped3A : memref<!tpu.dma_semaphore, #tpu.memory_space<semaphore_mem>>)
      %dma_wait3A_518 = tpu.memref_slice %arg4[%add3A_32, %mul3A_30] : memref<100000x64xf32, #tpu.memory_space<hbm>> -> memref<625x16xf32, #tpu.memory_space<hbm>>
      %dma_wait3A_519 = tpu.memref_slice %arg4[%add3A_32, %mul3A_30] : memref<100000x64xf32, #tpu.memory_space<hbm>> -> memref<625x16xf32, #tpu.memory_space<hbm>>
      tpu.wait_dma2 semaphore(%run_scoped3A : memref<!tpu.dma_semaphore, #tpu.memory_space<semaphore_mem>>) src(%dma_wait3A_519 : memref<625x16xf32, #tpu.memory_space<hbm>>) dst(%arg10 : memref<625x16xf32, #tpu.memory_space<vmem>>)
      tpu.yield
    }) : () -> ()
    "tpu.region"() ({
      %run_scoped3A = tpu.sem_alloc : memref<!tpu.dma_semaphore, #tpu.memory_space<semaphore_mem>>
      %dma_start3A_516 = arith.constant 0 : i32
      %dma_start3A_517 = tpu.memref_slice %arg11[%add3A_32, %dma_start3A_516] : memref<100000x16xf32, #tpu.memory_space<vmem_shared>> -> memref<625x16xf32, #tpu.memory_space<vmem_shared>>
      %dma_start3A_518 = arith.constant 0 : i32
      %dma_start3A_519 = tpu.memref_slice %arg11[%add3A_32, %dma_start3A_518] : memref<100000x16xf32, #tpu.memory_space<vmem_shared>> -> memref<625x16xf32, #tpu.memory_space<vmem_shared>>
      tpu.enqueue_dma source(%arg10 : memref<625x16xf32, #tpu.memory_space<vmem>>) target(%dma_start3A_519 : memref<625x16xf32, #tpu.memory_space<vmem_shared>>) target_semaphore(%run_scoped3A : memref<!tpu.dma_semaphore, #tpu.memory_space<semaphore_mem>>)
      %dma_wait3A_520 = arith.constant 0 : i32
      %dma_wait3A_521 = tpu.memref_slice %arg11[%add3A_32, %dma_wait3A_520] : memref<100000x16xf32, #tpu.memory_space<vmem_shared>> -> memref<625x16xf32, #tpu.memory_space<vmem_shared>>
      %dma_wait3A_522 = arith.constant 0 : i32
      %dma_wait3A_523 = tpu.memref_slice %arg11[%add3A_32, %dma_wait3A_522] : memref<100000x16xf32, #tpu.memory_space<vmem_shared>> -> memref<625x16xf32, #tpu.memory_space<vmem_shared>>
      tpu.wait_dma2 semaphore(%run_scoped3A : memref<!tpu.dma_semaphore, #tpu.memory_space<semaphore_mem>>) src(%arg10 : memref<625x16xf32, #tpu.memory_space<vmem>>) dst(%dma_wait3A_523 : memref<625x16xf32, #tpu.memory_space<vmem_shared>>)
      tpu.yield
    }) : () -> ()
    %add3A_33 = arith.constant 625 : i32
    %add3A_34 = arith.addi %mul3A_4, %add3A_33 : i32
    "tpu.region"() ({
      %run_scoped3A = tpu.sem_alloc : memref<!tpu.dma_semaphore, #tpu.memory_space<semaphore_mem>>
      %dma_start3A_516 = tpu.memref_slice %arg4[%add3A_34, %mul3A_30] : memref<100000x64xf32, #tpu.memory_space<hbm>> -> memref<625x16xf32, #tpu.memory_space<hbm>>
      %dma_start3A_517 = tpu.memref_slice %arg4[%add3A_34, %mul3A_30] : memref<100000x64xf32, #tpu.memory_space<hbm>> -> memref<625x16xf32, #tpu.memory_space<hbm>>
      tpu.enqueue_dma source(%dma_start3A_517 : memref<625x16xf32, #tpu.memory_space<hbm>>) target(%arg10 : memref<625x16xf32, #tpu.memory_space<vmem>>) target_semaphore(%run_scoped3A : memref<!tpu.dma_semaphore, #tpu.memory_space<semaphore_mem>>)
      %dma_wait3A_518 = tpu.memref_slice %arg4[%add3A_34, %mul3A_30] : memref<100000x64xf32, #tpu.memory_space<hbm>> -> memref<625x16xf32, #tpu.memory_space<hbm>>
      %dma_wait3A_519 = tpu.memref_slice %arg4[%add3A_34, %mul3A_30] : memref<100000x64xf32, #tpu.memory_space<hbm>> -> memref<625x16xf32, #tpu.memory_space<hbm>>
      tpu.wait_dma2 semaphore(%run_scoped3A : memref<!tpu.dma_semaphore, #tpu.memory_space<semaphore_mem>>) src(%dma_wait3A_519 : memref<625x16xf32, #tpu.memory_space<hbm>>) dst(%arg10 : memref<625x16xf32, #tpu.memory_space<vmem>>)
      tpu.yield
    }) : () -> ()
    "tpu.region"() ({
      %run_scoped3A = tpu.sem_alloc : memref<!tpu.dma_semaphore, #tpu.memory_space<semaphore_mem>>
      %dma_start3A_516 = arith.constant 0 : i32
      %dma_start3A_517 = tpu.memref_slice %arg11[%add3A_34, %dma_start3A_516] : memref<100000x16xf32, #tpu.memory_space<vmem_shared>> -> memref<625x16xf32, #tpu.memory_space<vmem_shared>>
      %dma_start3A_518 = arith.constant 0 : i32
      %dma_start3A_519 = tpu.memref_slice %arg11[%add3A_34, %dma_start3A_518] : memref<100000x16xf32, #tpu.memory_space<vmem_shared>> -> memref<625x16xf32, #tpu.memory_space<vmem_shared>>
      tpu.enqueue_dma source(%arg10 : memref<625x16xf32, #tpu.memory_space<vmem>>) target(%dma_start3A_519 : memref<625x16xf32, #tpu.memory_space<vmem_shared>>) target_semaphore(%run_scoped3A : memref<!tpu.dma_semaphore, #tpu.memory_space<semaphore_mem>>)
      %dma_wait3A_520 = arith.constant 0 : i32
      %dma_wait3A_521 = tpu.memref_slice %arg11[%add3A_34, %dma_wait3A_520] : memref<100000x16xf32, #tpu.memory_space<vmem_shared>> -> memref<625x16xf32, #tpu.memory_space<vmem_shared>>
      %dma_wait3A_522 = arith.constant 0 : i32
      %dma_wait3A_523 = tpu.memref_slice %arg11[%add3A_34, %dma_wait3A_522] : memref<100000x16xf32, #tpu.memory_space<vmem_shared>> -> memref<625x16xf32, #tpu.memory_space<vmem_shared>>
      tpu.wait_dma2 semaphore(%run_scoped3A : memref<!tpu.dma_semaphore, #tpu.memory_space<semaphore_mem>>) src(%arg10 : memref<625x16xf32, #tpu.memory_space<vmem>>) dst(%dma_wait3A_523 : memref<625x16xf32, #tpu.memory_space<vmem_shared>>)
      tpu.yield
    }) : () -> ()
    %add3A_35 = arith.constant 1250 : i32
    %add3A_36 = arith.addi %mul3A_4, %add3A_35 : i32
    "tpu.region"() ({
      %run_scoped3A = tpu.sem_alloc : memref<!tpu.dma_semaphore, #tpu.memory_space<semaphore_mem>>
      %dma_start3A_516 = tpu.memref_slice %arg4[%add3A_36, %mul3A_30] : memref<100000x64xf32, #tpu.memory_space<hbm>> -> memref<625x16xf32, #tpu.memory_space<hbm>>
      %dma_start3A_517 = tpu.memref_slice %arg4[%add3A_36, %mul3A_30] : memref<100000x64xf32, #tpu.memory_space<hbm>> -> memref<625x16xf32, #tpu.memory_space<hbm>>
      tpu.enqueue_dma source(%dma_start3A_517 : memref<625x16xf32, #tpu.memory_space<hbm>>) target(%arg10 : memref<625x16xf32, #tpu.memory_space<vmem>>) target_semaphore(%run_scoped3A : memref<!tpu.dma_semaphore, #tpu.memory_space<semaphore_mem>>)
      %dma_wait3A_518 = tpu.memref_slice %arg4[%add3A_36, %mul3A_30] : memref<100000x64xf32, #tpu.memory_space<hbm>> -> memref<625x16xf32, #tpu.memory_space<hbm>>
      %dma_wait3A_519 = tpu.memref_slice %arg4[%add3A_36, %mul3A_30] : memref<100000x64xf32, #tpu.memory_space<hbm>> -> memref<625x16xf32, #tpu.memory_space<hbm>>
      tpu.wait_dma2 semaphore(%run_scoped3A : memref<!tpu.dma_semaphore, #tpu.memory_space<semaphore_mem>>) src(%dma_wait3A_519 : memref<625x16xf32, #tpu.memory_space<hbm>>) dst(%arg10 : memref<625x16xf32, #tpu.memory_space<vmem>>)
      tpu.yield
    }) : () -> ()
    "tpu.region"() ({
      %run_scoped3A = tpu.sem_alloc : memref<!tpu.dma_semaphore, #tpu.memory_space<semaphore_mem>>
      %dma_start3A_516 = arith.constant 0 : i32
      %dma_start3A_517 = tpu.memref_slice %arg11[%add3A_36, %dma_start3A_516] : memref<100000x16xf32, #tpu.memory_space<vmem_shared>> -> memref<625x16xf32, #tpu.memory_space<vmem_shared>>
      %dma_start3A_518 = arith.constant 0 : i32
      %dma_start3A_519 = tpu.memref_slice %arg11[%add3A_36, %dma_start3A_518] : memref<100000x16xf32, #tpu.memory_space<vmem_shared>> -> memref<625x16xf32, #tpu.memory_space<vmem_shared>>
      tpu.enqueue_dma source(%arg10 : memref<625x16xf32, #tpu.memory_space<vmem>>) target(%dma_start3A_519 : memref<625x16xf32, #tpu.memory_space<vmem_shared>>) target_semaphore(%run_scoped3A : memref<!tpu.dma_semaphore, #tpu.memory_space<semaphore_mem>>)
      %dma_wait3A_520 = arith.constant 0 : i32
      %dma_wait3A_521 = tpu.memref_slice %arg11[%add3A_36, %dma_wait3A_520] : memref<100000x16xf32, #tpu.memory_space<vmem_shared>> -> memref<625x16xf32, #tpu.memory_space<vmem_shared>>
      %dma_wait3A_522 = arith.constant 0 : i32
      %dma_wait3A_523 = tpu.memref_slice %arg11[%add3A_36, %dma_wait3A_522] : memref<100000x16xf32, #tpu.memory_space<vmem_shared>> -> memref<625x16xf32, #tpu.memory_space<vmem_shared>>
      tpu.wait_dma2 semaphore(%run_scoped3A : memref<!tpu.dma_semaphore, #tpu.memory_space<semaphore_mem>>) src(%arg10 : memref<625x16xf32, #tpu.memory_space<vmem>>) dst(%dma_wait3A_523 : memref<625x16xf32, #tpu.memory_space<vmem_shared>>)
      tpu.yield
    }) : () -> ()
    %add3A_37 = arith.constant 1875 : i32
    %add3A_38 = arith.addi %mul3A_4, %add3A_37 : i32
    "tpu.region"() ({
      %run_scoped3A = tpu.sem_alloc : memref<!tpu.dma_semaphore, #tpu.memory_space<semaphore_mem>>
      %dma_start3A_516 = tpu.memref_slice %arg4[%add3A_38, %mul3A_30] : memref<100000x64xf32, #tpu.memory_space<hbm>> -> memref<625x16xf32, #tpu.memory_space<hbm>>
      %dma_start3A_517 = tpu.memref_slice %arg4[%add3A_38, %mul3A_30] : memref<100000x64xf32, #tpu.memory_space<hbm>> -> memref<625x16xf32, #tpu.memory_space<hbm>>
      tpu.enqueue_dma source(%dma_start3A_517 : memref<625x16xf32, #tpu.memory_space<hbm>>) target(%arg10 : memref<625x16xf32, #tpu.memory_space<vmem>>) target_semaphore(%run_scoped3A : memref<!tpu.dma_semaphore, #tpu.memory_space<semaphore_mem>>)
      %dma_wait3A_518 = tpu.memref_slice %arg4[%add3A_38, %mul3A_30] : memref<100000x64xf32, #tpu.memory_space<hbm>> -> memref<625x16xf32, #tpu.memory_space<hbm>>
      %dma_wait3A_519 = tpu.memref_slice %arg4[%add3A_38, %mul3A_30] : memref<100000x64xf32, #tpu.memory_space<hbm>> -> memref<625x16xf32, #tpu.memory_space<hbm>>
      tpu.wait_dma2 semaphore(%run_scoped3A : memref<!tpu.dma_semaphore, #tpu.memory_space<semaphore_mem>>) src(%dma_wait3A_519 : memref<625x16xf32, #tpu.memory_space<hbm>>) dst(%arg10 : memref<625x16xf32, #tpu.memory_space<vmem>>)
      tpu.yield
    }) : () -> ()
    "tpu.region"() ({
      %run_scoped3A = tpu.sem_alloc : memref<!tpu.dma_semaphore, #tpu.memory_space<semaphore_mem>>
      %dma_start3A_516 = arith.constant 0 : i32
      %dma_start3A_517 = tpu.memref_slice %arg11[%add3A_38, %dma_start3A_516] : memref<100000x16xf32, #tpu.memory_space<vmem_shared>> -> memref<625x16xf32, #tpu.memory_space<vmem_shared>>
      %dma_start3A_518 = arith.constant 0 : i32
      %dma_start3A_519 = tpu.memref_slice %arg11[%add3A_38, %dma_start3A_518] : memref<100000x16xf32, #tpu.memory_space<vmem_shared>> -> memref<625x16xf32, #tpu.memory_space<vmem_shared>>
      tpu.enqueue_dma source(%arg10 : memref<625x16xf32, #tpu.memory_space<vmem>>) target(%dma_start3A_519 : memref<625x16xf32, #tpu.memory_space<vmem_shared>>) target_semaphore(%run_scoped3A : memref<!tpu.dma_semaphore, #tpu.memory_space<semaphore_mem>>)
      %dma_wait3A_520 = arith.constant 0 : i32
      %dma_wait3A_521 = tpu.memref_slice %arg11[%add3A_38, %dma_wait3A_520] : memref<100000x16xf32, #tpu.memory_space<vmem_shared>> -> memref<625x16xf32, #tpu.memory_space<vmem_shared>>
      %dma_wait3A_522 = arith.constant 0 : i32
      %dma_wait3A_523 = tpu.memref_slice %arg11[%add3A_38, %dma_wait3A_522] : memref<100000x16xf32, #tpu.memory_space<vmem_shared>> -> memref<625x16xf32, #tpu.memory_space<vmem_shared>>
      tpu.wait_dma2 semaphore(%run_scoped3A : memref<!tpu.dma_semaphore, #tpu.memory_space<semaphore_mem>>) src(%arg10 : memref<625x16xf32, #tpu.memory_space<vmem>>) dst(%dma_wait3A_523 : memref<625x16xf32, #tpu.memory_space<vmem_shared>>)
      tpu.yield
    }) : () -> ()
    %add3A_39 = arith.constant 2500 : i32
    %add3A_40 = arith.addi %mul3A_4, %add3A_39 : i32
    "tpu.region"() ({
      %run_scoped3A = tpu.sem_alloc : memref<!tpu.dma_semaphore, #tpu.memory_space<semaphore_mem>>
      %dma_start3A_516 = tpu.memref_slice %arg4[%add3A_40, %mul3A_30] : memref<100000x64xf32, #tpu.memory_space<hbm>> -> memref<625x16xf32, #tpu.memory_space<hbm>>
      %dma_start3A_517 = tpu.memref_slice %arg4[%add3A_40, %mul3A_30] : memref<100000x64xf32, #tpu.memory_space<hbm>> -> memref<625x16xf32, #tpu.memory_space<hbm>>
      tpu.enqueue_dma source(%dma_start3A_517 : memref<625x16xf32, #tpu.memory_space<hbm>>) target(%arg10 : memref<625x16xf32, #tpu.memory_space<vmem>>) target_semaphore(%run_scoped3A : memref<!tpu.dma_semaphore, #tpu.memory_space<semaphore_mem>>)
      %dma_wait3A_518 = tpu.memref_slice %arg4[%add3A_40, %mul3A_30] : memref<100000x64xf32, #tpu.memory_space<hbm>> -> memref<625x16xf32, #tpu.memory_space<hbm>>
      %dma_wait3A_519 = tpu.memref_slice %arg4[%add3A_40, %mul3A_30] : memref<100000x64xf32, #tpu.memory_space<hbm>> -> memref<625x16xf32, #tpu.memory_space<hbm>>
      tpu.wait_dma2 semaphore(%run_scoped3A : memref<!tpu.dma_semaphore, #tpu.memory_space<semaphore_mem>>) src(%dma_wait3A_519 : memref<625x16xf32, #tpu.memory_space<hbm>>) dst(%arg10 : memref<625x16xf32, #tpu.memory_space<vmem>>)
      tpu.yield
    }) : () -> ()
    "tpu.region"() ({
      %run_scoped3A = tpu.sem_alloc : memref<!tpu.dma_semaphore, #tpu.memory_space<semaphore_mem>>
      %dma_start3A_516 = arith.constant 0 : i32
      %dma_start3A_517 = tpu.memref_slice %arg11[%add3A_40, %dma_start3A_516] : memref<100000x16xf32, #tpu.memory_space<vmem_shared>> -> memref<625x16xf32, #tpu.memory_space<vmem_shared>>
      %dma_start3A_518 = arith.constant 0 : i32
      %dma_start3A_519 = tpu.memref_slice %arg11[%add3A_40, %dma_start3A_518] : memref<100000x16xf32, #tpu.memory_space<vmem_shared>> -> memref<625x16xf32, #tpu.memory_space<vmem_shared>>
      tpu.enqueue_dma source(%arg10 : memref<625x16xf32, #tpu.memory_space<vmem>>) target(%dma_start3A_519 : memref<625x16xf32, #tpu.memory_space<vmem_shared>>) target_semaphore(%run_scoped3A : memref<!tpu.dma_semaphore, #tpu.memory_space<semaphore_mem>>)
      %dma_wait3A_520 = arith.constant 0 : i32
      %dma_wait3A_521 = tpu.memref_slice %arg11[%add3A_40, %dma_wait3A_520] : memref<100000x16xf32, #tpu.memory_space<vmem_shared>> -> memref<625x16xf32, #tpu.memory_space<vmem_shared>>
      %dma_wait3A_522 = arith.constant 0 : i32
      %dma_wait3A_523 = tpu.memref_slice %arg11[%add3A_40, %dma_wait3A_522] : memref<100000x16xf32, #tpu.memory_space<vmem_shared>> -> memref<625x16xf32, #tpu.memory_space<vmem_shared>>
      tpu.wait_dma2 semaphore(%run_scoped3A : memref<!tpu.dma_semaphore, #tpu.memory_space<semaphore_mem>>) src(%arg10 : memref<625x16xf32, #tpu.memory_space<vmem>>) dst(%dma_wait3A_523 : memref<625x16xf32, #tpu.memory_space<vmem_shared>>)
      tpu.yield
    }) : () -> ()
    %add3A_41 = arith.constant 3125 : i32
    %add3A_42 = arith.addi %mul3A_4, %add3A_41 : i32
    "tpu.region"() ({
      %run_scoped3A = tpu.sem_alloc : memref<!tpu.dma_semaphore, #tpu.memory_space<semaphore_mem>>
      %dma_start3A_516 = tpu.memref_slice %arg4[%add3A_42, %mul3A_30] : memref<100000x64xf32, #tpu.memory_space<hbm>> -> memref<625x16xf32, #tpu.memory_space<hbm>>
      %dma_start3A_517 = tpu.memref_slice %arg4[%add3A_42, %mul3A_30] : memref<100000x64xf32, #tpu.memory_space<hbm>> -> memref<625x16xf32, #tpu.memory_space<hbm>>
      tpu.enqueue_dma source(%dma_start3A_517 : memref<625x16xf32, #tpu.memory_space<hbm>>) target(%arg10 : memref<625x16xf32, #tpu.memory_space<vmem>>) target_semaphore(%run_scoped3A : memref<!tpu.dma_semaphore, #tpu.memory_space<semaphore_mem>>)
      %dma_wait3A_518 = tpu.memref_slice %arg4[%add3A_42, %mul3A_30] : memref<100000x64xf32, #tpu.memory_space<hbm>> -> memref<625x16xf32, #tpu.memory_space<hbm>>
      %dma_wait3A_519 = tpu.memref_slice %arg4[%add3A_42, %mul3A_30] : memref<100000x64xf32, #tpu.memory_space<hbm>> -> memref<625x16xf32, #tpu.memory_space<hbm>>
      tpu.wait_dma2 semaphore(%run_scoped3A : memref<!tpu.dma_semaphore, #tpu.memory_space<semaphore_mem>>) src(%dma_wait3A_519 : memref<625x16xf32, #tpu.memory_space<hbm>>) dst(%arg10 : memref<625x16xf32, #tpu.memory_space<vmem>>)
      tpu.yield
    }) : () -> ()
    "tpu.region"() ({
      %run_scoped3A = tpu.sem_alloc : memref<!tpu.dma_semaphore, #tpu.memory_space<semaphore_mem>>
      %dma_start3A_516 = arith.constant 0 : i32
      %dma_start3A_517 = tpu.memref_slice %arg11[%add3A_42, %dma_start3A_516] : memref<100000x16xf32, #tpu.memory_space<vmem_shared>> -> memref<625x16xf32, #tpu.memory_space<vmem_shared>>
      %dma_start3A_518 = arith.constant 0 : i32
      %dma_start3A_519 = tpu.memref_slice %arg11[%add3A_42, %dma_start3A_518] : memref<100000x16xf32, #tpu.memory_space<vmem_shared>> -> memref<625x16xf32, #tpu.memory_space<vmem_shared>>
      tpu.enqueue_dma source(%arg10 : memref<625x16xf32, #tpu.memory_space<vmem>>) target(%dma_start3A_519 : memref<625x16xf32, #tpu.memory_space<vmem_shared>>) target_semaphore(%run_scoped3A : memref<!tpu.dma_semaphore, #tpu.memory_space<semaphore_mem>>)
      %dma_wait3A_520 = arith.constant 0 : i32
      %dma_wait3A_521 = tpu.memref_slice %arg11[%add3A_42, %dma_wait3A_520] : memref<100000x16xf32, #tpu.memory_space<vmem_shared>> -> memref<625x16xf32, #tpu.memory_space<vmem_shared>>
      %dma_wait3A_522 = arith.constant 0 : i32
      %dma_wait3A_523 = tpu.memref_slice %arg11[%add3A_42, %dma_wait3A_522] : memref<100000x16xf32, #tpu.memory_space<vmem_shared>> -> memref<625x16xf32, #tpu.memory_space<vmem_shared>>
      tpu.wait_dma2 semaphore(%run_scoped3A : memref<!tpu.dma_semaphore, #tpu.memory_space<semaphore_mem>>) src(%arg10 : memref<625x16xf32, #tpu.memory_space<vmem>>) dst(%dma_wait3A_523 : memref<625x16xf32, #tpu.memory_space<vmem_shared>>)
      tpu.yield
    }) : () -> ()
    %add3A_43 = arith.constant 3750 : i32
    %add3A_44 = arith.addi %mul3A_4, %add3A_43 : i32
    "tpu.region"() ({
      %run_scoped3A = tpu.sem_alloc : memref<!tpu.dma_semaphore, #tpu.memory_space<semaphore_mem>>
      %dma_start3A_516 = tpu.memref_slice %arg4[%add3A_44, %mul3A_30] : memref<100000x64xf32, #tpu.memory_space<hbm>> -> memref<625x16xf32, #tpu.memory_space<hbm>>
      %dma_start3A_517 = tpu.memref_slice %arg4[%add3A_44, %mul3A_30] : memref<100000x64xf32, #tpu.memory_space<hbm>> -> memref<625x16xf32, #tpu.memory_space<hbm>>
      tpu.enqueue_dma source(%dma_start3A_517 : memref<625x16xf32, #tpu.memory_space<hbm>>) target(%arg10 : memref<625x16xf32, #tpu.memory_space<vmem>>) target_semaphore(%run_scoped3A : memref<!tpu.dma_semaphore, #tpu.memory_space<semaphore_mem>>)
      %dma_wait3A_518 = tpu.memref_slice %arg4[%add3A_44, %mul3A_30] : memref<100000x64xf32, #tpu.memory_space<hbm>> -> memref<625x16xf32, #tpu.memory_space<hbm>>
      %dma_wait3A_519 = tpu.memref_slice %arg4[%add3A_44, %mul3A_30] : memref<100000x64xf32, #tpu.memory_space<hbm>> -> memref<625x16xf32, #tpu.memory_space<hbm>>
      tpu.wait_dma2 semaphore(%run_scoped3A : memref<!tpu.dma_semaphore, #tpu.memory_space<semaphore_mem>>) src(%dma_wait3A_519 : memref<625x16xf32, #tpu.memory_space<hbm>>) dst(%arg10 : memref<625x16xf32, #tpu.memory_space<vmem>>)
      tpu.yield
    }) : () -> ()
    "tpu.region"() ({
      %run_scoped3A = tpu.sem_alloc : memref<!tpu.dma_semaphore, #tpu.memory_space<semaphore_mem>>
      %dma_start3A_516 = arith.constant 0 : i32
      %dma_start3A_517 = tpu.memref_slice %arg11[%add3A_44, %dma_start3A_516] : memref<100000x16xf32, #tpu.memory_space<vmem_shared>> -> memref<625x16xf32, #tpu.memory_space<vmem_shared>>
      %dma_start3A_518 = arith.constant 0 : i32
      %dma_start3A_519 = tpu.memref_slice %arg11[%add3A_44, %dma_start3A_518] : memref<100000x16xf32, #tpu.memory_space<vmem_shared>> -> memref<625x16xf32, #tpu.memory_space<vmem_shared>>
      tpu.enqueue_dma source(%arg10 : memref<625x16xf32, #tpu.memory_space<vmem>>) target(%dma_start3A_519 : memref<625x16xf32, #tpu.memory_space<vmem_shared>>) target_semaphore(%run_scoped3A : memref<!tpu.dma_semaphore, #tpu.memory_space<semaphore_mem>>)
      %dma_wait3A_520 = arith.constant 0 : i32
      %dma_wait3A_521 = tpu.memref_slice %arg11[%add3A_44, %dma_wait3A_520] : memref<100000x16xf32, #tpu.memory_space<vmem_shared>> -> memref<625x16xf32, #tpu.memory_space<vmem_shared>>
      %dma_wait3A_522 = arith.constant 0 : i32
      %dma_wait3A_523 = tpu.memref_slice %arg11[%add3A_44, %dma_wait3A_522] : memref<100000x16xf32, #tpu.memory_space<vmem_shared>> -> memref<625x16xf32, #tpu.memory_space<vmem_shared>>
      tpu.wait_dma2 semaphore(%run_scoped3A : memref<!tpu.dma_semaphore, #tpu.memory_space<semaphore_mem>>) src(%arg10 : memref<625x16xf32, #tpu.memory_space<vmem>>) dst(%dma_wait3A_523 : memref<625x16xf32, #tpu.memory_space<vmem_shared>>)
      tpu.yield
    }) : () -> ()
    %add3A_45 = arith.constant 4375 : i32
    %add3A_46 = arith.addi %mul3A_4, %add3A_45 : i32
    "tpu.region"() ({
      %run_scoped3A = tpu.sem_alloc : memref<!tpu.dma_semaphore, #tpu.memory_space<semaphore_mem>>
      %dma_start3A_516 = tpu.memref_slice %arg4[%add3A_46, %mul3A_30] : memref<100000x64xf32, #tpu.memory_space<hbm>> -> memref<625x16xf32, #tpu.memory_space<hbm>>
      %dma_start3A_517 = tpu.memref_slice %arg4[%add3A_46, %mul3A_30] : memref<100000x64xf32, #tpu.memory_space<hbm>> -> memref<625x16xf32, #tpu.memory_space<hbm>>
      tpu.enqueue_dma source(%dma_start3A_517 : memref<625x16xf32, #tpu.memory_space<hbm>>) target(%arg10 : memref<625x16xf32, #tpu.memory_space<vmem>>) target_semaphore(%run_scoped3A : memref<!tpu.dma_semaphore, #tpu.memory_space<semaphore_mem>>)
      %dma_wait3A_518 = tpu.memref_slice %arg4[%add3A_46, %mul3A_30] : memref<100000x64xf32, #tpu.memory_space<hbm>> -> memref<625x16xf32, #tpu.memory_space<hbm>>
      %dma_wait3A_519 = tpu.memref_slice %arg4[%add3A_46, %mul3A_30] : memref<100000x64xf32, #tpu.memory_space<hbm>> -> memref<625x16xf32, #tpu.memory_space<hbm>>
      tpu.wait_dma2 semaphore(%run_scoped3A : memref<!tpu.dma_semaphore, #tpu.memory_space<semaphore_mem>>) src(%dma_wait3A_519 : memref<625x16xf32, #tpu.memory_space<hbm>>) dst(%arg10 : memref<625x16xf32, #tpu.memory_space<vmem>>)
      tpu.yield
    }) : () -> ()
    "tpu.region"() ({
      %run_scoped3A = tpu.sem_alloc : memref<!tpu.dma_semaphore, #tpu.memory_space<semaphore_mem>>
      %dma_start3A_516 = arith.constant 0 : i32
      %dma_start3A_517 = tpu.memref_slice %arg11[%add3A_46, %dma_start3A_516] : memref<100000x16xf32, #tpu.memory_space<vmem_shared>> -> memref<625x16xf32, #tpu.memory_space<vmem_shared>>
      %dma_start3A_518 = arith.constant 0 : i32
      %dma_start3A_519 = tpu.memref_slice %arg11[%add3A_46, %dma_start3A_518] : memref<100000x16xf32, #tpu.memory_space<vmem_shared>> -> memref<625x16xf32, #tpu.memory_space<vmem_shared>>
      tpu.enqueue_dma source(%arg10 : memref<625x16xf32, #tpu.memory_space<vmem>>) target(%dma_start3A_519 : memref<625x16xf32, #tpu.memory_space<vmem_shared>>) target_semaphore(%run_scoped3A : memref<!tpu.dma_semaphore, #tpu.memory_space<semaphore_mem>>)
      %dma_wait3A_520 = arith.constant 0 : i32
      %dma_wait3A_521 = tpu.memref_slice %arg11[%add3A_46, %dma_wait3A_520] : memref<100000x16xf32, #tpu.memory_space<vmem_shared>> -> memref<625x16xf32, #tpu.memory_space<vmem_shared>>
      %dma_wait3A_522 = arith.constant 0 : i32
      %dma_wait3A_523 = tpu.memref_slice %arg11[%add3A_46, %dma_wait3A_522] : memref<100000x16xf32, #tpu.memory_space<vmem_shared>> -> memref<625x16xf32, #tpu.memory_space<vmem_shared>>
      tpu.wait_dma2 semaphore(%run_scoped3A : memref<!tpu.dma_semaphore, #tpu.memory_space<semaphore_mem>>) src(%arg10 : memref<625x16xf32, #tpu.memory_space<vmem>>) dst(%dma_wait3A_523 : memref<625x16xf32, #tpu.memory_space<vmem_shared>>)
      tpu.yield
    }) : () -> ()
    %add3A_47 = arith.constant 5000 : i32
    %add3A_48 = arith.addi %mul3A_4, %add3A_47 : i32
    "tpu.region"() ({
      %run_scoped3A = tpu.sem_alloc : memref<!tpu.dma_semaphore, #tpu.memory_space<semaphore_mem>>
      %dma_start3A_516 = tpu.memref_slice %arg4[%add3A_48, %mul3A_30] : memref<100000x64xf32, #tpu.memory_space<hbm>> -> memref<625x16xf32, #tpu.memory_space<hbm>>
      %dma_start3A_517 = tpu.memref_slice %arg4[%add3A_48, %mul3A_30] : memref<100000x64xf32, #tpu.memory_space<hbm>> -> memref<625x16xf32, #tpu.memory_space<hbm>>
      tpu.enqueue_dma source(%dma_start3A_517 : memref<625x16xf32, #tpu.memory_space<hbm>>) target(%arg10 : memref<625x16xf32, #tpu.memory_space<vmem>>) target_semaphore(%run_scoped3A : memref<!tpu.dma_semaphore, #tpu.memory_space<semaphore_mem>>)
      %dma_wait3A_518 = tpu.memref_slice %arg4[%add3A_48, %mul3A_30] : memref<100000x64xf32, #tpu.memory_space<hbm>> -> memref<625x16xf32, #tpu.memory_space<hbm>>
      %dma_wait3A_519 = tpu.memref_slice %arg4[%add3A_48, %mul3A_30] : memref<100000x64xf32, #tpu.memory_space<hbm>> -> memref<625x16xf32, #tpu.memory_space<hbm>>
      tpu.wait_dma2 semaphore(%run_scoped3A : memref<!tpu.dma_semaphore, #tpu.memory_space<semaphore_mem>>) src(%dma_wait3A_519 : memref<625x16xf32, #tpu.memory_space<hbm>>) dst(%arg10 : memref<625x16xf32, #tpu.memory_space<vmem>>)
      tpu.yield
    }) : () -> ()
    "tpu.region"() ({
      %run_scoped3A = tpu.sem_alloc : memref<!tpu.dma_semaphore, #tpu.memory_space<semaphore_mem>>
      %dma_start3A_516 = arith.constant 0 : i32
      %dma_start3A_517 = tpu.memref_slice %arg11[%add3A_48, %dma_start3A_516] : memref<100000x16xf32, #tpu.memory_space<vmem_shared>> -> memref<625x16xf32, #tpu.memory_space<vmem_shared>>
      %dma_start3A_518 = arith.constant 0 : i32
      %dma_start3A_519 = tpu.memref_slice %arg11[%add3A_48, %dma_start3A_518] : memref<100000x16xf32, #tpu.memory_space<vmem_shared>> -> memref<625x16xf32, #tpu.memory_space<vmem_shared>>
      tpu.enqueue_dma source(%arg10 : memref<625x16xf32, #tpu.memory_space<vmem>>) target(%dma_start3A_519 : memref<625x16xf32, #tpu.memory_space<vmem_shared>>) target_semaphore(%run_scoped3A : memref<!tpu.dma_semaphore, #tpu.memory_space<semaphore_mem>>)
      %dma_wait3A_520 = arith.constant 0 : i32
      %dma_wait3A_521 = tpu.memref_slice %arg11[%add3A_48, %dma_wait3A_520] : memref<100000x16xf32, #tpu.memory_space<vmem_shared>> -> memref<625x16xf32, #tpu.memory_space<vmem_shared>>
      %dma_wait3A_522 = arith.constant 0 : i32
      %dma_wait3A_523 = tpu.memref_slice %arg11[%add3A_48, %dma_wait3A_522] : memref<100000x16xf32, #tpu.memory_space<vmem_shared>> -> memref<625x16xf32, #tpu.memory_space<vmem_shared>>
      tpu.wait_dma2 semaphore(%run_scoped3A : memref<!tpu.dma_semaphore, #tpu.memory_space<semaphore_mem>>) src(%arg10 : memref<625x16xf32, #tpu.memory_space<vmem>>) dst(%dma_wait3A_523 : memref<625x16xf32, #tpu.memory_space<vmem_shared>>)
      tpu.yield
    }) : () -> ()
    %add3A_49 = arith.constant 5625 : i32
    %add3A_50 = arith.addi %mul3A_4, %add3A_49 : i32
    "tpu.region"() ({
      %run_scoped3A = tpu.sem_alloc : memref<!tpu.dma_semaphore, #tpu.memory_space<semaphore_mem>>
      %dma_start3A_516 = tpu.memref_slice %arg4[%add3A_50, %mul3A_30] : memref<100000x64xf32, #tpu.memory_space<hbm>> -> memref<625x16xf32, #tpu.memory_space<hbm>>
      %dma_start3A_517 = tpu.memref_slice %arg4[%add3A_50, %mul3A_30] : memref<100000x64xf32, #tpu.memory_space<hbm>> -> memref<625x16xf32, #tpu.memory_space<hbm>>
      tpu.enqueue_dma source(%dma_start3A_517 : memref<625x16xf32, #tpu.memory_space<hbm>>) target(%arg10 : memref<625x16xf32, #tpu.memory_space<vmem>>) target_semaphore(%run_scoped3A : memref<!tpu.dma_semaphore, #tpu.memory_space<semaphore_mem>>)
      %dma_wait3A_518 = tpu.memref_slice %arg4[%add3A_50, %mul3A_30] : memref<100000x64xf32, #tpu.memory_space<hbm>> -> memref<625x16xf32, #tpu.memory_space<hbm>>
      %dma_wait3A_519 = tpu.memref_slice %arg4[%add3A_50, %mul3A_30] : memref<100000x64xf32, #tpu.memory_space<hbm>> -> memref<625x16xf32, #tpu.memory_space<hbm>>
      tpu.wait_dma2 semaphore(%run_scoped3A : memref<!tpu.dma_semaphore, #tpu.memory_space<semaphore_mem>>) src(%dma_wait3A_519 : memref<625x16xf32, #tpu.memory_space<hbm>>) dst(%arg10 : memref<625x16xf32, #tpu.memory_space<vmem>>)
      tpu.yield
    }) : () -> ()
    "tpu.region"() ({
      %run_scoped3A = tpu.sem_alloc : memref<!tpu.dma_semaphore, #tpu.memory_space<semaphore_mem>>
      %dma_start3A_516 = arith.constant 0 : i32
      %dma_start3A_517 = tpu.memref_slice %arg11[%add3A_50, %dma_start3A_516] : memref<100000x16xf32, #tpu.memory_space<vmem_shared>> -> memref<625x16xf32, #tpu.memory_space<vmem_shared>>
      %dma_start3A_518 = arith.constant 0 : i32
      %dma_start3A_519 = tpu.memref_slice %arg11[%add3A_50, %dma_start3A_518] : memref<100000x16xf32, #tpu.memory_space<vmem_shared>> -> memref<625x16xf32, #tpu.memory_space<vmem_shared>>
      tpu.enqueue_dma source(%arg10 : memref<625x16xf32, #tpu.memory_space<vmem>>) target(%dma_start3A_519 : memref<625x16xf32, #tpu.memory_space<vmem_shared>>) target_semaphore(%run_scoped3A : memref<!tpu.dma_semaphore, #tpu.memory_space<semaphore_mem>>)
      %dma_wait3A_520 = arith.constant 0 : i32
      %dma_wait3A_521 = tpu.memref_slice %arg11[%add3A_50, %dma_wait3A_520] : memref<100000x16xf32, #tpu.memory_space<vmem_shared>> -> memref<625x16xf32, #tpu.memory_space<vmem_shared>>
      %dma_wait3A_522 = arith.constant 0 : i32
      %dma_wait3A_523 = tpu.memref_slice %arg11[%add3A_50, %dma_wait3A_522] : memref<100000x16xf32, #tpu.memory_space<vmem_shared>> -> memref<625x16xf32, #tpu.memory_space<vmem_shared>>
      tpu.wait_dma2 semaphore(%run_scoped3A : memref<!tpu.dma_semaphore, #tpu.memory_space<semaphore_mem>>) src(%arg10 : memref<625x16xf32, #tpu.memory_space<vmem>>) dst(%dma_wait3A_523 : memref<625x16xf32, #tpu.memory_space<vmem_shared>>)
      tpu.yield
    }) : () -> ()
    %barrier3A = arith.constant 0 : index
    tpu.barrier barrier_id(%barrier3A)
    %add3A_51 = arith.constant 0 : i32
    %add3A_52 = arith.addi %mul3A_2, %add3A_51 : i32
    %dma_wait3A = arith.constant 0 : i32
    %dma_wait3A_53 = tpu.memref_slice %arg3[%add3A_52, %dma_wait3A] : memref<6400x128xi32, #tpu.memory_space<hbm>> -> memref<4x128xi32, #tpu.memory_space<hbm>>
    %dma_wait3A_54 = arith.constant 0 : i32
    %dma_wait3A_55 = tpu.memref_slice %arg3[%add3A_52, %dma_wait3A_54] : memref<6400x128xi32, #tpu.memory_space<hbm>> -> memref<4x128xi32, #tpu.memory_space<hbm>>
    tpu.wait_dma2 semaphore(%arg12 : memref<!tpu.dma_semaphore, #tpu.memory_space<semaphore_mem>>) src(%dma_wait3A_55 : memref<4x128xi32, #tpu.memory_space<hbm>>) dst(%arg8 : memref<4x128xi32, #tpu.memory_space<vmem>>)
    %add3A_56 = arith.constant 0 : i32
    %add3A_57 = arith.addi %mul3A_0, %add3A_56 : i32
    %dma_wait3A_58 = tpu.memref_slice %arg2[%add3A_57, %mul3A_30] : memref<819200x64xf32, #tpu.memory_space<hbm>> -> memref<512x16xf32, #tpu.memory_space<hbm>>
    %dma_wait3A_59 = tpu.memref_slice %arg2[%add3A_57, %mul3A_30] : memref<819200x64xf32, #tpu.memory_space<hbm>> -> memref<512x16xf32, #tpu.memory_space<hbm>>
    tpu.wait_dma2 semaphore(%arg12 : memref<!tpu.dma_semaphore, #tpu.memory_space<semaphore_mem>>) src(%dma_wait3A_59 : memref<512x16xf32, #tpu.memory_space<hbm>>) dst(%arg6 : memref<512x16xf32, #tpu.memory_space<vmem>>)
    %dma_start3A_60 = arith.constant 0 : i32
    %dma_start3A_61 = arith.constant 0 : i32
    %dma_start3A_62 = arith.constant 0 : i32
    %dma_start3A_63 = tpu.memref_slice %arg6[%dma_start3A_61, %dma_start3A_62] : memref<512x16xf32, #tpu.memory_space<vmem>> -> memref<128x16xf32, #tpu.memory_space<vmem>>
    %dma_start3A_64 = arith.constant 0 : i32
    %dma_start3A_65 = tpu.memref_slice %arg8[%dma_start3A_60, %dma_start3A_64] : memref<4x128xi32, #tpu.memory_space<vmem>> -> memref<1x128xi32, #tpu.memory_space<vmem>>
    %dma_start3A_66 = tpu.memref_squeeze %dma_start3A_65 : memref<1x128xi32, #tpu.memory_space<vmem>> -> memref<128xi32, #tpu.memory_space<vmem>>
    %dma_start3A_67 = arith.constant 0 : i32
    %dma_start3A_68 = arith.constant 0 : i32
    %dma_start3A_69 = tpu.memref_slice %arg11[%dma_start3A_67, %dma_start3A_68] : memref<100000x16xf32, #tpu.memory_space<vmem_shared>> -> memref<100000x16xf32, #tpu.memory_space<vmem_shared>>
    tpu.enqueue_indirect_dma source(%dma_start3A_63 : memref<128x16xf32, #tpu.memory_space<vmem>>) target(%dma_start3A_69 : memref<100000x16xf32, #tpu.memory_space<vmem_shared>>) offsets(%dma_start3A_66 : memref<128xi32, #tpu.memory_space<vmem>>) semaphore(%arg14 : memref<!tpu.dma_semaphore, #tpu.memory_space<semaphore_mem>>) {add = true}
    %dma_start3A_70 = arith.constant 1 : i32
    %dma_start3A_71 = arith.constant 128 : i32
    %dma_start3A_72 = arith.constant 0 : i32
    %dma_start3A_73 = tpu.memref_slice %arg6[%dma_start3A_71, %dma_start3A_72] : memref<512x16xf32, #tpu.memory_space<vmem>> -> memref<128x16xf32, #tpu.memory_space<vmem>>
    %dma_start3A_74 = arith.constant 0 : i32
    %dma_start3A_75 = tpu.memref_slice %arg8[%dma_start3A_70, %dma_start3A_74] : memref<4x128xi32, #tpu.memory_space<vmem>> -> memref<1x128xi32, #tpu.memory_space<vmem>>
    %dma_start3A_76 = tpu.memref_squeeze %dma_start3A_75 : memref<1x128xi32, #tpu.memory_space<vmem>> -> memref<128xi32, #tpu.memory_space<vmem>>
    %dma_start3A_77 = arith.constant 0 : i32
    %dma_start3A_78 = arith.constant 0 : i32
    %dma_start3A_79 = tpu.memref_slice %arg11[%dma_start3A_77, %dma_start3A_78] : memref<100000x16xf32, #tpu.memory_space<vmem_shared>> -> memref<100000x16xf32, #tpu.memory_space<vmem_shared>>
    tpu.enqueue_indirect_dma source(%dma_start3A_73 : memref<128x16xf32, #tpu.memory_space<vmem>>) target(%dma_start3A_79 : memref<100000x16xf32, #tpu.memory_space<vmem_shared>>) offsets(%dma_start3A_76 : memref<128xi32, #tpu.memory_space<vmem>>) semaphore(%arg14 : memref<!tpu.dma_semaphore, #tpu.memory_space<semaphore_mem>>) {add = true}
    %dma_start3A_80 = arith.constant 2 : i32
    %dma_start3A_81 = arith.constant 256 : i32
    %dma_start3A_82 = arith.constant 0 : i32
    %dma_start3A_83 = tpu.memref_slice %arg6[%dma_start3A_81, %dma_start3A_82] : memref<512x16xf32, #tpu.memory_space<vmem>> -> memref<128x16xf32, #tpu.memory_space<vmem>>
    %dma_start3A_84 = arith.constant 0 : i32
    %dma_start3A_85 = tpu.memref_slice %arg8[%dma_start3A_80, %dma_start3A_84] : memref<4x128xi32, #tpu.memory_space<vmem>> -> memref<1x128xi32, #tpu.memory_space<vmem>>
    %dma_start3A_86 = tpu.memref_squeeze %dma_start3A_85 : memref<1x128xi32, #tpu.memory_space<vmem>> -> memref<128xi32, #tpu.memory_space<vmem>>
    %dma_start3A_87 = arith.constant 0 : i32
    %dma_start3A_88 = arith.constant 0 : i32
    %dma_start3A_89 = tpu.memref_slice %arg11[%dma_start3A_87, %dma_start3A_88] : memref<100000x16xf32, #tpu.memory_space<vmem_shared>> -> memref<100000x16xf32, #tpu.memory_space<vmem_shared>>
    tpu.enqueue_indirect_dma source(%dma_start3A_83 : memref<128x16xf32, #tpu.memory_space<vmem>>) target(%dma_start3A_89 : memref<100000x16xf32, #tpu.memory_space<vmem_shared>>) offsets(%dma_start3A_86 : memref<128xi32, #tpu.memory_space<vmem>>) semaphore(%arg14 : memref<!tpu.dma_semaphore, #tpu.memory_space<semaphore_mem>>) {add = true}
    %dma_start3A_90 = arith.constant 3 : i32
    %dma_start3A_91 = arith.constant 384 : i32
    %dma_start3A_92 = arith.constant 0 : i32
    %dma_start3A_93 = tpu.memref_slice %arg6[%dma_start3A_91, %dma_start3A_92] : memref<512x16xf32, #tpu.memory_space<vmem>> -> memref<128x16xf32, #tpu.memory_space<vmem>>
    %dma_start3A_94 = arith.constant 0 : i32
    %dma_start3A_95 = tpu.memref_slice %arg8[%dma_start3A_90, %dma_start3A_94] : memref<4x128xi32, #tpu.memory_space<vmem>> -> memref<1x128xi32, #tpu.memory_space<vmem>>
    %dma_start3A_96 = tpu.memref_squeeze %dma_start3A_95 : memref<1x128xi32, #tpu.memory_space<vmem>> -> memref<128xi32, #tpu.memory_space<vmem>>
    %dma_start3A_97 = arith.constant 0 : i32
    %dma_start3A_98 = arith.constant 0 : i32
    %dma_start3A_99 = tpu.memref_slice %arg11[%dma_start3A_97, %dma_start3A_98] : memref<100000x16xf32, #tpu.memory_space<vmem_shared>> -> memref<100000x16xf32, #tpu.memory_space<vmem_shared>>
    tpu.enqueue_indirect_dma source(%dma_start3A_93 : memref<128x16xf32, #tpu.memory_space<vmem>>) target(%dma_start3A_99 : memref<100000x16xf32, #tpu.memory_space<vmem_shared>>) offsets(%dma_start3A_96 : memref<128xi32, #tpu.memory_space<vmem>>) semaphore(%arg14 : memref<!tpu.dma_semaphore, #tpu.memory_space<semaphore_mem>>) {add = true}
    %scan3A = arith.constant 0 : i32
    %scan3A_100 = arith.constant 0 : i32
    %scan3A_101 = arith.constant 49 : i32
    %scan3A_102 = arith.addi %scan3A_100, %scan3A_101 : i32
    %scan3A_103 = arith.constant 1 : i32
    scf.for %scan3A_516 = %scan3A_100 to %scan3A_102 step %scan3A_103  : i32 {
      %mul3A_517 = arith.constant 2 : i32
      %mul3A_518 = arith.muli %mul3A_517, %scan3A_516 : i32
      %add3A_519 = arith.constant 1 : i32
      %add3A_520 = arith.addi %mul3A_518, %add3A_519 : i32
      %mul3A_521 = arith.constant 4 : i32
      %mul3A_522 = arith.muli %add3A_520, %mul3A_521 : i32
      %add3A_523 = arith.addi %mul3A_2, %mul3A_522 : i32
      %dma_wait3A_524 = arith.constant 0 : i32
      %dma_wait3A_525 = tpu.memref_slice %arg3[%add3A_523, %dma_wait3A_524] : memref<6400x128xi32, #tpu.memory_space<hbm>> -> memref<4x128xi32, #tpu.memory_space<hbm>>
      %dma_wait3A_526 = arith.constant 0 : i32
      %dma_wait3A_527 = tpu.memref_slice %arg3[%add3A_523, %dma_wait3A_526] : memref<6400x128xi32, #tpu.memory_space<hbm>> -> memref<4x128xi32, #tpu.memory_space<hbm>>
      tpu.wait_dma2 semaphore(%arg13 : memref<!tpu.dma_semaphore, #tpu.memory_space<semaphore_mem>>) src(%dma_wait3A_527 : memref<4x128xi32, #tpu.memory_space<hbm>>) dst(%arg9 : memref<4x128xi32, #tpu.memory_space<vmem>>)
      %mul3A_528 = arith.constant 512 : i32
      %mul3A_529 = arith.muli %add3A_520, %mul3A_528 : i32
      %add3A_530 = arith.addi %mul3A_0, %mul3A_529 : i32
      %dma_wait3A_531 = tpu.memref_slice %arg2[%add3A_530, %mul3A_30] : memref<819200x64xf32, #tpu.memory_space<hbm>> -> memref<512x16xf32, #tpu.memory_space<hbm>>
      %dma_wait3A_532 = tpu.memref_slice %arg2[%add3A_530, %mul3A_30] : memref<819200x64xf32, #tpu.memory_space<hbm>> -> memref<512x16xf32, #tpu.memory_space<hbm>>
      tpu.wait_dma2 semaphore(%arg13 : memref<!tpu.dma_semaphore, #tpu.memory_space<semaphore_mem>>) src(%dma_wait3A_532 : memref<512x16xf32, #tpu.memory_space<hbm>>) dst(%arg7 : memref<512x16xf32, #tpu.memory_space<vmem>>)
      %dma_start3A_533 = arith.constant 0 : i32
      %dma_start3A_534 = arith.constant 0 : i32
      %dma_start3A_535 = arith.constant 0 : i32
      %dma_start3A_536 = tpu.memref_slice %arg7[%dma_start3A_534, %dma_start3A_535] : memref<512x16xf32, #tpu.memory_space<vmem>> -> memref<128x16xf32, #tpu.memory_space<vmem>>
      %dma_start3A_537 = arith.constant 0 : i32
      %dma_start3A_538 = tpu.memref_slice %arg9[%dma_start3A_533, %dma_start3A_537] : memref<4x128xi32, #tpu.memory_space<vmem>> -> memref<1x128xi32, #tpu.memory_space<vmem>>
      %dma_start3A_539 = tpu.memref_squeeze %dma_start3A_538 : memref<1x128xi32, #tpu.memory_space<vmem>> -> memref<128xi32, #tpu.memory_space<vmem>>
      %dma_start3A_540 = arith.constant 0 : i32
      %dma_start3A_541 = arith.constant 0 : i32
      %dma_start3A_542 = tpu.memref_slice %arg11[%dma_start3A_540, %dma_start3A_541] : memref<100000x16xf32, #tpu.memory_space<vmem_shared>> -> memref<100000x16xf32, #tpu.memory_space<vmem_shared>>
      tpu.enqueue_indirect_dma source(%dma_start3A_536 : memref<128x16xf32, #tpu.memory_space<vmem>>) target(%dma_start3A_542 : memref<100000x16xf32, #tpu.memory_space<vmem_shared>>) offsets(%dma_start3A_539 : memref<128xi32, #tpu.memory_space<vmem>>) semaphore(%arg15 : memref<!tpu.dma_semaphore, #tpu.memory_space<semaphore_mem>>) {add = true}
      %dma_start3A_543 = arith.constant 1 : i32
      %dma_start3A_544 = arith.constant 128 : i32
      %dma_start3A_545 = arith.constant 0 : i32
      %dma_start3A_546 = tpu.memref_slice %arg7[%dma_start3A_544, %dma_start3A_545] : memref<512x16xf32, #tpu.memory_space<vmem>> -> memref<128x16xf32, #tpu.memory_space<vmem>>
      %dma_start3A_547 = arith.constant 0 : i32
      %dma_start3A_548 = tpu.memref_slice %arg9[%dma_start3A_543, %dma_start3A_547] : memref<4x128xi32, #tpu.memory_space<vmem>> -> memref<1x128xi32, #tpu.memory_space<vmem>>
      %dma_start3A_549 = tpu.memref_squeeze %dma_start3A_548 : memref<1x128xi32, #tpu.memory_space<vmem>> -> memref<128xi32, #tpu.memory_space<vmem>>
      %dma_start3A_550 = arith.constant 0 : i32
      %dma_start3A_551 = arith.constant 0 : i32
      %dma_start3A_552 = tpu.memref_slice %arg11[%dma_start3A_550, %dma_start3A_551] : memref<100000x16xf32, #tpu.memory_space<vmem_shared>> -> memref<100000x16xf32, #tpu.memory_space<vmem_shared>>
      tpu.enqueue_indirect_dma source(%dma_start3A_546 : memref<128x16xf32, #tpu.memory_space<vmem>>) target(%dma_start3A_552 : memref<100000x16xf32, #tpu.memory_space<vmem_shared>>) offsets(%dma_start3A_549 : memref<128xi32, #tpu.memory_space<vmem>>) semaphore(%arg15 : memref<!tpu.dma_semaphore, #tpu.memory_space<semaphore_mem>>) {add = true}
      %dma_start3A_553 = arith.constant 2 : i32
      %dma_start3A_554 = arith.constant 256 : i32
      %dma_start3A_555 = arith.constant 0 : i32
      %dma_start3A_556 = tpu.memref_slice %arg7[%dma_start3A_554, %dma_start3A_555] : memref<512x16xf32, #tpu.memory_space<vmem>> -> memref<128x16xf32, #tpu.memory_space<vmem>>
      %dma_start3A_557 = arith.constant 0 : i32
      %dma_start3A_558 = tpu.memref_slice %arg9[%dma_start3A_553, %dma_start3A_557] : memref<4x128xi32, #tpu.memory_space<vmem>> -> memref<1x128xi32, #tpu.memory_space<vmem>>
      %dma_start3A_559 = tpu.memref_squeeze %dma_start3A_558 : memref<1x128xi32, #tpu.memory_space<vmem>> -> memref<128xi32, #tpu.memory_space<vmem>>
      %dma_start3A_560 = arith.constant 0 : i32
      %dma_start3A_561 = arith.constant 0 : i32
      %dma_start3A_562 = tpu.memref_slice %arg11[%dma_start3A_560, %dma_start3A_561] : memref<100000x16xf32, #tpu.memory_space<vmem_shared>> -> memref<100000x16xf32, #tpu.memory_space<vmem_shared>>
      tpu.enqueue_indirect_dma source(%dma_start3A_556 : memref<128x16xf32, #tpu.memory_space<vmem>>) target(%dma_start3A_562 : memref<100000x16xf32, #tpu.memory_space<vmem_shared>>) offsets(%dma_start3A_559 : memref<128xi32, #tpu.memory_space<vmem>>) semaphore(%arg15 : memref<!tpu.dma_semaphore, #tpu.memory_space<semaphore_mem>>) {add = true}
      %dma_start3A_563 = arith.constant 3 : i32
      %dma_start3A_564 = arith.constant 384 : i32
      %dma_start3A_565 = arith.constant 0 : i32
      %dma_start3A_566 = tpu.memref_slice %arg7[%dma_start3A_564, %dma_start3A_565] : memref<512x16xf32, #tpu.memory_space<vmem>> -> memref<128x16xf32, #tpu.memory_space<vmem>>
      %dma_start3A_567 = arith.constant 0 : i32
      %dma_start3A_568 = tpu.memref_slice %arg9[%dma_start3A_563, %dma_start3A_567] : memref<4x128xi32, #tpu.memory_space<vmem>> -> memref<1x128xi32, #tpu.memory_space<vmem>>
      %dma_start3A_569 = tpu.memref_squeeze %dma_start3A_568 : memref<1x128xi32, #tpu.memory_space<vmem>> -> memref<128xi32, #tpu.memory_space<vmem>>
      %dma_start3A_570 = arith.constant 0 : i32
      %dma_start3A_571 = arith.constant 0 : i32
      %dma_start3A_572 = tpu.memref_slice %arg11[%dma_start3A_570, %dma_start3A_571] : memref<100000x16xf32, #tpu.memory_space<vmem_shared>> -> memref<100000x16xf32, #tpu.memory_space<vmem_shared>>
      tpu.enqueue_indirect_dma source(%dma_start3A_566 : memref<128x16xf32, #tpu.memory_space<vmem>>) target(%dma_start3A_572 : memref<100000x16xf32, #tpu.memory_space<vmem_shared>>) offsets(%dma_start3A_569 : memref<128xi32, #tpu.memory_space<vmem>>) semaphore(%arg15 : memref<!tpu.dma_semaphore, #tpu.memory_space<semaphore_mem>>) {add = true}
      %dma_wait3A_573 = arith.constant 0 : i32
      %dma_wait3A_574 = arith.constant 0 : i32
      %dma_wait3A_575 = arith.constant 0 : i32
      %dma_wait3A_576 = tpu.memref_slice %arg6[%dma_wait3A_574, %dma_wait3A_575] : memref<512x16xf32, #tpu.memory_space<vmem>> -> memref<128x16xf32, #tpu.memory_space<vmem>>
      %dma_wait3A_577 = arith.constant 0 : i32
      %dma_wait3A_578 = tpu.memref_slice %arg8[%dma_wait3A_573, %dma_wait3A_577] : memref<4x128xi32, #tpu.memory_space<vmem>> -> memref<1x128xi32, #tpu.memory_space<vmem>>
      %dma_wait3A_579 = tpu.memref_squeeze %dma_wait3A_578 : memref<1x128xi32, #tpu.memory_space<vmem>> -> memref<128xi32, #tpu.memory_space<vmem>>
      %dma_wait3A_580 = arith.constant 0 : i32
      %dma_wait3A_581 = arith.constant 0 : i32
      %dma_wait3A_582 = tpu.memref_slice %arg11[%dma_wait3A_580, %dma_wait3A_581] : memref<100000x16xf32, #tpu.memory_space<vmem_shared>> -> memref<100000x16xf32, #tpu.memory_space<vmem_shared>>
      tpu.wait_indirect_dma semaphore(%arg14 : memref<!tpu.dma_semaphore, #tpu.memory_space<semaphore_mem>>) src(%dma_wait3A_576 : memref<128x16xf32, #tpu.memory_space<vmem>>) dst(%dma_wait3A_582 : memref<100000x16xf32, #tpu.memory_space<vmem_shared>>)
      %dma_wait3A_583 = arith.constant 1 : i32
      %dma_wait3A_584 = arith.constant 128 : i32
      %dma_wait3A_585 = arith.constant 0 : i32
      %dma_wait3A_586 = tpu.memref_slice %arg6[%dma_wait3A_584, %dma_wait3A_585] : memref<512x16xf32, #tpu.memory_space<vmem>> -> memref<128x16xf32, #tpu.memory_space<vmem>>
      %dma_wait3A_587 = arith.constant 0 : i32
      %dma_wait3A_588 = tpu.memref_slice %arg8[%dma_wait3A_583, %dma_wait3A_587] : memref<4x128xi32, #tpu.memory_space<vmem>> -> memref<1x128xi32, #tpu.memory_space<vmem>>
      %dma_wait3A_589 = tpu.memref_squeeze %dma_wait3A_588 : memref<1x128xi32, #tpu.memory_space<vmem>> -> memref<128xi32, #tpu.memory_space<vmem>>
      %dma_wait3A_590 = arith.constant 0 : i32
      %dma_wait3A_591 = arith.constant 0 : i32
      %dma_wait3A_592 = tpu.memref_slice %arg11[%dma_wait3A_590, %dma_wait3A_591] : memref<100000x16xf32, #tpu.memory_space<vmem_shared>> -> memref<100000x16xf32, #tpu.memory_space<vmem_shared>>
      tpu.wait_indirect_dma semaphore(%arg14 : memref<!tpu.dma_semaphore, #tpu.memory_space<semaphore_mem>>) src(%dma_wait3A_586 : memref<128x16xf32, #tpu.memory_space<vmem>>) dst(%dma_wait3A_592 : memref<100000x16xf32, #tpu.memory_space<vmem_shared>>)
      %dma_wait3A_593 = arith.constant 2 : i32
      %dma_wait3A_594 = arith.constant 256 : i32
      %dma_wait3A_595 = arith.constant 0 : i32
      %dma_wait3A_596 = tpu.memref_slice %arg6[%dma_wait3A_594, %dma_wait3A_595] : memref<512x16xf32, #tpu.memory_space<vmem>> -> memref<128x16xf32, #tpu.memory_space<vmem>>
      %dma_wait3A_597 = arith.constant 0 : i32
      %dma_wait3A_598 = tpu.memref_slice %arg8[%dma_wait3A_593, %dma_wait3A_597] : memref<4x128xi32, #tpu.memory_space<vmem>> -> memref<1x128xi32, #tpu.memory_space<vmem>>
      %dma_wait3A_599 = tpu.memref_squeeze %dma_wait3A_598 : memref<1x128xi32, #tpu.memory_space<vmem>> -> memref<128xi32, #tpu.memory_space<vmem>>
      %dma_wait3A_600 = arith.constant 0 : i32
      %dma_wait3A_601 = arith.constant 0 : i32
      %dma_wait3A_602 = tpu.memref_slice %arg11[%dma_wait3A_600, %dma_wait3A_601] : memref<100000x16xf32, #tpu.memory_space<vmem_shared>> -> memref<100000x16xf32, #tpu.memory_space<vmem_shared>>
      tpu.wait_indirect_dma semaphore(%arg14 : memref<!tpu.dma_semaphore, #tpu.memory_space<semaphore_mem>>) src(%dma_wait3A_596 : memref<128x16xf32, #tpu.memory_space<vmem>>) dst(%dma_wait3A_602 : memref<100000x16xf32, #tpu.memory_space<vmem_shared>>)
      %dma_wait3A_603 = arith.constant 3 : i32
      %dma_wait3A_604 = arith.constant 384 : i32
      %dma_wait3A_605 = arith.constant 0 : i32
      %dma_wait3A_606 = tpu.memref_slice %arg6[%dma_wait3A_604, %dma_wait3A_605] : memref<512x16xf32, #tpu.memory_space<vmem>> -> memref<128x16xf32, #tpu.memory_space<vmem>>
      %dma_wait3A_607 = arith.constant 0 : i32
      %dma_wait3A_608 = tpu.memref_slice %arg8[%dma_wait3A_603, %dma_wait3A_607] : memref<4x128xi32, #tpu.memory_space<vmem>> -> memref<1x128xi32, #tpu.memory_space<vmem>>
      %dma_wait3A_609 = tpu.memref_squeeze %dma_wait3A_608 : memref<1x128xi32, #tpu.memory_space<vmem>> -> memref<128xi32, #tpu.memory_space<vmem>>
      %dma_wait3A_610 = arith.constant 0 : i32
      %dma_wait3A_611 = arith.constant 0 : i32
      %dma_wait3A_612 = tpu.memref_slice %arg11[%dma_wait3A_610, %dma_wait3A_611] : memref<100000x16xf32, #tpu.memory_space<vmem_shared>> -> memref<100000x16xf32, #tpu.memory_space<vmem_shared>>
      tpu.wait_indirect_dma semaphore(%arg14 : memref<!tpu.dma_semaphore, #tpu.memory_space<semaphore_mem>>) src(%dma_wait3A_606 : memref<128x16xf32, #tpu.memory_space<vmem>>) dst(%dma_wait3A_612 : memref<100000x16xf32, #tpu.memory_space<vmem_shared>>)
      %add3A_613 = arith.constant 2 : i32
      %add3A_614 = arith.addi %mul3A_518, %add3A_613 : i32
      %mul3A_615 = arith.constant 4 : i32
      %mul3A_616 = arith.muli %add3A_614, %mul3A_615 : i32
      %add3A_617 = arith.addi %mul3A_2, %mul3A_616 : i32
      %dma_start3A_618 = arith.constant 0 : i32
      %dma_start3A_619 = tpu.memref_slice %arg3[%add3A_617, %dma_start3A_618] : memref<6400x128xi32, #tpu.memory_space<hbm>> -> memref<4x128xi32, #tpu.memory_space<hbm>>
      %dma_start3A_620 = arith.constant 0 : i32
      %dma_start3A_621 = tpu.memref_slice %arg3[%add3A_617, %dma_start3A_620] : memref<6400x128xi32, #tpu.memory_space<hbm>> -> memref<4x128xi32, #tpu.memory_space<hbm>>
      tpu.enqueue_dma source(%dma_start3A_621 : memref<4x128xi32, #tpu.memory_space<hbm>>) target(%arg8 : memref<4x128xi32, #tpu.memory_space<vmem>>) target_semaphore(%arg12 : memref<!tpu.dma_semaphore, #tpu.memory_space<semaphore_mem>>)
      %mul3A_622 = arith.constant 512 : i32
      %mul3A_623 = arith.muli %add3A_614, %mul3A_622 : i32
      %add3A_624 = arith.addi %mul3A_0, %mul3A_623 : i32
      %dma_start3A_625 = tpu.memref_slice %arg2[%add3A_624, %mul3A_30] : memref<819200x64xf32, #tpu.memory_space<hbm>> -> memref<512x16xf32, #tpu.memory_space<hbm>>
      %dma_start3A_626 = tpu.memref_slice %arg2[%add3A_624, %mul3A_30] : memref<819200x64xf32, #tpu.memory_space<hbm>> -> memref<512x16xf32, #tpu.memory_space<hbm>>
      tpu.enqueue_dma source(%dma_start3A_626 : memref<512x16xf32, #tpu.memory_space<hbm>>) target(%arg6 : memref<512x16xf32, #tpu.memory_space<vmem>>) target_semaphore(%arg12 : memref<!tpu.dma_semaphore, #tpu.memory_space<semaphore_mem>>)
      %add3A_627 = arith.constant 2 : i32
      %add3A_628 = arith.addi %mul3A_518, %add3A_627 : i32
      %mul3A_629 = arith.constant 4 : i32
      %mul3A_630 = arith.muli %add3A_628, %mul3A_629 : i32
      %add3A_631 = arith.addi %mul3A_2, %mul3A_630 : i32
      %dma_wait3A_632 = arith.constant 0 : i32
      %dma_wait3A_633 = tpu.memref_slice %arg3[%add3A_631, %dma_wait3A_632] : memref<6400x128xi32, #tpu.memory_space<hbm>> -> memref<4x128xi32, #tpu.memory_space<hbm>>
      %dma_wait3A_634 = arith.constant 0 : i32
      %dma_wait3A_635 = tpu.memref_slice %arg3[%add3A_631, %dma_wait3A_634] : memref<6400x128xi32, #tpu.memory_space<hbm>> -> memref<4x128xi32, #tpu.memory_space<hbm>>
      tpu.wait_dma2 semaphore(%arg12 : memref<!tpu.dma_semaphore, #tpu.memory_space<semaphore_mem>>) src(%dma_wait3A_635 : memref<4x128xi32, #tpu.memory_space<hbm>>) dst(%arg8 : memref<4x128xi32, #tpu.memory_space<vmem>>)
      %mul3A_636 = arith.constant 512 : i32
      %mul3A_637 = arith.muli %add3A_628, %mul3A_636 : i32
      %add3A_638 = arith.addi %mul3A_0, %mul3A_637 : i32
      %dma_wait3A_639 = tpu.memref_slice %arg2[%add3A_638, %mul3A_30] : memref<819200x64xf32, #tpu.memory_space<hbm>> -> memref<512x16xf32, #tpu.memory_space<hbm>>
      %dma_wait3A_640 = tpu.memref_slice %arg2[%add3A_638, %mul3A_30] : memref<819200x64xf32, #tpu.memory_space<hbm>> -> memref<512x16xf32, #tpu.memory_space<hbm>>
      tpu.wait_dma2 semaphore(%arg12 : memref<!tpu.dma_semaphore, #tpu.memory_space<semaphore_mem>>) src(%dma_wait3A_640 : memref<512x16xf32, #tpu.memory_space<hbm>>) dst(%arg6 : memref<512x16xf32, #tpu.memory_space<vmem>>)
      %dma_start3A_641 = arith.constant 0 : i32
      %dma_start3A_642 = arith.constant 0 : i32
      %dma_start3A_643 = arith.constant 0 : i32
      %dma_start3A_644 = tpu.memref_slice %arg6[%dma_start3A_642, %dma_start3A_643] : memref<512x16xf32, #tpu.memory_space<vmem>> -> memref<128x16xf32, #tpu.memory_space<vmem>>
      %dma_start3A_645 = arith.constant 0 : i32
      %dma_start3A_646 = tpu.memref_slice %arg8[%dma_start3A_641, %dma_start3A_645] : memref<4x128xi32, #tpu.memory_space<vmem>> -> memref<1x128xi32, #tpu.memory_space<vmem>>
      %dma_start3A_647 = tpu.memref_squeeze %dma_start3A_646 : memref<1x128xi32, #tpu.memory_space<vmem>> -> memref<128xi32, #tpu.memory_space<vmem>>
      %dma_start3A_648 = arith.constant 0 : i32
      %dma_start3A_649 = arith.constant 0 : i32
      %dma_start3A_650 = tpu.memref_slice %arg11[%dma_start3A_648, %dma_start3A_649] : memref<100000x16xf32, #tpu.memory_space<vmem_shared>> -> memref<100000x16xf32, #tpu.memory_space<vmem_shared>>
      tpu.enqueue_indirect_dma source(%dma_start3A_644 : memref<128x16xf32, #tpu.memory_space<vmem>>) target(%dma_start3A_650 : memref<100000x16xf32, #tpu.memory_space<vmem_shared>>) offsets(%dma_start3A_647 : memref<128xi32, #tpu.memory_space<vmem>>) semaphore(%arg14 : memref<!tpu.dma_semaphore, #tpu.memory_space<semaphore_mem>>) {add = true}
      %dma_start3A_651 = arith.constant 1 : i32
      %dma_start3A_652 = arith.constant 128 : i32
      %dma_start3A_653 = arith.constant 0 : i32
      %dma_start3A_654 = tpu.memref_slice %arg6[%dma_start3A_652, %dma_start3A_653] : memref<512x16xf32, #tpu.memory_space<vmem>> -> memref<128x16xf32, #tpu.memory_space<vmem>>
      %dma_start3A_655 = arith.constant 0 : i32
      %dma_start3A_656 = tpu.memref_slice %arg8[%dma_start3A_651, %dma_start3A_655] : memref<4x128xi32, #tpu.memory_space<vmem>> -> memref<1x128xi32, #tpu.memory_space<vmem>>
      %dma_start3A_657 = tpu.memref_squeeze %dma_start3A_656 : memref<1x128xi32, #tpu.memory_space<vmem>> -> memref<128xi32, #tpu.memory_space<vmem>>
      %dma_start3A_658 = arith.constant 0 : i32
      %dma_start3A_659 = arith.constant 0 : i32
      %dma_start3A_660 = tpu.memref_slice %arg11[%dma_start3A_658, %dma_start3A_659] : memref<100000x16xf32, #tpu.memory_space<vmem_shared>> -> memref<100000x16xf32, #tpu.memory_space<vmem_shared>>
      tpu.enqueue_indirect_dma source(%dma_start3A_654 : memref<128x16xf32, #tpu.memory_space<vmem>>) target(%dma_start3A_660 : memref<100000x16xf32, #tpu.memory_space<vmem_shared>>) offsets(%dma_start3A_657 : memref<128xi32, #tpu.memory_space<vmem>>) semaphore(%arg14 : memref<!tpu.dma_semaphore, #tpu.memory_space<semaphore_mem>>) {add = true}
      %dma_start3A_661 = arith.constant 2 : i32
      %dma_start3A_662 = arith.constant 256 : i32
      %dma_start3A_663 = arith.constant 0 : i32
      %dma_start3A_664 = tpu.memref_slice %arg6[%dma_start3A_662, %dma_start3A_663] : memref<512x16xf32, #tpu.memory_space<vmem>> -> memref<128x16xf32, #tpu.memory_space<vmem>>
      %dma_start3A_665 = arith.constant 0 : i32
      %dma_start3A_666 = tpu.memref_slice %arg8[%dma_start3A_661, %dma_start3A_665] : memref<4x128xi32, #tpu.memory_space<vmem>> -> memref<1x128xi32, #tpu.memory_space<vmem>>
      %dma_start3A_667 = tpu.memref_squeeze %dma_start3A_666 : memref<1x128xi32, #tpu.memory_space<vmem>> -> memref<128xi32, #tpu.memory_space<vmem>>
      %dma_start3A_668 = arith.constant 0 : i32
      %dma_start3A_669 = arith.constant 0 : i32
      %dma_start3A_670 = tpu.memref_slice %arg11[%dma_start3A_668, %dma_start3A_669] : memref<100000x16xf32, #tpu.memory_space<vmem_shared>> -> memref<100000x16xf32, #tpu.memory_space<vmem_shared>>
      tpu.enqueue_indirect_dma source(%dma_start3A_664 : memref<128x16xf32, #tpu.memory_space<vmem>>) target(%dma_start3A_670 : memref<100000x16xf32, #tpu.memory_space<vmem_shared>>) offsets(%dma_start3A_667 : memref<128xi32, #tpu.memory_space<vmem>>) semaphore(%arg14 : memref<!tpu.dma_semaphore, #tpu.memory_space<semaphore_mem>>) {add = true}
      %dma_start3A_671 = arith.constant 3 : i32
      %dma_start3A_672 = arith.constant 384 : i32
      %dma_start3A_673 = arith.constant 0 : i32
      %dma_start3A_674 = tpu.memref_slice %arg6[%dma_start3A_672, %dma_start3A_673] : memref<512x16xf32, #tpu.memory_space<vmem>> -> memref<128x16xf32, #tpu.memory_space<vmem>>
      %dma_start3A_675 = arith.constant 0 : i32
      %dma_start3A_676 = tpu.memref_slice %arg8[%dma_start3A_671, %dma_start3A_675] : memref<4x128xi32, #tpu.memory_space<vmem>> -> memref<1x128xi32, #tpu.memory_space<vmem>>
      %dma_start3A_677 = tpu.memref_squeeze %dma_start3A_676 : memref<1x128xi32, #tpu.memory_space<vmem>> -> memref<128xi32, #tpu.memory_space<vmem>>
      %dma_start3A_678 = arith.constant 0 : i32
      %dma_start3A_679 = arith.constant 0 : i32
      %dma_start3A_680 = tpu.memref_slice %arg11[%dma_start3A_678, %dma_start3A_679] : memref<100000x16xf32, #tpu.memory_space<vmem_shared>> -> memref<100000x16xf32, #tpu.memory_space<vmem_shared>>
      tpu.enqueue_indirect_dma source(%dma_start3A_674 : memref<128x16xf32, #tpu.memory_space<vmem>>) target(%dma_start3A_680 : memref<100000x16xf32, #tpu.memory_space<vmem_shared>>) offsets(%dma_start3A_677 : memref<128xi32, #tpu.memory_space<vmem>>) semaphore(%arg14 : memref<!tpu.dma_semaphore, #tpu.memory_space<semaphore_mem>>) {add = true}
      %dma_wait3A_681 = arith.constant 0 : i32
      %dma_wait3A_682 = arith.constant 0 : i32
      %dma_wait3A_683 = arith.constant 0 : i32
      %dma_wait3A_684 = tpu.memref_slice %arg7[%dma_wait3A_682, %dma_wait3A_683] : memref<512x16xf32, #tpu.memory_space<vmem>> -> memref<128x16xf32, #tpu.memory_space<vmem>>
      %dma_wait3A_685 = arith.constant 0 : i32
      %dma_wait3A_686 = tpu.memref_slice %arg9[%dma_wait3A_681, %dma_wait3A_685] : memref<4x128xi32, #tpu.memory_space<vmem>> -> memref<1x128xi32, #tpu.memory_space<vmem>>
      %dma_wait3A_687 = tpu.memref_squeeze %dma_wait3A_686 : memref<1x128xi32, #tpu.memory_space<vmem>> -> memref<128xi32, #tpu.memory_space<vmem>>
      %dma_wait3A_688 = arith.constant 0 : i32
      %dma_wait3A_689 = arith.constant 0 : i32
      %dma_wait3A_690 = tpu.memref_slice %arg11[%dma_wait3A_688, %dma_wait3A_689] : memref<100000x16xf32, #tpu.memory_space<vmem_shared>> -> memref<100000x16xf32, #tpu.memory_space<vmem_shared>>
      tpu.wait_indirect_dma semaphore(%arg15 : memref<!tpu.dma_semaphore, #tpu.memory_space<semaphore_mem>>) src(%dma_wait3A_684 : memref<128x16xf32, #tpu.memory_space<vmem>>) dst(%dma_wait3A_690 : memref<100000x16xf32, #tpu.memory_space<vmem_shared>>)
      %dma_wait3A_691 = arith.constant 1 : i32
      %dma_wait3A_692 = arith.constant 128 : i32
      %dma_wait3A_693 = arith.constant 0 : i32
      %dma_wait3A_694 = tpu.memref_slice %arg7[%dma_wait3A_692, %dma_wait3A_693] : memref<512x16xf32, #tpu.memory_space<vmem>> -> memref<128x16xf32, #tpu.memory_space<vmem>>
      %dma_wait3A_695 = arith.constant 0 : i32
      %dma_wait3A_696 = tpu.memref_slice %arg9[%dma_wait3A_691, %dma_wait3A_695] : memref<4x128xi32, #tpu.memory_space<vmem>> -> memref<1x128xi32, #tpu.memory_space<vmem>>
      %dma_wait3A_697 = tpu.memref_squeeze %dma_wait3A_696 : memref<1x128xi32, #tpu.memory_space<vmem>> -> memref<128xi32, #tpu.memory_space<vmem>>
      %dma_wait3A_698 = arith.constant 0 : i32
      %dma_wait3A_699 = arith.constant 0 : i32
      %dma_wait3A_700 = tpu.memref_slice %arg11[%dma_wait3A_698, %dma_wait3A_699] : memref<100000x16xf32, #tpu.memory_space<vmem_shared>> -> memref<100000x16xf32, #tpu.memory_space<vmem_shared>>
      tpu.wait_indirect_dma semaphore(%arg15 : memref<!tpu.dma_semaphore, #tpu.memory_space<semaphore_mem>>) src(%dma_wait3A_694 : memref<128x16xf32, #tpu.memory_space<vmem>>) dst(%dma_wait3A_700 : memref<100000x16xf32, #tpu.memory_space<vmem_shared>>)
      %dma_wait3A_701 = arith.constant 2 : i32
      %dma_wait3A_702 = arith.constant 256 : i32
      %dma_wait3A_703 = arith.constant 0 : i32
      %dma_wait3A_704 = tpu.memref_slice %arg7[%dma_wait3A_702, %dma_wait3A_703] : memref<512x16xf32, #tpu.memory_space<vmem>> -> memref<128x16xf32, #tpu.memory_space<vmem>>
      %dma_wait3A_705 = arith.constant 0 : i32
      %dma_wait3A_706 = tpu.memref_slice %arg9[%dma_wait3A_701, %dma_wait3A_705] : memref<4x128xi32, #tpu.memory_space<vmem>> -> memref<1x128xi32, #tpu.memory_space<vmem>>
      %dma_wait3A_707 = tpu.memref_squeeze %dma_wait3A_706 : memref<1x128xi32, #tpu.memory_space<vmem>> -> memref<128xi32, #tpu.memory_space<vmem>>
      %dma_wait3A_708 = arith.constant 0 : i32
      %dma_wait3A_709 = arith.constant 0 : i32
      %dma_wait3A_710 = tpu.memref_slice %arg11[%dma_wait3A_708, %dma_wait3A_709] : memref<100000x16xf32, #tpu.memory_space<vmem_shared>> -> memref<100000x16xf32, #tpu.memory_space<vmem_shared>>
      tpu.wait_indirect_dma semaphore(%arg15 : memref<!tpu.dma_semaphore, #tpu.memory_space<semaphore_mem>>) src(%dma_wait3A_704 : memref<128x16xf32, #tpu.memory_space<vmem>>) dst(%dma_wait3A_710 : memref<100000x16xf32, #tpu.memory_space<vmem_shared>>)
      %dma_wait3A_711 = arith.constant 3 : i32
      %dma_wait3A_712 = arith.constant 384 : i32
      %dma_wait3A_713 = arith.constant 0 : i32
      %dma_wait3A_714 = tpu.memref_slice %arg7[%dma_wait3A_712, %dma_wait3A_713] : memref<512x16xf32, #tpu.memory_space<vmem>> -> memref<128x16xf32, #tpu.memory_space<vmem>>
      %dma_wait3A_715 = arith.constant 0 : i32
      %dma_wait3A_716 = tpu.memref_slice %arg9[%dma_wait3A_711, %dma_wait3A_715] : memref<4x128xi32, #tpu.memory_space<vmem>> -> memref<1x128xi32, #tpu.memory_space<vmem>>
      %dma_wait3A_717 = tpu.memref_squeeze %dma_wait3A_716 : memref<1x128xi32, #tpu.memory_space<vmem>> -> memref<128xi32, #tpu.memory_space<vmem>>
      %dma_wait3A_718 = arith.constant 0 : i32
      %dma_wait3A_719 = arith.constant 0 : i32
      %dma_wait3A_720 = tpu.memref_slice %arg11[%dma_wait3A_718, %dma_wait3A_719] : memref<100000x16xf32, #tpu.memory_space<vmem_shared>> -> memref<100000x16xf32, #tpu.memory_space<vmem_shared>>
      tpu.wait_indirect_dma semaphore(%arg15 : memref<!tpu.dma_semaphore, #tpu.memory_space<semaphore_mem>>) src(%dma_wait3A_714 : memref<128x16xf32, #tpu.memory_space<vmem>>) dst(%dma_wait3A_720 : memref<100000x16xf32, #tpu.memory_space<vmem_shared>>)
      %add3A_721 = arith.constant 3 : i32
      %add3A_722 = arith.addi %mul3A_518, %add3A_721 : i32
      %mul3A_723 = arith.constant 4 : i32
      %mul3A_724 = arith.muli %add3A_722, %mul3A_723 : i32
      %add3A_725 = arith.addi %mul3A_2, %mul3A_724 : i32
      %dma_start3A_726 = arith.constant 0 : i32
      %dma_start3A_727 = tpu.memref_slice %arg3[%add3A_725, %dma_start3A_726] : memref<6400x128xi32, #tpu.memory_space<hbm>> -> memref<4x128xi32, #tpu.memory_space<hbm>>
      %dma_start3A_728 = arith.constant 0 : i32
      %dma_start3A_729 = tpu.memref_slice %arg3[%add3A_725, %dma_start3A_728] : memref<6400x128xi32, #tpu.memory_space<hbm>> -> memref<4x128xi32, #tpu.memory_space<hbm>>
      tpu.enqueue_dma source(%dma_start3A_729 : memref<4x128xi32, #tpu.memory_space<hbm>>) target(%arg9 : memref<4x128xi32, #tpu.memory_space<vmem>>) target_semaphore(%arg13 : memref<!tpu.dma_semaphore, #tpu.memory_space<semaphore_mem>>)
      %mul3A_730 = arith.constant 512 : i32
      %mul3A_731 = arith.muli %add3A_722, %mul3A_730 : i32
      %add3A_732 = arith.addi %mul3A_0, %mul3A_731 : i32
      %dma_start3A_733 = tpu.memref_slice %arg2[%add3A_732, %mul3A_30] : memref<819200x64xf32, #tpu.memory_space<hbm>> -> memref<512x16xf32, #tpu.memory_space<hbm>>
      %dma_start3A_734 = tpu.memref_slice %arg2[%add3A_732, %mul3A_30] : memref<819200x64xf32, #tpu.memory_space<hbm>> -> memref<512x16xf32, #tpu.memory_space<hbm>>
      tpu.enqueue_dma source(%dma_start3A_734 : memref<512x16xf32, #tpu.memory_space<hbm>>) target(%arg7 : memref<512x16xf32, #tpu.memory_space<vmem>>) target_semaphore(%arg13 : memref<!tpu.dma_semaphore, #tpu.memory_space<semaphore_mem>>)
    }
    %scan3A_104 = arith.constant 49 : i32
    %add3A_105 = arith.constant 396 : i32
    %add3A_106 = arith.addi %mul3A_2, %add3A_105 : i32
    %dma_wait3A_107 = arith.constant 0 : i32
    %dma_wait3A_108 = tpu.memref_slice %arg3[%add3A_106, %dma_wait3A_107] : memref<6400x128xi32, #tpu.memory_space<hbm>> -> memref<4x128xi32, #tpu.memory_space<hbm>>
    %dma_wait3A_109 = arith.constant 0 : i32
    %dma_wait3A_110 = tpu.memref_slice %arg3[%add3A_106, %dma_wait3A_109] : memref<6400x128xi32, #tpu.memory_space<hbm>> -> memref<4x128xi32, #tpu.memory_space<hbm>>
    tpu.wait_dma2 semaphore(%arg13 : memref<!tpu.dma_semaphore, #tpu.memory_space<semaphore_mem>>) src(%dma_wait3A_110 : memref<4x128xi32, #tpu.memory_space<hbm>>) dst(%arg9 : memref<4x128xi32, #tpu.memory_space<vmem>>)
    %add3A_111 = arith.constant 50688 : i32
    %add3A_112 = arith.addi %mul3A_0, %add3A_111 : i32
    %dma_wait3A_113 = tpu.memref_slice %arg2[%add3A_112, %mul3A_30] : memref<819200x64xf32, #tpu.memory_space<hbm>> -> memref<512x16xf32, #tpu.memory_space<hbm>>
    %dma_wait3A_114 = tpu.memref_slice %arg2[%add3A_112, %mul3A_30] : memref<819200x64xf32, #tpu.memory_space<hbm>> -> memref<512x16xf32, #tpu.memory_space<hbm>>
    tpu.wait_dma2 semaphore(%arg13 : memref<!tpu.dma_semaphore, #tpu.memory_space<semaphore_mem>>) src(%dma_wait3A_114 : memref<512x16xf32, #tpu.memory_space<hbm>>) dst(%arg7 : memref<512x16xf32, #tpu.memory_space<vmem>>)
    %dma_start3A_115 = arith.constant 0 : i32
    %dma_start3A_116 = arith.constant 0 : i32
    %dma_start3A_117 = arith.constant 0 : i32
    %dma_start3A_118 = tpu.memref_slice %arg7[%dma_start3A_116, %dma_start3A_117] : memref<512x16xf32, #tpu.memory_space<vmem>> -> memref<128x16xf32, #tpu.memory_space<vmem>>
    %dma_start3A_119 = arith.constant 0 : i32
    %dma_start3A_120 = tpu.memref_slice %arg9[%dma_start3A_115, %dma_start3A_119] : memref<4x128xi32, #tpu.memory_space<vmem>> -> memref<1x128xi32, #tpu.memory_space<vmem>>
    %dma_start3A_121 = tpu.memref_squeeze %dma_start3A_120 : memref<1x128xi32, #tpu.memory_space<vmem>> -> memref<128xi32, #tpu.memory_space<vmem>>
    %dma_start3A_122 = arith.constant 0 : i32
    %dma_start3A_123 = arith.constant 0 : i32
    %dma_start3A_124 = tpu.memref_slice %arg11[%dma_start3A_122, %dma_start3A_123] : memref<100000x16xf32, #tpu.memory_space<vmem_shared>> -> memref<100000x16xf32, #tpu.memory_space<vmem_shared>>
    tpu.enqueue_indirect_dma source(%dma_start3A_118 : memref<128x16xf32, #tpu.memory_space<vmem>>) target(%dma_start3A_124 : memref<100000x16xf32, #tpu.memory_space<vmem_shared>>) offsets(%dma_start3A_121 : memref<128xi32, #tpu.memory_space<vmem>>) semaphore(%arg15 : memref<!tpu.dma_semaphore, #tpu.memory_space<semaphore_mem>>) {add = true}
    %dma_start3A_125 = arith.constant 1 : i32
    %dma_start3A_126 = arith.constant 128 : i32
    %dma_start3A_127 = arith.constant 0 : i32
    %dma_start3A_128 = tpu.memref_slice %arg7[%dma_start3A_126, %dma_start3A_127] : memref<512x16xf32, #tpu.memory_space<vmem>> -> memref<128x16xf32, #tpu.memory_space<vmem>>
    %dma_start3A_129 = arith.constant 0 : i32
    %dma_start3A_130 = tpu.memref_slice %arg9[%dma_start3A_125, %dma_start3A_129] : memref<4x128xi32, #tpu.memory_space<vmem>> -> memref<1x128xi32, #tpu.memory_space<vmem>>
    %dma_start3A_131 = tpu.memref_squeeze %dma_start3A_130 : memref<1x128xi32, #tpu.memory_space<vmem>> -> memref<128xi32, #tpu.memory_space<vmem>>
    %dma_start3A_132 = arith.constant 0 : i32
    %dma_start3A_133 = arith.constant 0 : i32
    %dma_start3A_134 = tpu.memref_slice %arg11[%dma_start3A_132, %dma_start3A_133] : memref<100000x16xf32, #tpu.memory_space<vmem_shared>> -> memref<100000x16xf32, #tpu.memory_space<vmem_shared>>
    tpu.enqueue_indirect_dma source(%dma_start3A_128 : memref<128x16xf32, #tpu.memory_space<vmem>>) target(%dma_start3A_134 : memref<100000x16xf32, #tpu.memory_space<vmem_shared>>) offsets(%dma_start3A_131 : memref<128xi32, #tpu.memory_space<vmem>>) semaphore(%arg15 : memref<!tpu.dma_semaphore, #tpu.memory_space<semaphore_mem>>) {add = true}
    %dma_start3A_135 = arith.constant 2 : i32
    %dma_start3A_136 = arith.constant 256 : i32
    %dma_start3A_137 = arith.constant 0 : i32
    %dma_start3A_138 = tpu.memref_slice %arg7[%dma_start3A_136, %dma_start3A_137] : memref<512x16xf32, #tpu.memory_space<vmem>> -> memref<128x16xf32, #tpu.memory_space<vmem>>
    %dma_start3A_139 = arith.constant 0 : i32
    %dma_start3A_140 = tpu.memref_slice %arg9[%dma_start3A_135, %dma_start3A_139] : memref<4x128xi32, #tpu.memory_space<vmem>> -> memref<1x128xi32, #tpu.memory_space<vmem>>
    %dma_start3A_141 = tpu.memref_squeeze %dma_start3A_140 : memref<1x128xi32, #tpu.memory_space<vmem>> -> memref<128xi32, #tpu.memory_space<vmem>>
    %dma_start3A_142 = arith.constant 0 : i32
    %dma_start3A_143 = arith.constant 0 : i32
    %dma_start3A_144 = tpu.memref_slice %arg11[%dma_start3A_142, %dma_start3A_143] : memref<100000x16xf32, #tpu.memory_space<vmem_shared>> -> memref<100000x16xf32, #tpu.memory_space<vmem_shared>>
    tpu.enqueue_indirect_dma source(%dma_start3A_138 : memref<128x16xf32, #tpu.memory_space<vmem>>) target(%dma_start3A_144 : memref<100000x16xf32, #tpu.memory_space<vmem_shared>>) offsets(%dma_start3A_141 : memref<128xi32, #tpu.memory_space<vmem>>) semaphore(%arg15 : memref<!tpu.dma_semaphore, #tpu.memory_space<semaphore_mem>>) {add = true}
    %dma_start3A_145 = arith.constant 3 : i32
    %dma_start3A_146 = arith.constant 384 : i32
    %dma_start3A_147 = arith.constant 0 : i32
    %dma_start3A_148 = tpu.memref_slice %arg7[%dma_start3A_146, %dma_start3A_147] : memref<512x16xf32, #tpu.memory_space<vmem>> -> memref<128x16xf32, #tpu.memory_space<vmem>>
    %dma_start3A_149 = arith.constant 0 : i32
    %dma_start3A_150 = tpu.memref_slice %arg9[%dma_start3A_145, %dma_start3A_149] : memref<4x128xi32, #tpu.memory_space<vmem>> -> memref<1x128xi32, #tpu.memory_space<vmem>>
    %dma_start3A_151 = tpu.memref_squeeze %dma_start3A_150 : memref<1x128xi32, #tpu.memory_space<vmem>> -> memref<128xi32, #tpu.memory_space<vmem>>
    %dma_start3A_152 = arith.constant 0 : i32
    %dma_start3A_153 = arith.constant 0 : i32
    %dma_start3A_154 = tpu.memref_slice %arg11[%dma_start3A_152, %dma_start3A_153] : memref<100000x16xf32, #tpu.memory_space<vmem_shared>> -> memref<100000x16xf32, #tpu.memory_space<vmem_shared>>
    tpu.enqueue_indirect_dma source(%dma_start3A_148 : memref<128x16xf32, #tpu.memory_space<vmem>>) target(%dma_start3A_154 : memref<100000x16xf32, #tpu.memory_space<vmem_shared>>) offsets(%dma_start3A_151 : memref<128xi32, #tpu.memory_space<vmem>>) semaphore(%arg15 : memref<!tpu.dma_semaphore, #tpu.memory_space<semaphore_mem>>) {add = true}
    %dma_wait3A_155 = arith.constant 0 : i32
    %dma_wait3A_156 = arith.constant 0 : i32
    %dma_wait3A_157 = arith.constant 0 : i32
    %dma_wait3A_158 = tpu.memref_slice %arg6[%dma_wait3A_156, %dma_wait3A_157] : memref<512x16xf32, #tpu.memory_space<vmem>> -> memref<128x16xf32, #tpu.memory_space<vmem>>
    %dma_wait3A_159 = arith.constant 0 : i32
    %dma_wait3A_160 = tpu.memref_slice %arg8[%dma_wait3A_155, %dma_wait3A_159] : memref<4x128xi32, #tpu.memory_space<vmem>> -> memref<1x128xi32, #tpu.memory_space<vmem>>
    %dma_wait3A_161 = tpu.memref_squeeze %dma_wait3A_160 : memref<1x128xi32, #tpu.memory_space<vmem>> -> memref<128xi32, #tpu.memory_space<vmem>>
    %dma_wait3A_162 = arith.constant 0 : i32
    %dma_wait3A_163 = arith.constant 0 : i32
    %dma_wait3A_164 = tpu.memref_slice %arg11[%dma_wait3A_162, %dma_wait3A_163] : memref<100000x16xf32, #tpu.memory_space<vmem_shared>> -> memref<100000x16xf32, #tpu.memory_space<vmem_shared>>
    tpu.wait_indirect_dma semaphore(%arg14 : memref<!tpu.dma_semaphore, #tpu.memory_space<semaphore_mem>>) src(%dma_wait3A_158 : memref<128x16xf32, #tpu.memory_space<vmem>>) dst(%dma_wait3A_164 : memref<100000x16xf32, #tpu.memory_space<vmem_shared>>)
    %dma_wait3A_165 = arith.constant 1 : i32
    %dma_wait3A_166 = arith.constant 128 : i32
    %dma_wait3A_167 = arith.constant 0 : i32
    %dma_wait3A_168 = tpu.memref_slice %arg6[%dma_wait3A_166, %dma_wait3A_167] : memref<512x16xf32, #tpu.memory_space<vmem>> -> memref<128x16xf32, #tpu.memory_space<vmem>>
    %dma_wait3A_169 = arith.constant 0 : i32
    %dma_wait3A_170 = tpu.memref_slice %arg8[%dma_wait3A_165, %dma_wait3A_169] : memref<4x128xi32, #tpu.memory_space<vmem>> -> memref<1x128xi32, #tpu.memory_space<vmem>>
    %dma_wait3A_171 = tpu.memref_squeeze %dma_wait3A_170 : memref<1x128xi32, #tpu.memory_space<vmem>> -> memref<128xi32, #tpu.memory_space<vmem>>
    %dma_wait3A_172 = arith.constant 0 : i32
    %dma_wait3A_173 = arith.constant 0 : i32
    %dma_wait3A_174 = tpu.memref_slice %arg11[%dma_wait3A_172, %dma_wait3A_173] : memref<100000x16xf32, #tpu.memory_space<vmem_shared>> -> memref<100000x16xf32, #tpu.memory_space<vmem_shared>>
    tpu.wait_indirect_dma semaphore(%arg14 : memref<!tpu.dma_semaphore, #tpu.memory_space<semaphore_mem>>) src(%dma_wait3A_168 : memref<128x16xf32, #tpu.memory_space<vmem>>) dst(%dma_wait3A_174 : memref<100000x16xf32, #tpu.memory_space<vmem_shared>>)
    %dma_wait3A_175 = arith.constant 2 : i32
    %dma_wait3A_176 = arith.constant 256 : i32
    %dma_wait3A_177 = arith.constant 0 : i32
    %dma_wait3A_178 = tpu.memref_slice %arg6[%dma_wait3A_176, %dma_wait3A_177] : memref<512x16xf32, #tpu.memory_space<vmem>> -> memref<128x16xf32, #tpu.memory_space<vmem>>
    %dma_wait3A_179 = arith.constant 0 : i32
    %dma_wait3A_180 = tpu.memref_slice %arg8[%dma_wait3A_175, %dma_wait3A_179] : memref<4x128xi32, #tpu.memory_space<vmem>> -> memref<1x128xi32, #tpu.memory_space<vmem>>
    %dma_wait3A_181 = tpu.memref_squeeze %dma_wait3A_180 : memref<1x128xi32, #tpu.memory_space<vmem>> -> memref<128xi32, #tpu.memory_space<vmem>>
    %dma_wait3A_182 = arith.constant 0 : i32
    %dma_wait3A_183 = arith.constant 0 : i32
    %dma_wait3A_184 = tpu.memref_slice %arg11[%dma_wait3A_182, %dma_wait3A_183] : memref<100000x16xf32, #tpu.memory_space<vmem_shared>> -> memref<100000x16xf32, #tpu.memory_space<vmem_shared>>
    tpu.wait_indirect_dma semaphore(%arg14 : memref<!tpu.dma_semaphore, #tpu.memory_space<semaphore_mem>>) src(%dma_wait3A_178 : memref<128x16xf32, #tpu.memory_space<vmem>>) dst(%dma_wait3A_184 : memref<100000x16xf32, #tpu.memory_space<vmem_shared>>)
    %dma_wait3A_185 = arith.constant 3 : i32
    %dma_wait3A_186 = arith.constant 384 : i32
    %dma_wait3A_187 = arith.constant 0 : i32
    %dma_wait3A_188 = tpu.memref_slice %arg6[%dma_wait3A_186, %dma_wait3A_187] : memref<512x16xf32, #tpu.memory_space<vmem>> -> memref<128x16xf32, #tpu.memory_space<vmem>>
    %dma_wait3A_189 = arith.constant 0 : i32
    %dma_wait3A_190 = tpu.memref_slice %arg8[%dma_wait3A_185, %dma_wait3A_189] : memref<4x128xi32, #tpu.memory_space<vmem>> -> memref<1x128xi32, #tpu.memory_space<vmem>>
    %dma_wait3A_191 = tpu.memref_squeeze %dma_wait3A_190 : memref<1x128xi32, #tpu.memory_space<vmem>> -> memref<128xi32, #tpu.memory_space<vmem>>
    %dma_wait3A_192 = arith.constant 0 : i32
    %dma_wait3A_193 = arith.constant 0 : i32
    %dma_wait3A_194 = tpu.memref_slice %arg11[%dma_wait3A_192, %dma_wait3A_193] : memref<100000x16xf32, #tpu.memory_space<vmem_shared>> -> memref<100000x16xf32, #tpu.memory_space<vmem_shared>>
    tpu.wait_indirect_dma semaphore(%arg14 : memref<!tpu.dma_semaphore, #tpu.memory_space<semaphore_mem>>) src(%dma_wait3A_188 : memref<128x16xf32, #tpu.memory_space<vmem>>) dst(%dma_wait3A_194 : memref<100000x16xf32, #tpu.memory_space<vmem_shared>>)
    %add3A_195 = arith.constant 2 : i32
    %add3A_196 = arith.addi %add3A_195, %arg0 : i32
    %mul3A_197 = arith.constant 16 : i32
    %mul3A_198 = arith.muli %add3A_196, %mul3A_197 : i32
    %add3A_199 = arith.constant 0 : i32
    %add3A_200 = arith.addi %mul3A_2, %add3A_199 : i32
    %dma_start3A_201 = arith.constant 0 : i32
    %dma_start3A_202 = tpu.memref_slice %arg3[%add3A_200, %dma_start3A_201] : memref<6400x128xi32, #tpu.memory_space<hbm>> -> memref<4x128xi32, #tpu.memory_space<hbm>>
    %dma_start3A_203 = arith.constant 0 : i32
    %dma_start3A_204 = tpu.memref_slice %arg3[%add3A_200, %dma_start3A_203] : memref<6400x128xi32, #tpu.memory_space<hbm>> -> memref<4x128xi32, #tpu.memory_space<hbm>>
    tpu.enqueue_dma source(%dma_start3A_204 : memref<4x128xi32, #tpu.memory_space<hbm>>) target(%arg8 : memref<4x128xi32, #tpu.memory_space<vmem>>) target_semaphore(%arg12 : memref<!tpu.dma_semaphore, #tpu.memory_space<semaphore_mem>>)
    %add3A_205 = arith.constant 0 : i32
    %add3A_206 = arith.addi %mul3A_0, %add3A_205 : i32
    %dma_start3A_207 = tpu.memref_slice %arg2[%add3A_206, %mul3A_198] : memref<819200x64xf32, #tpu.memory_space<hbm>> -> memref<512x16xf32, #tpu.memory_space<hbm>>
    %dma_start3A_208 = tpu.memref_slice %arg2[%add3A_206, %mul3A_198] : memref<819200x64xf32, #tpu.memory_space<hbm>> -> memref<512x16xf32, #tpu.memory_space<hbm>>
    tpu.enqueue_dma source(%dma_start3A_208 : memref<512x16xf32, #tpu.memory_space<hbm>>) target(%arg6 : memref<512x16xf32, #tpu.memory_space<vmem>>) target_semaphore(%arg12 : memref<!tpu.dma_semaphore, #tpu.memory_space<semaphore_mem>>)
    %dma_wait3A_209 = arith.constant 0 : i32
    %dma_wait3A_210 = arith.constant 0 : i32
    %dma_wait3A_211 = arith.constant 0 : i32
    %dma_wait3A_212 = tpu.memref_slice %arg7[%dma_wait3A_210, %dma_wait3A_211] : memref<512x16xf32, #tpu.memory_space<vmem>> -> memref<128x16xf32, #tpu.memory_space<vmem>>
    %dma_wait3A_213 = arith.constant 0 : i32
    %dma_wait3A_214 = tpu.memref_slice %arg9[%dma_wait3A_209, %dma_wait3A_213] : memref<4x128xi32, #tpu.memory_space<vmem>> -> memref<1x128xi32, #tpu.memory_space<vmem>>
    %dma_wait3A_215 = tpu.memref_squeeze %dma_wait3A_214 : memref<1x128xi32, #tpu.memory_space<vmem>> -> memref<128xi32, #tpu.memory_space<vmem>>
    %dma_wait3A_216 = arith.constant 0 : i32
    %dma_wait3A_217 = arith.constant 0 : i32
    %dma_wait3A_218 = tpu.memref_slice %arg11[%dma_wait3A_216, %dma_wait3A_217] : memref<100000x16xf32, #tpu.memory_space<vmem_shared>> -> memref<100000x16xf32, #tpu.memory_space<vmem_shared>>
    tpu.wait_indirect_dma semaphore(%arg15 : memref<!tpu.dma_semaphore, #tpu.memory_space<semaphore_mem>>) src(%dma_wait3A_212 : memref<128x16xf32, #tpu.memory_space<vmem>>) dst(%dma_wait3A_218 : memref<100000x16xf32, #tpu.memory_space<vmem_shared>>)
    %dma_wait3A_219 = arith.constant 1 : i32
    %dma_wait3A_220 = arith.constant 128 : i32
    %dma_wait3A_221 = arith.constant 0 : i32
    %dma_wait3A_222 = tpu.memref_slice %arg7[%dma_wait3A_220, %dma_wait3A_221] : memref<512x16xf32, #tpu.memory_space<vmem>> -> memref<128x16xf32, #tpu.memory_space<vmem>>
    %dma_wait3A_223 = arith.constant 0 : i32
    %dma_wait3A_224 = tpu.memref_slice %arg9[%dma_wait3A_219, %dma_wait3A_223] : memref<4x128xi32, #tpu.memory_space<vmem>> -> memref<1x128xi32, #tpu.memory_space<vmem>>
    %dma_wait3A_225 = tpu.memref_squeeze %dma_wait3A_224 : memref<1x128xi32, #tpu.memory_space<vmem>> -> memref<128xi32, #tpu.memory_space<vmem>>
    %dma_wait3A_226 = arith.constant 0 : i32
    %dma_wait3A_227 = arith.constant 0 : i32
    %dma_wait3A_228 = tpu.memref_slice %arg11[%dma_wait3A_226, %dma_wait3A_227] : memref<100000x16xf32, #tpu.memory_space<vmem_shared>> -> memref<100000x16xf32, #tpu.memory_space<vmem_shared>>
    tpu.wait_indirect_dma semaphore(%arg15 : memref<!tpu.dma_semaphore, #tpu.memory_space<semaphore_mem>>) src(%dma_wait3A_222 : memref<128x16xf32, #tpu.memory_space<vmem>>) dst(%dma_wait3A_228 : memref<100000x16xf32, #tpu.memory_space<vmem_shared>>)
    %dma_wait3A_229 = arith.constant 2 : i32
    %dma_wait3A_230 = arith.constant 256 : i32
    %dma_wait3A_231 = arith.constant 0 : i32
    %dma_wait3A_232 = tpu.memref_slice %arg7[%dma_wait3A_230, %dma_wait3A_231] : memref<512x16xf32, #tpu.memory_space<vmem>> -> memref<128x16xf32, #tpu.memory_space<vmem>>
    %dma_wait3A_233 = arith.constant 0 : i32
    %dma_wait3A_234 = tpu.memref_slice %arg9[%dma_wait3A_229, %dma_wait3A_233] : memref<4x128xi32, #tpu.memory_space<vmem>> -> memref<1x128xi32, #tpu.memory_space<vmem>>
    %dma_wait3A_235 = tpu.memref_squeeze %dma_wait3A_234 : memref<1x128xi32, #tpu.memory_space<vmem>> -> memref<128xi32, #tpu.memory_space<vmem>>
    %dma_wait3A_236 = arith.constant 0 : i32
    %dma_wait3A_237 = arith.constant 0 : i32
    %dma_wait3A_238 = tpu.memref_slice %arg11[%dma_wait3A_236, %dma_wait3A_237] : memref<100000x16xf32, #tpu.memory_space<vmem_shared>> -> memref<100000x16xf32, #tpu.memory_space<vmem_shared>>
    tpu.wait_indirect_dma semaphore(%arg15 : memref<!tpu.dma_semaphore, #tpu.memory_space<semaphore_mem>>) src(%dma_wait3A_232 : memref<128x16xf32, #tpu.memory_space<vmem>>) dst(%dma_wait3A_238 : memref<100000x16xf32, #tpu.memory_space<vmem_shared>>)
    %dma_wait3A_239 = arith.constant 3 : i32
    %dma_wait3A_240 = arith.constant 384 : i32
    %dma_wait3A_241 = arith.constant 0 : i32
    %dma_wait3A_242 = tpu.memref_slice %arg7[%dma_wait3A_240, %dma_wait3A_241] : memref<512x16xf32, #tpu.memory_space<vmem>> -> memref<128x16xf32, #tpu.memory_space<vmem>>
    %dma_wait3A_243 = arith.constant 0 : i32
    %dma_wait3A_244 = tpu.memref_slice %arg9[%dma_wait3A_239, %dma_wait3A_243] : memref<4x128xi32, #tpu.memory_space<vmem>> -> memref<1x128xi32, #tpu.memory_space<vmem>>
    %dma_wait3A_245 = tpu.memref_squeeze %dma_wait3A_244 : memref<1x128xi32, #tpu.memory_space<vmem>> -> memref<128xi32, #tpu.memory_space<vmem>>
    %dma_wait3A_246 = arith.constant 0 : i32
    %dma_wait3A_247 = arith.constant 0 : i32
    %dma_wait3A_248 = tpu.memref_slice %arg11[%dma_wait3A_246, %dma_wait3A_247] : memref<100000x16xf32, #tpu.memory_space<vmem_shared>> -> memref<100000x16xf32, #tpu.memory_space<vmem_shared>>
    tpu.wait_indirect_dma semaphore(%arg15 : memref<!tpu.dma_semaphore, #tpu.memory_space<semaphore_mem>>) src(%dma_wait3A_242 : memref<128x16xf32, #tpu.memory_space<vmem>>) dst(%dma_wait3A_248 : memref<100000x16xf32, #tpu.memory_space<vmem_shared>>)
    %add3A_249 = arith.constant 2 : i32
    %add3A_250 = arith.addi %add3A_249, %arg0 : i32
    %mul3A_251 = arith.constant 16 : i32
    %mul3A_252 = arith.muli %add3A_250, %mul3A_251 : i32
    %add3A_253 = arith.constant 4 : i32
    %add3A_254 = arith.addi %mul3A_2, %add3A_253 : i32
    %dma_start3A_255 = arith.constant 0 : i32
    %dma_start3A_256 = tpu.memref_slice %arg3[%add3A_254, %dma_start3A_255] : memref<6400x128xi32, #tpu.memory_space<hbm>> -> memref<4x128xi32, #tpu.memory_space<hbm>>
    %dma_start3A_257 = arith.constant 0 : i32
    %dma_start3A_258 = tpu.memref_slice %arg3[%add3A_254, %dma_start3A_257] : memref<6400x128xi32, #tpu.memory_space<hbm>> -> memref<4x128xi32, #tpu.memory_space<hbm>>
    tpu.enqueue_dma source(%dma_start3A_258 : memref<4x128xi32, #tpu.memory_space<hbm>>) target(%arg9 : memref<4x128xi32, #tpu.memory_space<vmem>>) target_semaphore(%arg13 : memref<!tpu.dma_semaphore, #tpu.memory_space<semaphore_mem>>)
    %add3A_259 = arith.constant 512 : i32
    %add3A_260 = arith.addi %mul3A_0, %add3A_259 : i32
    %dma_start3A_261 = tpu.memref_slice %arg2[%add3A_260, %mul3A_252] : memref<819200x64xf32, #tpu.memory_space<hbm>> -> memref<512x16xf32, #tpu.memory_space<hbm>>
    %dma_start3A_262 = tpu.memref_slice %arg2[%add3A_260, %mul3A_252] : memref<819200x64xf32, #tpu.memory_space<hbm>> -> memref<512x16xf32, #tpu.memory_space<hbm>>
    tpu.enqueue_dma source(%dma_start3A_262 : memref<512x16xf32, #tpu.memory_space<hbm>>) target(%arg7 : memref<512x16xf32, #tpu.memory_space<vmem>>) target_semaphore(%arg13 : memref<!tpu.dma_semaphore, #tpu.memory_space<semaphore_mem>>)
    %barrier3A_263 = arith.constant 0 : index
    tpu.barrier barrier_id(%barrier3A_263)
    %add3A_264 = arith.constant 0 : i32
    %add3A_265 = arith.addi %mul3A_4, %add3A_264 : i32
    "tpu.region"() ({
      %run_scoped3A = tpu.sem_alloc : memref<!tpu.dma_semaphore, #tpu.memory_space<semaphore_mem>>
      %dma_start3A_516 = arith.constant 0 : i32
      %dma_start3A_517 = tpu.memref_slice %arg11[%add3A_265, %dma_start3A_516] : memref<100000x16xf32, #tpu.memory_space<vmem_shared>> -> memref<625x16xf32, #tpu.memory_space<vmem_shared>>
      %dma_start3A_518 = arith.constant 0 : i32
      %dma_start3A_519 = tpu.memref_slice %arg11[%add3A_265, %dma_start3A_518] : memref<100000x16xf32, #tpu.memory_space<vmem_shared>> -> memref<625x16xf32, #tpu.memory_space<vmem_shared>>
      tpu.enqueue_dma source(%dma_start3A_519 : memref<625x16xf32, #tpu.memory_space<vmem_shared>>) target(%arg10 : memref<625x16xf32, #tpu.memory_space<vmem>>) target_semaphore(%run_scoped3A : memref<!tpu.dma_semaphore, #tpu.memory_space<semaphore_mem>>)
      %dma_wait3A_520 = arith.constant 0 : i32
      %dma_wait3A_521 = tpu.memref_slice %arg11[%add3A_265, %dma_wait3A_520] : memref<100000x16xf32, #tpu.memory_space<vmem_shared>> -> memref<625x16xf32, #tpu.memory_space<vmem_shared>>
      %dma_wait3A_522 = arith.constant 0 : i32
      %dma_wait3A_523 = tpu.memref_slice %arg11[%add3A_265, %dma_wait3A_522] : memref<100000x16xf32, #tpu.memory_space<vmem_shared>> -> memref<625x16xf32, #tpu.memory_space<vmem_shared>>
      tpu.wait_dma2 semaphore(%run_scoped3A : memref<!tpu.dma_semaphore, #tpu.memory_space<semaphore_mem>>) src(%dma_wait3A_523 : memref<625x16xf32, #tpu.memory_space<vmem_shared>>) dst(%arg10 : memref<625x16xf32, #tpu.memory_space<vmem>>)
      tpu.yield
    }) : () -> ()
    "tpu.region"() ({
      %run_scoped3A = tpu.sem_alloc : memref<!tpu.dma_semaphore, #tpu.memory_space<semaphore_mem>>
      %dma_start3A_516 = tpu.memref_slice %arg5[%add3A_265, %mul3A_30] : memref<100000x64xf32, #tpu.memory_space<hbm>> -> memref<625x16xf32, #tpu.memory_space<hbm>>
      %dma_start3A_517 = tpu.memref_slice %arg5[%add3A_265, %mul3A_30] : memref<100000x64xf32, #tpu.memory_space<hbm>> -> memref<625x16xf32, #tpu.memory_space<hbm>>
      tpu.enqueue_dma source(%arg10 : memref<625x16xf32, #tpu.memory_space<vmem>>) target(%dma_start3A_517 : memref<625x16xf32, #tpu.memory_space<hbm>>) target_semaphore(%run_scoped3A : memref<!tpu.dma_semaphore, #tpu.memory_space<semaphore_mem>>)
      %dma_wait3A_518 = tpu.memref_slice %arg5[%add3A_265, %mul3A_30] : memref<100000x64xf32, #tpu.memory_space<hbm>> -> memref<625x16xf32, #tpu.memory_space<hbm>>
      %dma_wait3A_519 = tpu.memref_slice %arg5[%add3A_265, %mul3A_30] : memref<100000x64xf32, #tpu.memory_space<hbm>> -> memref<625x16xf32, #tpu.memory_space<hbm>>
      tpu.wait_dma2 semaphore(%run_scoped3A : memref<!tpu.dma_semaphore, #tpu.memory_space<semaphore_mem>>) src(%arg10 : memref<625x16xf32, #tpu.memory_space<vmem>>) dst(%dma_wait3A_519 : memref<625x16xf32, #tpu.memory_space<hbm>>)
      tpu.yield
    }) : () -> ()
    %add3A_266 = arith.constant 625 : i32
    %add3A_267 = arith.addi %mul3A_4, %add3A_266 : i32
    "tpu.region"() ({
      %run_scoped3A = tpu.sem_alloc : memref<!tpu.dma_semaphore, #tpu.memory_space<semaphore_mem>>
      %dma_start3A_516 = arith.constant 0 : i32
      %dma_start3A_517 = tpu.memref_slice %arg11[%add3A_267, %dma_start3A_516] : memref<100000x16xf32, #tpu.memory_space<vmem_shared>> -> memref<625x16xf32, #tpu.memory_space<vmem_shared>>
      %dma_start3A_518 = arith.constant 0 : i32
      %dma_start3A_519 = tpu.memref_slice %arg11[%add3A_267, %dma_start3A_518] : memref<100000x16xf32, #tpu.memory_space<vmem_shared>> -> memref<625x16xf32, #tpu.memory_space<vmem_shared>>
      tpu.enqueue_dma source(%dma_start3A_519 : memref<625x16xf32, #tpu.memory_space<vmem_shared>>) target(%arg10 : memref<625x16xf32, #tpu.memory_space<vmem>>) target_semaphore(%run_scoped3A : memref<!tpu.dma_semaphore, #tpu.memory_space<semaphore_mem>>)
      %dma_wait3A_520 = arith.constant 0 : i32
      %dma_wait3A_521 = tpu.memref_slice %arg11[%add3A_267, %dma_wait3A_520] : memref<100000x16xf32, #tpu.memory_space<vmem_shared>> -> memref<625x16xf32, #tpu.memory_space<vmem_shared>>
      %dma_wait3A_522 = arith.constant 0 : i32
      %dma_wait3A_523 = tpu.memref_slice %arg11[%add3A_267, %dma_wait3A_522] : memref<100000x16xf32, #tpu.memory_space<vmem_shared>> -> memref<625x16xf32, #tpu.memory_space<vmem_shared>>
      tpu.wait_dma2 semaphore(%run_scoped3A : memref<!tpu.dma_semaphore, #tpu.memory_space<semaphore_mem>>) src(%dma_wait3A_523 : memref<625x16xf32, #tpu.memory_space<vmem_shared>>) dst(%arg10 : memref<625x16xf32, #tpu.memory_space<vmem>>)
      tpu.yield
    }) : () -> ()
    "tpu.region"() ({
      %run_scoped3A = tpu.sem_alloc : memref<!tpu.dma_semaphore, #tpu.memory_space<semaphore_mem>>
      %dma_start3A_516 = tpu.memref_slice %arg5[%add3A_267, %mul3A_30] : memref<100000x64xf32, #tpu.memory_space<hbm>> -> memref<625x16xf32, #tpu.memory_space<hbm>>
      %dma_start3A_517 = tpu.memref_slice %arg5[%add3A_267, %mul3A_30] : memref<100000x64xf32, #tpu.memory_space<hbm>> -> memref<625x16xf32, #tpu.memory_space<hbm>>
      tpu.enqueue_dma source(%arg10 : memref<625x16xf32, #tpu.memory_space<vmem>>) target(%dma_start3A_517 : memref<625x16xf32, #tpu.memory_space<hbm>>) target_semaphore(%run_scoped3A : memref<!tpu.dma_semaphore, #tpu.memory_space<semaphore_mem>>)
      %dma_wait3A_518 = tpu.memref_slice %arg5[%add3A_267, %mul3A_30] : memref<100000x64xf32, #tpu.memory_space<hbm>> -> memref<625x16xf32, #tpu.memory_space<hbm>>
      %dma_wait3A_519 = tpu.memref_slice %arg5[%add3A_267, %mul3A_30] : memref<100000x64xf32, #tpu.memory_space<hbm>> -> memref<625x16xf32, #tpu.memory_space<hbm>>
      tpu.wait_dma2 semaphore(%run_scoped3A : memref<!tpu.dma_semaphore, #tpu.memory_space<semaphore_mem>>) src(%arg10 : memref<625x16xf32, #tpu.memory_space<vmem>>) dst(%dma_wait3A_519 : memref<625x16xf32, #tpu.memory_space<hbm>>)
      tpu.yield
    }) : () -> ()
    %add3A_268 = arith.constant 1250 : i32
    %add3A_269 = arith.addi %mul3A_4, %add3A_268 : i32
    "tpu.region"() ({
      %run_scoped3A = tpu.sem_alloc : memref<!tpu.dma_semaphore, #tpu.memory_space<semaphore_mem>>
      %dma_start3A_516 = arith.constant 0 : i32
      %dma_start3A_517 = tpu.memref_slice %arg11[%add3A_269, %dma_start3A_516] : memref<100000x16xf32, #tpu.memory_space<vmem_shared>> -> memref<625x16xf32, #tpu.memory_space<vmem_shared>>
      %dma_start3A_518 = arith.constant 0 : i32
      %dma_start3A_519 = tpu.memref_slice %arg11[%add3A_269, %dma_start3A_518] : memref<100000x16xf32, #tpu.memory_space<vmem_shared>> -> memref<625x16xf32, #tpu.memory_space<vmem_shared>>
      tpu.enqueue_dma source(%dma_start3A_519 : memref<625x16xf32, #tpu.memory_space<vmem_shared>>) target(%arg10 : memref<625x16xf32, #tpu.memory_space<vmem>>) target_semaphore(%run_scoped3A : memref<!tpu.dma_semaphore, #tpu.memory_space<semaphore_mem>>)
      %dma_wait3A_520 = arith.constant 0 : i32
      %dma_wait3A_521 = tpu.memref_slice %arg11[%add3A_269, %dma_wait3A_520] : memref<100000x16xf32, #tpu.memory_space<vmem_shared>> -> memref<625x16xf32, #tpu.memory_space<vmem_shared>>
      %dma_wait3A_522 = arith.constant 0 : i32
      %dma_wait3A_523 = tpu.memref_slice %arg11[%add3A_269, %dma_wait3A_522] : memref<100000x16xf32, #tpu.memory_space<vmem_shared>> -> memref<625x16xf32, #tpu.memory_space<vmem_shared>>
      tpu.wait_dma2 semaphore(%run_scoped3A : memref<!tpu.dma_semaphore, #tpu.memory_space<semaphore_mem>>) src(%dma_wait3A_523 : memref<625x16xf32, #tpu.memory_space<vmem_shared>>) dst(%arg10 : memref<625x16xf32, #tpu.memory_space<vmem>>)
      tpu.yield
    }) : () -> ()
    "tpu.region"() ({
      %run_scoped3A = tpu.sem_alloc : memref<!tpu.dma_semaphore, #tpu.memory_space<semaphore_mem>>
      %dma_start3A_516 = tpu.memref_slice %arg5[%add3A_269, %mul3A_30] : memref<100000x64xf32, #tpu.memory_space<hbm>> -> memref<625x16xf32, #tpu.memory_space<hbm>>
      %dma_start3A_517 = tpu.memref_slice %arg5[%add3A_269, %mul3A_30] : memref<100000x64xf32, #tpu.memory_space<hbm>> -> memref<625x16xf32, #tpu.memory_space<hbm>>
      tpu.enqueue_dma source(%arg10 : memref<625x16xf32, #tpu.memory_space<vmem>>) target(%dma_start3A_517 : memref<625x16xf32, #tpu.memory_space<hbm>>) target_semaphore(%run_scoped3A : memref<!tpu.dma_semaphore, #tpu.memory_space<semaphore_mem>>)
      %dma_wait3A_518 = tpu.memref_slice %arg5[%add3A_269, %mul3A_30] : memref<100000x64xf32, #tpu.memory_space<hbm>> -> memref<625x16xf32, #tpu.memory_space<hbm>>
      %dma_wait3A_519 = tpu.memref_slice %arg5[%add3A_269, %mul3A_30] : memref<100000x64xf32, #tpu.memory_space<hbm>> -> memref<625x16xf32, #tpu.memory_space<hbm>>
      tpu.wait_dma2 semaphore(%run_scoped3A : memref<!tpu.dma_semaphore, #tpu.memory_space<semaphore_mem>>) src(%arg10 : memref<625x16xf32, #tpu.memory_space<vmem>>) dst(%dma_wait3A_519 : memref<625x16xf32, #tpu.memory_space<hbm>>)
      tpu.yield
    }) : () -> ()
    %add3A_270 = arith.constant 1875 : i32
    %add3A_271 = arith.addi %mul3A_4, %add3A_270 : i32
    "tpu.region"() ({
      %run_scoped3A = tpu.sem_alloc : memref<!tpu.dma_semaphore, #tpu.memory_space<semaphore_mem>>
      %dma_start3A_516 = arith.constant 0 : i32
      %dma_start3A_517 = tpu.memref_slice %arg11[%add3A_271, %dma_start3A_516] : memref<100000x16xf32, #tpu.memory_space<vmem_shared>> -> memref<625x16xf32, #tpu.memory_space<vmem_shared>>
      %dma_start3A_518 = arith.constant 0 : i32
      %dma_start3A_519 = tpu.memref_slice %arg11[%add3A_271, %dma_start3A_518] : memref<100000x16xf32, #tpu.memory_space<vmem_shared>> -> memref<625x16xf32, #tpu.memory_space<vmem_shared>>
      tpu.enqueue_dma source(%dma_start3A_519 : memref<625x16xf32, #tpu.memory_space<vmem_shared>>) target(%arg10 : memref<625x16xf32, #tpu.memory_space<vmem>>) target_semaphore(%run_scoped3A : memref<!tpu.dma_semaphore, #tpu.memory_space<semaphore_mem>>)
      %dma_wait3A_520 = arith.constant 0 : i32
      %dma_wait3A_521 = tpu.memref_slice %arg11[%add3A_271, %dma_wait3A_520] : memref<100000x16xf32, #tpu.memory_space<vmem_shared>> -> memref<625x16xf32, #tpu.memory_space<vmem_shared>>
      %dma_wait3A_522 = arith.constant 0 : i32
      %dma_wait3A_523 = tpu.memref_slice %arg11[%add3A_271, %dma_wait3A_522] : memref<100000x16xf32, #tpu.memory_space<vmem_shared>> -> memref<625x16xf32, #tpu.memory_space<vmem_shared>>
      tpu.wait_dma2 semaphore(%run_scoped3A : memref<!tpu.dma_semaphore, #tpu.memory_space<semaphore_mem>>) src(%dma_wait3A_523 : memref<625x16xf32, #tpu.memory_space<vmem_shared>>) dst(%arg10 : memref<625x16xf32, #tpu.memory_space<vmem>>)
      tpu.yield
    }) : () -> ()
    "tpu.region"() ({
      %run_scoped3A = tpu.sem_alloc : memref<!tpu.dma_semaphore, #tpu.memory_space<semaphore_mem>>
      %dma_start3A_516 = tpu.memref_slice %arg5[%add3A_271, %mul3A_30] : memref<100000x64xf32, #tpu.memory_space<hbm>> -> memref<625x16xf32, #tpu.memory_space<hbm>>
      %dma_start3A_517 = tpu.memref_slice %arg5[%add3A_271, %mul3A_30] : memref<100000x64xf32, #tpu.memory_space<hbm>> -> memref<625x16xf32, #tpu.memory_space<hbm>>
      tpu.enqueue_dma source(%arg10 : memref<625x16xf32, #tpu.memory_space<vmem>>) target(%dma_start3A_517 : memref<625x16xf32, #tpu.memory_space<hbm>>) target_semaphore(%run_scoped3A : memref<!tpu.dma_semaphore, #tpu.memory_space<semaphore_mem>>)
      %dma_wait3A_518 = tpu.memref_slice %arg5[%add3A_271, %mul3A_30] : memref<100000x64xf32, #tpu.memory_space<hbm>> -> memref<625x16xf32, #tpu.memory_space<hbm>>
      %dma_wait3A_519 = tpu.memref_slice %arg5[%add3A_271, %mul3A_30] : memref<100000x64xf32, #tpu.memory_space<hbm>> -> memref<625x16xf32, #tpu.memory_space<hbm>>
      tpu.wait_dma2 semaphore(%run_scoped3A : memref<!tpu.dma_semaphore, #tpu.memory_space<semaphore_mem>>) src(%arg10 : memref<625x16xf32, #tpu.memory_space<vmem>>) dst(%dma_wait3A_519 : memref<625x16xf32, #tpu.memory_space<hbm>>)
      tpu.yield
    }) : () -> ()
    %add3A_272 = arith.constant 2500 : i32
    %add3A_273 = arith.addi %mul3A_4, %add3A_272 : i32
    "tpu.region"() ({
      %run_scoped3A = tpu.sem_alloc : memref<!tpu.dma_semaphore, #tpu.memory_space<semaphore_mem>>
      %dma_start3A_516 = arith.constant 0 : i32
      %dma_start3A_517 = tpu.memref_slice %arg11[%add3A_273, %dma_start3A_516] : memref<100000x16xf32, #tpu.memory_space<vmem_shared>> -> memref<625x16xf32, #tpu.memory_space<vmem_shared>>
      %dma_start3A_518 = arith.constant 0 : i32
      %dma_start3A_519 = tpu.memref_slice %arg11[%add3A_273, %dma_start3A_518] : memref<100000x16xf32, #tpu.memory_space<vmem_shared>> -> memref<625x16xf32, #tpu.memory_space<vmem_shared>>
      tpu.enqueue_dma source(%dma_start3A_519 : memref<625x16xf32, #tpu.memory_space<vmem_shared>>) target(%arg10 : memref<625x16xf32, #tpu.memory_space<vmem>>) target_semaphore(%run_scoped3A : memref<!tpu.dma_semaphore, #tpu.memory_space<semaphore_mem>>)
      %dma_wait3A_520 = arith.constant 0 : i32
      %dma_wait3A_521 = tpu.memref_slice %arg11[%add3A_273, %dma_wait3A_520] : memref<100000x16xf32, #tpu.memory_space<vmem_shared>> -> memref<625x16xf32, #tpu.memory_space<vmem_shared>>
      %dma_wait3A_522 = arith.constant 0 : i32
      %dma_wait3A_523 = tpu.memref_slice %arg11[%add3A_273, %dma_wait3A_522] : memref<100000x16xf32, #tpu.memory_space<vmem_shared>> -> memref<625x16xf32, #tpu.memory_space<vmem_shared>>
      tpu.wait_dma2 semaphore(%run_scoped3A : memref<!tpu.dma_semaphore, #tpu.memory_space<semaphore_mem>>) src(%dma_wait3A_523 : memref<625x16xf32, #tpu.memory_space<vmem_shared>>) dst(%arg10 : memref<625x16xf32, #tpu.memory_space<vmem>>)
      tpu.yield
    }) : () -> ()
    "tpu.region"() ({
      %run_scoped3A = tpu.sem_alloc : memref<!tpu.dma_semaphore, #tpu.memory_space<semaphore_mem>>
      %dma_start3A_516 = tpu.memref_slice %arg5[%add3A_273, %mul3A_30] : memref<100000x64xf32, #tpu.memory_space<hbm>> -> memref<625x16xf32, #tpu.memory_space<hbm>>
      %dma_start3A_517 = tpu.memref_slice %arg5[%add3A_273, %mul3A_30] : memref<100000x64xf32, #tpu.memory_space<hbm>> -> memref<625x16xf32, #tpu.memory_space<hbm>>
      tpu.enqueue_dma source(%arg10 : memref<625x16xf32, #tpu.memory_space<vmem>>) target(%dma_start3A_517 : memref<625x16xf32, #tpu.memory_space<hbm>>) target_semaphore(%run_scoped3A : memref<!tpu.dma_semaphore, #tpu.memory_space<semaphore_mem>>)
      %dma_wait3A_518 = tpu.memref_slice %arg5[%add3A_273, %mul3A_30] : memref<100000x64xf32, #tpu.memory_space<hbm>> -> memref<625x16xf32, #tpu.memory_space<hbm>>
      %dma_wait3A_519 = tpu.memref_slice %arg5[%add3A_273, %mul3A_30] : memref<100000x64xf32, #tpu.memory_space<hbm>> -> memref<625x16xf32, #tpu.memory_space<hbm>>
      tpu.wait_dma2 semaphore(%run_scoped3A : memref<!tpu.dma_semaphore, #tpu.memory_space<semaphore_mem>>) src(%arg10 : memref<625x16xf32, #tpu.memory_space<vmem>>) dst(%dma_wait3A_519 : memref<625x16xf32, #tpu.memory_space<hbm>>)
      tpu.yield
    }) : () -> ()
    %add3A_274 = arith.constant 3125 : i32
    %add3A_275 = arith.addi %mul3A_4, %add3A_274 : i32
    "tpu.region"() ({
      %run_scoped3A = tpu.sem_alloc : memref<!tpu.dma_semaphore, #tpu.memory_space<semaphore_mem>>
      %dma_start3A_516 = arith.constant 0 : i32
      %dma_start3A_517 = tpu.memref_slice %arg11[%add3A_275, %dma_start3A_516] : memref<100000x16xf32, #tpu.memory_space<vmem_shared>> -> memref<625x16xf32, #tpu.memory_space<vmem_shared>>
      %dma_start3A_518 = arith.constant 0 : i32
      %dma_start3A_519 = tpu.memref_slice %arg11[%add3A_275, %dma_start3A_518] : memref<100000x16xf32, #tpu.memory_space<vmem_shared>> -> memref<625x16xf32, #tpu.memory_space<vmem_shared>>
      tpu.enqueue_dma source(%dma_start3A_519 : memref<625x16xf32, #tpu.memory_space<vmem_shared>>) target(%arg10 : memref<625x16xf32, #tpu.memory_space<vmem>>) target_semaphore(%run_scoped3A : memref<!tpu.dma_semaphore, #tpu.memory_space<semaphore_mem>>)
      %dma_wait3A_520 = arith.constant 0 : i32
      %dma_wait3A_521 = tpu.memref_slice %arg11[%add3A_275, %dma_wait3A_520] : memref<100000x16xf32, #tpu.memory_space<vmem_shared>> -> memref<625x16xf32, #tpu.memory_space<vmem_shared>>
      %dma_wait3A_522 = arith.constant 0 : i32
      %dma_wait3A_523 = tpu.memref_slice %arg11[%add3A_275, %dma_wait3A_522] : memref<100000x16xf32, #tpu.memory_space<vmem_shared>> -> memref<625x16xf32, #tpu.memory_space<vmem_shared>>
      tpu.wait_dma2 semaphore(%run_scoped3A : memref<!tpu.dma_semaphore, #tpu.memory_space<semaphore_mem>>) src(%dma_wait3A_523 : memref<625x16xf32, #tpu.memory_space<vmem_shared>>) dst(%arg10 : memref<625x16xf32, #tpu.memory_space<vmem>>)
      tpu.yield
    }) : () -> ()
    "tpu.region"() ({
      %run_scoped3A = tpu.sem_alloc : memref<!tpu.dma_semaphore, #tpu.memory_space<semaphore_mem>>
      %dma_start3A_516 = tpu.memref_slice %arg5[%add3A_275, %mul3A_30] : memref<100000x64xf32, #tpu.memory_space<hbm>> -> memref<625x16xf32, #tpu.memory_space<hbm>>
      %dma_start3A_517 = tpu.memref_slice %arg5[%add3A_275, %mul3A_30] : memref<100000x64xf32, #tpu.memory_space<hbm>> -> memref<625x16xf32, #tpu.memory_space<hbm>>
      tpu.enqueue_dma source(%arg10 : memref<625x16xf32, #tpu.memory_space<vmem>>) target(%dma_start3A_517 : memref<625x16xf32, #tpu.memory_space<hbm>>) target_semaphore(%run_scoped3A : memref<!tpu.dma_semaphore, #tpu.memory_space<semaphore_mem>>)
      %dma_wait3A_518 = tpu.memref_slice %arg5[%add3A_275, %mul3A_30] : memref<100000x64xf32, #tpu.memory_space<hbm>> -> memref<625x16xf32, #tpu.memory_space<hbm>>
      %dma_wait3A_519 = tpu.memref_slice %arg5[%add3A_275, %mul3A_30] : memref<100000x64xf32, #tpu.memory_space<hbm>> -> memref<625x16xf32, #tpu.memory_space<hbm>>
      tpu.wait_dma2 semaphore(%run_scoped3A : memref<!tpu.dma_semaphore, #tpu.memory_space<semaphore_mem>>) src(%arg10 : memref<625x16xf32, #tpu.memory_space<vmem>>) dst(%dma_wait3A_519 : memref<625x16xf32, #tpu.memory_space<hbm>>)
      tpu.yield
    }) : () -> ()
    %add3A_276 = arith.constant 3750 : i32
    %add3A_277 = arith.addi %mul3A_4, %add3A_276 : i32
    "tpu.region"() ({
      %run_scoped3A = tpu.sem_alloc : memref<!tpu.dma_semaphore, #tpu.memory_space<semaphore_mem>>
      %dma_start3A_516 = arith.constant 0 : i32
      %dma_start3A_517 = tpu.memref_slice %arg11[%add3A_277, %dma_start3A_516] : memref<100000x16xf32, #tpu.memory_space<vmem_shared>> -> memref<625x16xf32, #tpu.memory_space<vmem_shared>>
      %dma_start3A_518 = arith.constant 0 : i32
      %dma_start3A_519 = tpu.memref_slice %arg11[%add3A_277, %dma_start3A_518] : memref<100000x16xf32, #tpu.memory_space<vmem_shared>> -> memref<625x16xf32, #tpu.memory_space<vmem_shared>>
      tpu.enqueue_dma source(%dma_start3A_519 : memref<625x16xf32, #tpu.memory_space<vmem_shared>>) target(%arg10 : memref<625x16xf32, #tpu.memory_space<vmem>>) target_semaphore(%run_scoped3A : memref<!tpu.dma_semaphore, #tpu.memory_space<semaphore_mem>>)
      %dma_wait3A_520 = arith.constant 0 : i32
      %dma_wait3A_521 = tpu.memref_slice %arg11[%add3A_277, %dma_wait3A_520] : memref<100000x16xf32, #tpu.memory_space<vmem_shared>> -> memref<625x16xf32, #tpu.memory_space<vmem_shared>>
      %dma_wait3A_522 = arith.constant 0 : i32
      %dma_wait3A_523 = tpu.memref_slice %arg11[%add3A_277, %dma_wait3A_522] : memref<100000x16xf32, #tpu.memory_space<vmem_shared>> -> memref<625x16xf32, #tpu.memory_space<vmem_shared>>
      tpu.wait_dma2 semaphore(%run_scoped3A : memref<!tpu.dma_semaphore, #tpu.memory_space<semaphore_mem>>) src(%dma_wait3A_523 : memref<625x16xf32, #tpu.memory_space<vmem_shared>>) dst(%arg10 : memref<625x16xf32, #tpu.memory_space<vmem>>)
      tpu.yield
    }) : () -> ()
    "tpu.region"() ({
      %run_scoped3A = tpu.sem_alloc : memref<!tpu.dma_semaphore, #tpu.memory_space<semaphore_mem>>
      %dma_start3A_516 = tpu.memref_slice %arg5[%add3A_277, %mul3A_30] : memref<100000x64xf32, #tpu.memory_space<hbm>> -> memref<625x16xf32, #tpu.memory_space<hbm>>
      %dma_start3A_517 = tpu.memref_slice %arg5[%add3A_277, %mul3A_30] : memref<100000x64xf32, #tpu.memory_space<hbm>> -> memref<625x16xf32, #tpu.memory_space<hbm>>
      tpu.enqueue_dma source(%arg10 : memref<625x16xf32, #tpu.memory_space<vmem>>) target(%dma_start3A_517 : memref<625x16xf32, #tpu.memory_space<hbm>>) target_semaphore(%run_scoped3A : memref<!tpu.dma_semaphore, #tpu.memory_space<semaphore_mem>>)
      %dma_wait3A_518 = tpu.memref_slice %arg5[%add3A_277, %mul3A_30] : memref<100000x64xf32, #tpu.memory_space<hbm>> -> memref<625x16xf32, #tpu.memory_space<hbm>>
      %dma_wait3A_519 = tpu.memref_slice %arg5[%add3A_277, %mul3A_30] : memref<100000x64xf32, #tpu.memory_space<hbm>> -> memref<625x16xf32, #tpu.memory_space<hbm>>
      tpu.wait_dma2 semaphore(%run_scoped3A : memref<!tpu.dma_semaphore, #tpu.memory_space<semaphore_mem>>) src(%arg10 : memref<625x16xf32, #tpu.memory_space<vmem>>) dst(%dma_wait3A_519 : memref<625x16xf32, #tpu.memory_space<hbm>>)
      tpu.yield
    }) : () -> ()
    %add3A_278 = arith.constant 4375 : i32
    %add3A_279 = arith.addi %mul3A_4, %add3A_278 : i32
    "tpu.region"() ({
      %run_scoped3A = tpu.sem_alloc : memref<!tpu.dma_semaphore, #tpu.memory_space<semaphore_mem>>
      %dma_start3A_516 = arith.constant 0 : i32
      %dma_start3A_517 = tpu.memref_slice %arg11[%add3A_279, %dma_start3A_516] : memref<100000x16xf32, #tpu.memory_space<vmem_shared>> -> memref<625x16xf32, #tpu.memory_space<vmem_shared>>
      %dma_start3A_518 = arith.constant 0 : i32
      %dma_start3A_519 = tpu.memref_slice %arg11[%add3A_279, %dma_start3A_518] : memref<100000x16xf32, #tpu.memory_space<vmem_shared>> -> memref<625x16xf32, #tpu.memory_space<vmem_shared>>
      tpu.enqueue_dma source(%dma_start3A_519 : memref<625x16xf32, #tpu.memory_space<vmem_shared>>) target(%arg10 : memref<625x16xf32, #tpu.memory_space<vmem>>) target_semaphore(%run_scoped3A : memref<!tpu.dma_semaphore, #tpu.memory_space<semaphore_mem>>)
      %dma_wait3A_520 = arith.constant 0 : i32
      %dma_wait3A_521 = tpu.memref_slice %arg11[%add3A_279, %dma_wait3A_520] : memref<100000x16xf32, #tpu.memory_space<vmem_shared>> -> memref<625x16xf32, #tpu.memory_space<vmem_shared>>
      %dma_wait3A_522 = arith.constant 0 : i32
      %dma_wait3A_523 = tpu.memref_slice %arg11[%add3A_279, %dma_wait3A_522] : memref<100000x16xf32, #tpu.memory_space<vmem_shared>> -> memref<625x16xf32, #tpu.memory_space<vmem_shared>>
      tpu.wait_dma2 semaphore(%run_scoped3A : memref<!tpu.dma_semaphore, #tpu.memory_space<semaphore_mem>>) src(%dma_wait3A_523 : memref<625x16xf32, #tpu.memory_space<vmem_shared>>) dst(%arg10 : memref<625x16xf32, #tpu.memory_space<vmem>>)
      tpu.yield
    }) : () -> ()
    "tpu.region"() ({
      %run_scoped3A = tpu.sem_alloc : memref<!tpu.dma_semaphore, #tpu.memory_space<semaphore_mem>>
      %dma_start3A_516 = tpu.memref_slice %arg5[%add3A_279, %mul3A_30] : memref<100000x64xf32, #tpu.memory_space<hbm>> -> memref<625x16xf32, #tpu.memory_space<hbm>>
      %dma_start3A_517 = tpu.memref_slice %arg5[%add3A_279, %mul3A_30] : memref<100000x64xf32, #tpu.memory_space<hbm>> -> memref<625x16xf32, #tpu.memory_space<hbm>>
      tpu.enqueue_dma source(%arg10 : memref<625x16xf32, #tpu.memory_space<vmem>>) target(%dma_start3A_517 : memref<625x16xf32, #tpu.memory_space<hbm>>) target_semaphore(%run_scoped3A : memref<!tpu.dma_semaphore, #tpu.memory_space<semaphore_mem>>)
      %dma_wait3A_518 = tpu.memref_slice %arg5[%add3A_279, %mul3A_30] : memref<100000x64xf32, #tpu.memory_space<hbm>> -> memref<625x16xf32, #tpu.memory_space<hbm>>
      %dma_wait3A_519 = tpu.memref_slice %arg5[%add3A_279, %mul3A_30] : memref<100000x64xf32, #tpu.memory_space<hbm>> -> memref<625x16xf32, #tpu.memory_space<hbm>>
      tpu.wait_dma2 semaphore(%run_scoped3A : memref<!tpu.dma_semaphore, #tpu.memory_space<semaphore_mem>>) src(%arg10 : memref<625x16xf32, #tpu.memory_space<vmem>>) dst(%dma_wait3A_519 : memref<625x16xf32, #tpu.memory_space<hbm>>)
      tpu.yield
    }) : () -> ()
    %add3A_280 = arith.constant 5000 : i32
    %add3A_281 = arith.addi %mul3A_4, %add3A_280 : i32
    "tpu.region"() ({
      %run_scoped3A = tpu.sem_alloc : memref<!tpu.dma_semaphore, #tpu.memory_space<semaphore_mem>>
      %dma_start3A_516 = arith.constant 0 : i32
      %dma_start3A_517 = tpu.memref_slice %arg11[%add3A_281, %dma_start3A_516] : memref<100000x16xf32, #tpu.memory_space<vmem_shared>> -> memref<625x16xf32, #tpu.memory_space<vmem_shared>>
      %dma_start3A_518 = arith.constant 0 : i32
      %dma_start3A_519 = tpu.memref_slice %arg11[%add3A_281, %dma_start3A_518] : memref<100000x16xf32, #tpu.memory_space<vmem_shared>> -> memref<625x16xf32, #tpu.memory_space<vmem_shared>>
      tpu.enqueue_dma source(%dma_start3A_519 : memref<625x16xf32, #tpu.memory_space<vmem_shared>>) target(%arg10 : memref<625x16xf32, #tpu.memory_space<vmem>>) target_semaphore(%run_scoped3A : memref<!tpu.dma_semaphore, #tpu.memory_space<semaphore_mem>>)
      %dma_wait3A_520 = arith.constant 0 : i32
      %dma_wait3A_521 = tpu.memref_slice %arg11[%add3A_281, %dma_wait3A_520] : memref<100000x16xf32, #tpu.memory_space<vmem_shared>> -> memref<625x16xf32, #tpu.memory_space<vmem_shared>>
      %dma_wait3A_522 = arith.constant 0 : i32
      %dma_wait3A_523 = tpu.memref_slice %arg11[%add3A_281, %dma_wait3A_522] : memref<100000x16xf32, #tpu.memory_space<vmem_shared>> -> memref<625x16xf32, #tpu.memory_space<vmem_shared>>
      tpu.wait_dma2 semaphore(%run_scoped3A : memref<!tpu.dma_semaphore, #tpu.memory_space<semaphore_mem>>) src(%dma_wait3A_523 : memref<625x16xf32, #tpu.memory_space<vmem_shared>>) dst(%arg10 : memref<625x16xf32, #tpu.memory_space<vmem>>)
      tpu.yield
    }) : () -> ()
    "tpu.region"() ({
      %run_scoped3A = tpu.sem_alloc : memref<!tpu.dma_semaphore, #tpu.memory_space<semaphore_mem>>
      %dma_start3A_516 = tpu.memref_slice %arg5[%add3A_281, %mul3A_30] : memref<100000x64xf32, #tpu.memory_space<hbm>> -> memref<625x16xf32, #tpu.memory_space<hbm>>
      %dma_start3A_517 = tpu.memref_slice %arg5[%add3A_281, %mul3A_30] : memref<100000x64xf32, #tpu.memory_space<hbm>> -> memref<625x16xf32, #tpu.memory_space<hbm>>
      tpu.enqueue_dma source(%arg10 : memref<625x16xf32, #tpu.memory_space<vmem>>) target(%dma_start3A_517 : memref<625x16xf32, #tpu.memory_space<hbm>>) target_semaphore(%run_scoped3A : memref<!tpu.dma_semaphore, #tpu.memory_space<semaphore_mem>>)
      %dma_wait3A_518 = tpu.memref_slice %arg5[%add3A_281, %mul3A_30] : memref<100000x64xf32, #tpu.memory_space<hbm>> -> memref<625x16xf32, #tpu.memory_space<hbm>>
      %dma_wait3A_519 = tpu.memref_slice %arg5[%add3A_281, %mul3A_30] : memref<100000x64xf32, #tpu.memory_space<hbm>> -> memref<625x16xf32, #tpu.memory_space<hbm>>
      tpu.wait_dma2 semaphore(%run_scoped3A : memref<!tpu.dma_semaphore, #tpu.memory_space<semaphore_mem>>) src(%arg10 : memref<625x16xf32, #tpu.memory_space<vmem>>) dst(%dma_wait3A_519 : memref<625x16xf32, #tpu.memory_space<hbm>>)
      tpu.yield
    }) : () -> ()
    %add3A_282 = arith.constant 5625 : i32
    %add3A_283 = arith.addi %mul3A_4, %add3A_282 : i32
    "tpu.region"() ({
      %run_scoped3A = tpu.sem_alloc : memref<!tpu.dma_semaphore, #tpu.memory_space<semaphore_mem>>
      %dma_start3A_516 = arith.constant 0 : i32
      %dma_start3A_517 = tpu.memref_slice %arg11[%add3A_283, %dma_start3A_516] : memref<100000x16xf32, #tpu.memory_space<vmem_shared>> -> memref<625x16xf32, #tpu.memory_space<vmem_shared>>
      %dma_start3A_518 = arith.constant 0 : i32
      %dma_start3A_519 = tpu.memref_slice %arg11[%add3A_283, %dma_start3A_518] : memref<100000x16xf32, #tpu.memory_space<vmem_shared>> -> memref<625x16xf32, #tpu.memory_space<vmem_shared>>
      tpu.enqueue_dma source(%dma_start3A_519 : memref<625x16xf32, #tpu.memory_space<vmem_shared>>) target(%arg10 : memref<625x16xf32, #tpu.memory_space<vmem>>) target_semaphore(%run_scoped3A : memref<!tpu.dma_semaphore, #tpu.memory_space<semaphore_mem>>)
      %dma_wait3A_520 = arith.constant 0 : i32
      %dma_wait3A_521 = tpu.memref_slice %arg11[%add3A_283, %dma_wait3A_520] : memref<100000x16xf32, #tpu.memory_space<vmem_shared>> -> memref<625x16xf32, #tpu.memory_space<vmem_shared>>
      %dma_wait3A_522 = arith.constant 0 : i32
      %dma_wait3A_523 = tpu.memref_slice %arg11[%add3A_283, %dma_wait3A_522] : memref<100000x16xf32, #tpu.memory_space<vmem_shared>> -> memref<625x16xf32, #tpu.memory_space<vmem_shared>>
      tpu.wait_dma2 semaphore(%run_scoped3A : memref<!tpu.dma_semaphore, #tpu.memory_space<semaphore_mem>>) src(%dma_wait3A_523 : memref<625x16xf32, #tpu.memory_space<vmem_shared>>) dst(%arg10 : memref<625x16xf32, #tpu.memory_space<vmem>>)
      tpu.yield
    }) : () -> ()
    "tpu.region"() ({
      %run_scoped3A = tpu.sem_alloc : memref<!tpu.dma_semaphore, #tpu.memory_space<semaphore_mem>>
      %dma_start3A_516 = tpu.memref_slice %arg5[%add3A_283, %mul3A_30] : memref<100000x64xf32, #tpu.memory_space<hbm>> -> memref<625x16xf32, #tpu.memory_space<hbm>>
      %dma_start3A_517 = tpu.memref_slice %arg5[%add3A_283, %mul3A_30] : memref<100000x64xf32, #tpu.memory_space<hbm>> -> memref<625x16xf32, #tpu.memory_space<hbm>>
      tpu.enqueue_dma source(%arg10 : memref<625x16xf32, #tpu.memory_space<vmem>>) target(%dma_start3A_517 : memref<625x16xf32, #tpu.memory_space<hbm>>) target_semaphore(%run_scoped3A : memref<!tpu.dma_semaphore, #tpu.memory_space<semaphore_mem>>)
      %dma_wait3A_518 = tpu.memref_slice %arg5[%add3A_283, %mul3A_30] : memref<100000x64xf32, #tpu.memory_space<hbm>> -> memref<625x16xf32, #tpu.memory_space<hbm>>
      %dma_wait3A_519 = tpu.memref_slice %arg5[%add3A_283, %mul3A_30] : memref<100000x64xf32, #tpu.memory_space<hbm>> -> memref<625x16xf32, #tpu.memory_space<hbm>>
      tpu.wait_dma2 semaphore(%run_scoped3A : memref<!tpu.dma_semaphore, #tpu.memory_space<semaphore_mem>>) src(%arg10 : memref<625x16xf32, #tpu.memory_space<vmem>>) dst(%dma_wait3A_519 : memref<625x16xf32, #tpu.memory_space<hbm>>)
      tpu.yield
    }) : () -> ()
    %add3A_284 = arith.constant 2 : i32
    %add3A_285 = arith.addi %add3A_284, %arg0 : i32
    %mul3A_286 = arith.constant 16 : i32
    %mul3A_287 = arith.muli %add3A_285, %mul3A_286 : i32
    %add3A_288 = arith.constant 0 : i32
    %add3A_289 = arith.addi %mul3A_4, %add3A_288 : i32
    "tpu.region"() ({
      %run_scoped3A = tpu.sem_alloc : memref<!tpu.dma_semaphore, #tpu.memory_space<semaphore_mem>>
      %dma_start3A_516 = tpu.memref_slice %arg4[%add3A_289, %mul3A_287] : memref<100000x64xf32, #tpu.memory_space<hbm>> -> memref<625x16xf32, #tpu.memory_space<hbm>>
      %dma_start3A_517 = tpu.memref_slice %arg4[%add3A_289, %mul3A_287] : memref<100000x64xf32, #tpu.memory_space<hbm>> -> memref<625x16xf32, #tpu.memory_space<hbm>>
      tpu.enqueue_dma source(%dma_start3A_517 : memref<625x16xf32, #tpu.memory_space<hbm>>) target(%arg10 : memref<625x16xf32, #tpu.memory_space<vmem>>) target_semaphore(%run_scoped3A : memref<!tpu.dma_semaphore, #tpu.memory_space<semaphore_mem>>)
      %dma_wait3A_518 = tpu.memref_slice %arg4[%add3A_289, %mul3A_287] : memref<100000x64xf32, #tpu.memory_space<hbm>> -> memref<625x16xf32, #tpu.memory_space<hbm>>
      %dma_wait3A_519 = tpu.memref_slice %arg4[%add3A_289, %mul3A_287] : memref<100000x64xf32, #tpu.memory_space<hbm>> -> memref<625x16xf32, #tpu.memory_space<hbm>>
      tpu.wait_dma2 semaphore(%run_scoped3A : memref<!tpu.dma_semaphore, #tpu.memory_space<semaphore_mem>>) src(%dma_wait3A_519 : memref<625x16xf32, #tpu.memory_space<hbm>>) dst(%arg10 : memref<625x16xf32, #tpu.memory_space<vmem>>)
      tpu.yield
    }) : () -> ()
    "tpu.region"() ({
      %run_scoped3A = tpu.sem_alloc : memref<!tpu.dma_semaphore, #tpu.memory_space<semaphore_mem>>
      %dma_start3A_516 = arith.constant 0 : i32
      %dma_start3A_517 = tpu.memref_slice %arg11[%add3A_289, %dma_start3A_516] : memref<100000x16xf32, #tpu.memory_space<vmem_shared>> -> memref<625x16xf32, #tpu.memory_space<vmem_shared>>
      %dma_start3A_518 = arith.constant 0 : i32
      %dma_start3A_519 = tpu.memref_slice %arg11[%add3A_289, %dma_start3A_518] : memref<100000x16xf32, #tpu.memory_space<vmem_shared>> -> memref<625x16xf32, #tpu.memory_space<vmem_shared>>
      tpu.enqueue_dma source(%arg10 : memref<625x16xf32, #tpu.memory_space<vmem>>) target(%dma_start3A_519 : memref<625x16xf32, #tpu.memory_space<vmem_shared>>) target_semaphore(%run_scoped3A : memref<!tpu.dma_semaphore, #tpu.memory_space<semaphore_mem>>)
      %dma_wait3A_520 = arith.constant 0 : i32
      %dma_wait3A_521 = tpu.memref_slice %arg11[%add3A_289, %dma_wait3A_520] : memref<100000x16xf32, #tpu.memory_space<vmem_shared>> -> memref<625x16xf32, #tpu.memory_space<vmem_shared>>
      %dma_wait3A_522 = arith.constant 0 : i32
      %dma_wait3A_523 = tpu.memref_slice %arg11[%add3A_289, %dma_wait3A_522] : memref<100000x16xf32, #tpu.memory_space<vmem_shared>> -> memref<625x16xf32, #tpu.memory_space<vmem_shared>>
      tpu.wait_dma2 semaphore(%run_scoped3A : memref<!tpu.dma_semaphore, #tpu.memory_space<semaphore_mem>>) src(%arg10 : memref<625x16xf32, #tpu.memory_space<vmem>>) dst(%dma_wait3A_523 : memref<625x16xf32, #tpu.memory_space<vmem_shared>>)
      tpu.yield
    }) : () -> ()
    %add3A_290 = arith.constant 625 : i32
    %add3A_291 = arith.addi %mul3A_4, %add3A_290 : i32
    "tpu.region"() ({
      %run_scoped3A = tpu.sem_alloc : memref<!tpu.dma_semaphore, #tpu.memory_space<semaphore_mem>>
      %dma_start3A_516 = tpu.memref_slice %arg4[%add3A_291, %mul3A_287] : memref<100000x64xf32, #tpu.memory_space<hbm>> -> memref<625x16xf32, #tpu.memory_space<hbm>>
      %dma_start3A_517 = tpu.memref_slice %arg4[%add3A_291, %mul3A_287] : memref<100000x64xf32, #tpu.memory_space<hbm>> -> memref<625x16xf32, #tpu.memory_space<hbm>>
      tpu.enqueue_dma source(%dma_start3A_517 : memref<625x16xf32, #tpu.memory_space<hbm>>) target(%arg10 : memref<625x16xf32, #tpu.memory_space<vmem>>) target_semaphore(%run_scoped3A : memref<!tpu.dma_semaphore, #tpu.memory_space<semaphore_mem>>)
      %dma_wait3A_518 = tpu.memref_slice %arg4[%add3A_291, %mul3A_287] : memref<100000x64xf32, #tpu.memory_space<hbm>> -> memref<625x16xf32, #tpu.memory_space<hbm>>
      %dma_wait3A_519 = tpu.memref_slice %arg4[%add3A_291, %mul3A_287] : memref<100000x64xf32, #tpu.memory_space<hbm>> -> memref<625x16xf32, #tpu.memory_space<hbm>>
      tpu.wait_dma2 semaphore(%run_scoped3A : memref<!tpu.dma_semaphore, #tpu.memory_space<semaphore_mem>>) src(%dma_wait3A_519 : memref<625x16xf32, #tpu.memory_space<hbm>>) dst(%arg10 : memref<625x16xf32, #tpu.memory_space<vmem>>)
      tpu.yield
    }) : () -> ()
    "tpu.region"() ({
      %run_scoped3A = tpu.sem_alloc : memref<!tpu.dma_semaphore, #tpu.memory_space<semaphore_mem>>
      %dma_start3A_516 = arith.constant 0 : i32
      %dma_start3A_517 = tpu.memref_slice %arg11[%add3A_291, %dma_start3A_516] : memref<100000x16xf32, #tpu.memory_space<vmem_shared>> -> memref<625x16xf32, #tpu.memory_space<vmem_shared>>
      %dma_start3A_518 = arith.constant 0 : i32
      %dma_start3A_519 = tpu.memref_slice %arg11[%add3A_291, %dma_start3A_518] : memref<100000x16xf32, #tpu.memory_space<vmem_shared>> -> memref<625x16xf32, #tpu.memory_space<vmem_shared>>
      tpu.enqueue_dma source(%arg10 : memref<625x16xf32, #tpu.memory_space<vmem>>) target(%dma_start3A_519 : memref<625x16xf32, #tpu.memory_space<vmem_shared>>) target_semaphore(%run_scoped3A : memref<!tpu.dma_semaphore, #tpu.memory_space<semaphore_mem>>)
      %dma_wait3A_520 = arith.constant 0 : i32
      %dma_wait3A_521 = tpu.memref_slice %arg11[%add3A_291, %dma_wait3A_520] : memref<100000x16xf32, #tpu.memory_space<vmem_shared>> -> memref<625x16xf32, #tpu.memory_space<vmem_shared>>
      %dma_wait3A_522 = arith.constant 0 : i32
      %dma_wait3A_523 = tpu.memref_slice %arg11[%add3A_291, %dma_wait3A_522] : memref<100000x16xf32, #tpu.memory_space<vmem_shared>> -> memref<625x16xf32, #tpu.memory_space<vmem_shared>>
      tpu.wait_dma2 semaphore(%run_scoped3A : memref<!tpu.dma_semaphore, #tpu.memory_space<semaphore_mem>>) src(%arg10 : memref<625x16xf32, #tpu.memory_space<vmem>>) dst(%dma_wait3A_523 : memref<625x16xf32, #tpu.memory_space<vmem_shared>>)
      tpu.yield
    }) : () -> ()
    %add3A_292 = arith.constant 1250 : i32
    %add3A_293 = arith.addi %mul3A_4, %add3A_292 : i32
    "tpu.region"() ({
      %run_scoped3A = tpu.sem_alloc : memref<!tpu.dma_semaphore, #tpu.memory_space<semaphore_mem>>
      %dma_start3A_516 = tpu.memref_slice %arg4[%add3A_293, %mul3A_287] : memref<100000x64xf32, #tpu.memory_space<hbm>> -> memref<625x16xf32, #tpu.memory_space<hbm>>
      %dma_start3A_517 = tpu.memref_slice %arg4[%add3A_293, %mul3A_287] : memref<100000x64xf32, #tpu.memory_space<hbm>> -> memref<625x16xf32, #tpu.memory_space<hbm>>
      tpu.enqueue_dma source(%dma_start3A_517 : memref<625x16xf32, #tpu.memory_space<hbm>>) target(%arg10 : memref<625x16xf32, #tpu.memory_space<vmem>>) target_semaphore(%run_scoped3A : memref<!tpu.dma_semaphore, #tpu.memory_space<semaphore_mem>>)
      %dma_wait3A_518 = tpu.memref_slice %arg4[%add3A_293, %mul3A_287] : memref<100000x64xf32, #tpu.memory_space<hbm>> -> memref<625x16xf32, #tpu.memory_space<hbm>>
      %dma_wait3A_519 = tpu.memref_slice %arg4[%add3A_293, %mul3A_287] : memref<100000x64xf32, #tpu.memory_space<hbm>> -> memref<625x16xf32, #tpu.memory_space<hbm>>
      tpu.wait_dma2 semaphore(%run_scoped3A : memref<!tpu.dma_semaphore, #tpu.memory_space<semaphore_mem>>) src(%dma_wait3A_519 : memref<625x16xf32, #tpu.memory_space<hbm>>) dst(%arg10 : memref<625x16xf32, #tpu.memory_space<vmem>>)
      tpu.yield
    }) : () -> ()
    "tpu.region"() ({
      %run_scoped3A = tpu.sem_alloc : memref<!tpu.dma_semaphore, #tpu.memory_space<semaphore_mem>>
      %dma_start3A_516 = arith.constant 0 : i32
      %dma_start3A_517 = tpu.memref_slice %arg11[%add3A_293, %dma_start3A_516] : memref<100000x16xf32, #tpu.memory_space<vmem_shared>> -> memref<625x16xf32, #tpu.memory_space<vmem_shared>>
      %dma_start3A_518 = arith.constant 0 : i32
      %dma_start3A_519 = tpu.memref_slice %arg11[%add3A_293, %dma_start3A_518] : memref<100000x16xf32, #tpu.memory_space<vmem_shared>> -> memref<625x16xf32, #tpu.memory_space<vmem_shared>>
      tpu.enqueue_dma source(%arg10 : memref<625x16xf32, #tpu.memory_space<vmem>>) target(%dma_start3A_519 : memref<625x16xf32, #tpu.memory_space<vmem_shared>>) target_semaphore(%run_scoped3A : memref<!tpu.dma_semaphore, #tpu.memory_space<semaphore_mem>>)
      %dma_wait3A_520 = arith.constant 0 : i32
      %dma_wait3A_521 = tpu.memref_slice %arg11[%add3A_293, %dma_wait3A_520] : memref<100000x16xf32, #tpu.memory_space<vmem_shared>> -> memref<625x16xf32, #tpu.memory_space<vmem_shared>>
      %dma_wait3A_522 = arith.constant 0 : i32
      %dma_wait3A_523 = tpu.memref_slice %arg11[%add3A_293, %dma_wait3A_522] : memref<100000x16xf32, #tpu.memory_space<vmem_shared>> -> memref<625x16xf32, #tpu.memory_space<vmem_shared>>
      tpu.wait_dma2 semaphore(%run_scoped3A : memref<!tpu.dma_semaphore, #tpu.memory_space<semaphore_mem>>) src(%arg10 : memref<625x16xf32, #tpu.memory_space<vmem>>) dst(%dma_wait3A_523 : memref<625x16xf32, #tpu.memory_space<vmem_shared>>)
      tpu.yield
    }) : () -> ()
    %add3A_294 = arith.constant 1875 : i32
    %add3A_295 = arith.addi %mul3A_4, %add3A_294 : i32
    "tpu.region"() ({
      %run_scoped3A = tpu.sem_alloc : memref<!tpu.dma_semaphore, #tpu.memory_space<semaphore_mem>>
      %dma_start3A_516 = tpu.memref_slice %arg4[%add3A_295, %mul3A_287] : memref<100000x64xf32, #tpu.memory_space<hbm>> -> memref<625x16xf32, #tpu.memory_space<hbm>>
      %dma_start3A_517 = tpu.memref_slice %arg4[%add3A_295, %mul3A_287] : memref<100000x64xf32, #tpu.memory_space<hbm>> -> memref<625x16xf32, #tpu.memory_space<hbm>>
      tpu.enqueue_dma source(%dma_start3A_517 : memref<625x16xf32, #tpu.memory_space<hbm>>) target(%arg10 : memref<625x16xf32, #tpu.memory_space<vmem>>) target_semaphore(%run_scoped3A : memref<!tpu.dma_semaphore, #tpu.memory_space<semaphore_mem>>)
      %dma_wait3A_518 = tpu.memref_slice %arg4[%add3A_295, %mul3A_287] : memref<100000x64xf32, #tpu.memory_space<hbm>> -> memref<625x16xf32, #tpu.memory_space<hbm>>
      %dma_wait3A_519 = tpu.memref_slice %arg4[%add3A_295, %mul3A_287] : memref<100000x64xf32, #tpu.memory_space<hbm>> -> memref<625x16xf32, #tpu.memory_space<hbm>>
      tpu.wait_dma2 semaphore(%run_scoped3A : memref<!tpu.dma_semaphore, #tpu.memory_space<semaphore_mem>>) src(%dma_wait3A_519 : memref<625x16xf32, #tpu.memory_space<hbm>>) dst(%arg10 : memref<625x16xf32, #tpu.memory_space<vmem>>)
      tpu.yield
    }) : () -> ()
    "tpu.region"() ({
      %run_scoped3A = tpu.sem_alloc : memref<!tpu.dma_semaphore, #tpu.memory_space<semaphore_mem>>
      %dma_start3A_516 = arith.constant 0 : i32
      %dma_start3A_517 = tpu.memref_slice %arg11[%add3A_295, %dma_start3A_516] : memref<100000x16xf32, #tpu.memory_space<vmem_shared>> -> memref<625x16xf32, #tpu.memory_space<vmem_shared>>
      %dma_start3A_518 = arith.constant 0 : i32
      %dma_start3A_519 = tpu.memref_slice %arg11[%add3A_295, %dma_start3A_518] : memref<100000x16xf32, #tpu.memory_space<vmem_shared>> -> memref<625x16xf32, #tpu.memory_space<vmem_shared>>
      tpu.enqueue_dma source(%arg10 : memref<625x16xf32, #tpu.memory_space<vmem>>) target(%dma_start3A_519 : memref<625x16xf32, #tpu.memory_space<vmem_shared>>) target_semaphore(%run_scoped3A : memref<!tpu.dma_semaphore, #tpu.memory_space<semaphore_mem>>)
      %dma_wait3A_520 = arith.constant 0 : i32
      %dma_wait3A_521 = tpu.memref_slice %arg11[%add3A_295, %dma_wait3A_520] : memref<100000x16xf32, #tpu.memory_space<vmem_shared>> -> memref<625x16xf32, #tpu.memory_space<vmem_shared>>
      %dma_wait3A_522 = arith.constant 0 : i32
      %dma_wait3A_523 = tpu.memref_slice %arg11[%add3A_295, %dma_wait3A_522] : memref<100000x16xf32, #tpu.memory_space<vmem_shared>> -> memref<625x16xf32, #tpu.memory_space<vmem_shared>>
      tpu.wait_dma2 semaphore(%run_scoped3A : memref<!tpu.dma_semaphore, #tpu.memory_space<semaphore_mem>>) src(%arg10 : memref<625x16xf32, #tpu.memory_space<vmem>>) dst(%dma_wait3A_523 : memref<625x16xf32, #tpu.memory_space<vmem_shared>>)
      tpu.yield
    }) : () -> ()
    %add3A_296 = arith.constant 2500 : i32
    %add3A_297 = arith.addi %mul3A_4, %add3A_296 : i32
    "tpu.region"() ({
      %run_scoped3A = tpu.sem_alloc : memref<!tpu.dma_semaphore, #tpu.memory_space<semaphore_mem>>
      %dma_start3A_516 = tpu.memref_slice %arg4[%add3A_297, %mul3A_287] : memref<100000x64xf32, #tpu.memory_space<hbm>> -> memref<625x16xf32, #tpu.memory_space<hbm>>
      %dma_start3A_517 = tpu.memref_slice %arg4[%add3A_297, %mul3A_287] : memref<100000x64xf32, #tpu.memory_space<hbm>> -> memref<625x16xf32, #tpu.memory_space<hbm>>
      tpu.enqueue_dma source(%dma_start3A_517 : memref<625x16xf32, #tpu.memory_space<hbm>>) target(%arg10 : memref<625x16xf32, #tpu.memory_space<vmem>>) target_semaphore(%run_scoped3A : memref<!tpu.dma_semaphore, #tpu.memory_space<semaphore_mem>>)
      %dma_wait3A_518 = tpu.memref_slice %arg4[%add3A_297, %mul3A_287] : memref<100000x64xf32, #tpu.memory_space<hbm>> -> memref<625x16xf32, #tpu.memory_space<hbm>>
      %dma_wait3A_519 = tpu.memref_slice %arg4[%add3A_297, %mul3A_287] : memref<100000x64xf32, #tpu.memory_space<hbm>> -> memref<625x16xf32, #tpu.memory_space<hbm>>
      tpu.wait_dma2 semaphore(%run_scoped3A : memref<!tpu.dma_semaphore, #tpu.memory_space<semaphore_mem>>) src(%dma_wait3A_519 : memref<625x16xf32, #tpu.memory_space<hbm>>) dst(%arg10 : memref<625x16xf32, #tpu.memory_space<vmem>>)
      tpu.yield
    }) : () -> ()
    "tpu.region"() ({
      %run_scoped3A = tpu.sem_alloc : memref<!tpu.dma_semaphore, #tpu.memory_space<semaphore_mem>>
      %dma_start3A_516 = arith.constant 0 : i32
      %dma_start3A_517 = tpu.memref_slice %arg11[%add3A_297, %dma_start3A_516] : memref<100000x16xf32, #tpu.memory_space<vmem_shared>> -> memref<625x16xf32, #tpu.memory_space<vmem_shared>>
      %dma_start3A_518 = arith.constant 0 : i32
      %dma_start3A_519 = tpu.memref_slice %arg11[%add3A_297, %dma_start3A_518] : memref<100000x16xf32, #tpu.memory_space<vmem_shared>> -> memref<625x16xf32, #tpu.memory_space<vmem_shared>>
      tpu.enqueue_dma source(%arg10 : memref<625x16xf32, #tpu.memory_space<vmem>>) target(%dma_start3A_519 : memref<625x16xf32, #tpu.memory_space<vmem_shared>>) target_semaphore(%run_scoped3A : memref<!tpu.dma_semaphore, #tpu.memory_space<semaphore_mem>>)
      %dma_wait3A_520 = arith.constant 0 : i32
      %dma_wait3A_521 = tpu.memref_slice %arg11[%add3A_297, %dma_wait3A_520] : memref<100000x16xf32, #tpu.memory_space<vmem_shared>> -> memref<625x16xf32, #tpu.memory_space<vmem_shared>>
      %dma_wait3A_522 = arith.constant 0 : i32
      %dma_wait3A_523 = tpu.memref_slice %arg11[%add3A_297, %dma_wait3A_522] : memref<100000x16xf32, #tpu.memory_space<vmem_shared>> -> memref<625x16xf32, #tpu.memory_space<vmem_shared>>
      tpu.wait_dma2 semaphore(%run_scoped3A : memref<!tpu.dma_semaphore, #tpu.memory_space<semaphore_mem>>) src(%arg10 : memref<625x16xf32, #tpu.memory_space<vmem>>) dst(%dma_wait3A_523 : memref<625x16xf32, #tpu.memory_space<vmem_shared>>)
      tpu.yield
    }) : () -> ()
    %add3A_298 = arith.constant 3125 : i32
    %add3A_299 = arith.addi %mul3A_4, %add3A_298 : i32
    "tpu.region"() ({
      %run_scoped3A = tpu.sem_alloc : memref<!tpu.dma_semaphore, #tpu.memory_space<semaphore_mem>>
      %dma_start3A_516 = tpu.memref_slice %arg4[%add3A_299, %mul3A_287] : memref<100000x64xf32, #tpu.memory_space<hbm>> -> memref<625x16xf32, #tpu.memory_space<hbm>>
      %dma_start3A_517 = tpu.memref_slice %arg4[%add3A_299, %mul3A_287] : memref<100000x64xf32, #tpu.memory_space<hbm>> -> memref<625x16xf32, #tpu.memory_space<hbm>>
      tpu.enqueue_dma source(%dma_start3A_517 : memref<625x16xf32, #tpu.memory_space<hbm>>) target(%arg10 : memref<625x16xf32, #tpu.memory_space<vmem>>) target_semaphore(%run_scoped3A : memref<!tpu.dma_semaphore, #tpu.memory_space<semaphore_mem>>)
      %dma_wait3A_518 = tpu.memref_slice %arg4[%add3A_299, %mul3A_287] : memref<100000x64xf32, #tpu.memory_space<hbm>> -> memref<625x16xf32, #tpu.memory_space<hbm>>
      %dma_wait3A_519 = tpu.memref_slice %arg4[%add3A_299, %mul3A_287] : memref<100000x64xf32, #tpu.memory_space<hbm>> -> memref<625x16xf32, #tpu.memory_space<hbm>>
      tpu.wait_dma2 semaphore(%run_scoped3A : memref<!tpu.dma_semaphore, #tpu.memory_space<semaphore_mem>>) src(%dma_wait3A_519 : memref<625x16xf32, #tpu.memory_space<hbm>>) dst(%arg10 : memref<625x16xf32, #tpu.memory_space<vmem>>)
      tpu.yield
    }) : () -> ()
    "tpu.region"() ({
      %run_scoped3A = tpu.sem_alloc : memref<!tpu.dma_semaphore, #tpu.memory_space<semaphore_mem>>
      %dma_start3A_516 = arith.constant 0 : i32
      %dma_start3A_517 = tpu.memref_slice %arg11[%add3A_299, %dma_start3A_516] : memref<100000x16xf32, #tpu.memory_space<vmem_shared>> -> memref<625x16xf32, #tpu.memory_space<vmem_shared>>
      %dma_start3A_518 = arith.constant 0 : i32
      %dma_start3A_519 = tpu.memref_slice %arg11[%add3A_299, %dma_start3A_518] : memref<100000x16xf32, #tpu.memory_space<vmem_shared>> -> memref<625x16xf32, #tpu.memory_space<vmem_shared>>
      tpu.enqueue_dma source(%arg10 : memref<625x16xf32, #tpu.memory_space<vmem>>) target(%dma_start3A_519 : memref<625x16xf32, #tpu.memory_space<vmem_shared>>) target_semaphore(%run_scoped3A : memref<!tpu.dma_semaphore, #tpu.memory_space<semaphore_mem>>)
      %dma_wait3A_520 = arith.constant 0 : i32
      %dma_wait3A_521 = tpu.memref_slice %arg11[%add3A_299, %dma_wait3A_520] : memref<100000x16xf32, #tpu.memory_space<vmem_shared>> -> memref<625x16xf32, #tpu.memory_space<vmem_shared>>
      %dma_wait3A_522 = arith.constant 0 : i32
      %dma_wait3A_523 = tpu.memref_slice %arg11[%add3A_299, %dma_wait3A_522] : memref<100000x16xf32, #tpu.memory_space<vmem_shared>> -> memref<625x16xf32, #tpu.memory_space<vmem_shared>>
      tpu.wait_dma2 semaphore(%run_scoped3A : memref<!tpu.dma_semaphore, #tpu.memory_space<semaphore_mem>>) src(%arg10 : memref<625x16xf32, #tpu.memory_space<vmem>>) dst(%dma_wait3A_523 : memref<625x16xf32, #tpu.memory_space<vmem_shared>>)
      tpu.yield
    }) : () -> ()
    %add3A_300 = arith.constant 3750 : i32
    %add3A_301 = arith.addi %mul3A_4, %add3A_300 : i32
    "tpu.region"() ({
      %run_scoped3A = tpu.sem_alloc : memref<!tpu.dma_semaphore, #tpu.memory_space<semaphore_mem>>
      %dma_start3A_516 = tpu.memref_slice %arg4[%add3A_301, %mul3A_287] : memref<100000x64xf32, #tpu.memory_space<hbm>> -> memref<625x16xf32, #tpu.memory_space<hbm>>
      %dma_start3A_517 = tpu.memref_slice %arg4[%add3A_301, %mul3A_287] : memref<100000x64xf32, #tpu.memory_space<hbm>> -> memref<625x16xf32, #tpu.memory_space<hbm>>
      tpu.enqueue_dma source(%dma_start3A_517 : memref<625x16xf32, #tpu.memory_space<hbm>>) target(%arg10 : memref<625x16xf32, #tpu.memory_space<vmem>>) target_semaphore(%run_scoped3A : memref<!tpu.dma_semaphore, #tpu.memory_space<semaphore_mem>>)
      %dma_wait3A_518 = tpu.memref_slice %arg4[%add3A_301, %mul3A_287] : memref<100000x64xf32, #tpu.memory_space<hbm>> -> memref<625x16xf32, #tpu.memory_space<hbm>>
      %dma_wait3A_519 = tpu.memref_slice %arg4[%add3A_301, %mul3A_287] : memref<100000x64xf32, #tpu.memory_space<hbm>> -> memref<625x16xf32, #tpu.memory_space<hbm>>
      tpu.wait_dma2 semaphore(%run_scoped3A : memref<!tpu.dma_semaphore, #tpu.memory_space<semaphore_mem>>) src(%dma_wait3A_519 : memref<625x16xf32, #tpu.memory_space<hbm>>) dst(%arg10 : memref<625x16xf32, #tpu.memory_space<vmem>>)
      tpu.yield
    }) : () -> ()
    "tpu.region"() ({
      %run_scoped3A = tpu.sem_alloc : memref<!tpu.dma_semaphore, #tpu.memory_space<semaphore_mem>>
      %dma_start3A_516 = arith.constant 0 : i32
      %dma_start3A_517 = tpu.memref_slice %arg11[%add3A_301, %dma_start3A_516] : memref<100000x16xf32, #tpu.memory_space<vmem_shared>> -> memref<625x16xf32, #tpu.memory_space<vmem_shared>>
      %dma_start3A_518 = arith.constant 0 : i32
      %dma_start3A_519 = tpu.memref_slice %arg11[%add3A_301, %dma_start3A_518] : memref<100000x16xf32, #tpu.memory_space<vmem_shared>> -> memref<625x16xf32, #tpu.memory_space<vmem_shared>>
      tpu.enqueue_dma source(%arg10 : memref<625x16xf32, #tpu.memory_space<vmem>>) target(%dma_start3A_519 : memref<625x16xf32, #tpu.memory_space<vmem_shared>>) target_semaphore(%run_scoped3A : memref<!tpu.dma_semaphore, #tpu.memory_space<semaphore_mem>>)
      %dma_wait3A_520 = arith.constant 0 : i32
      %dma_wait3A_521 = tpu.memref_slice %arg11[%add3A_301, %dma_wait3A_520] : memref<100000x16xf32, #tpu.memory_space<vmem_shared>> -> memref<625x16xf32, #tpu.memory_space<vmem_shared>>
      %dma_wait3A_522 = arith.constant 0 : i32
      %dma_wait3A_523 = tpu.memref_slice %arg11[%add3A_301, %dma_wait3A_522] : memref<100000x16xf32, #tpu.memory_space<vmem_shared>> -> memref<625x16xf32, #tpu.memory_space<vmem_shared>>
      tpu.wait_dma2 semaphore(%run_scoped3A : memref<!tpu.dma_semaphore, #tpu.memory_space<semaphore_mem>>) src(%arg10 : memref<625x16xf32, #tpu.memory_space<vmem>>) dst(%dma_wait3A_523 : memref<625x16xf32, #tpu.memory_space<vmem_shared>>)
      tpu.yield
    }) : () -> ()
    %add3A_302 = arith.constant 4375 : i32
    %add3A_303 = arith.addi %mul3A_4, %add3A_302 : i32
    "tpu.region"() ({
      %run_scoped3A = tpu.sem_alloc : memref<!tpu.dma_semaphore, #tpu.memory_space<semaphore_mem>>
      %dma_start3A_516 = tpu.memref_slice %arg4[%add3A_303, %mul3A_287] : memref<100000x64xf32, #tpu.memory_space<hbm>> -> memref<625x16xf32, #tpu.memory_space<hbm>>
      %dma_start3A_517 = tpu.memref_slice %arg4[%add3A_303, %mul3A_287] : memref<100000x64xf32, #tpu.memory_space<hbm>> -> memref<625x16xf32, #tpu.memory_space<hbm>>
      tpu.enqueue_dma source(%dma_start3A_517 : memref<625x16xf32, #tpu.memory_space<hbm>>) target(%arg10 : memref<625x16xf32, #tpu.memory_space<vmem>>) target_semaphore(%run_scoped3A : memref<!tpu.dma_semaphore, #tpu.memory_space<semaphore_mem>>)
      %dma_wait3A_518 = tpu.memref_slice %arg4[%add3A_303, %mul3A_287] : memref<100000x64xf32, #tpu.memory_space<hbm>> -> memref<625x16xf32, #tpu.memory_space<hbm>>
      %dma_wait3A_519 = tpu.memref_slice %arg4[%add3A_303, %mul3A_287] : memref<100000x64xf32, #tpu.memory_space<hbm>> -> memref<625x16xf32, #tpu.memory_space<hbm>>
      tpu.wait_dma2 semaphore(%run_scoped3A : memref<!tpu.dma_semaphore, #tpu.memory_space<semaphore_mem>>) src(%dma_wait3A_519 : memref<625x16xf32, #tpu.memory_space<hbm>>) dst(%arg10 : memref<625x16xf32, #tpu.memory_space<vmem>>)
      tpu.yield
    }) : () -> ()
    "tpu.region"() ({
      %run_scoped3A = tpu.sem_alloc : memref<!tpu.dma_semaphore, #tpu.memory_space<semaphore_mem>>
      %dma_start3A_516 = arith.constant 0 : i32
      %dma_start3A_517 = tpu.memref_slice %arg11[%add3A_303, %dma_start3A_516] : memref<100000x16xf32, #tpu.memory_space<vmem_shared>> -> memref<625x16xf32, #tpu.memory_space<vmem_shared>>
      %dma_start3A_518 = arith.constant 0 : i32
      %dma_start3A_519 = tpu.memref_slice %arg11[%add3A_303, %dma_start3A_518] : memref<100000x16xf32, #tpu.memory_space<vmem_shared>> -> memref<625x16xf32, #tpu.memory_space<vmem_shared>>
      tpu.enqueue_dma source(%arg10 : memref<625x16xf32, #tpu.memory_space<vmem>>) target(%dma_start3A_519 : memref<625x16xf32, #tpu.memory_space<vmem_shared>>) target_semaphore(%run_scoped3A : memref<!tpu.dma_semaphore, #tpu.memory_space<semaphore_mem>>)
      %dma_wait3A_520 = arith.constant 0 : i32
      %dma_wait3A_521 = tpu.memref_slice %arg11[%add3A_303, %dma_wait3A_520] : memref<100000x16xf32, #tpu.memory_space<vmem_shared>> -> memref<625x16xf32, #tpu.memory_space<vmem_shared>>
      %dma_wait3A_522 = arith.constant 0 : i32
      %dma_wait3A_523 = tpu.memref_slice %arg11[%add3A_303, %dma_wait3A_522] : memref<100000x16xf32, #tpu.memory_space<vmem_shared>> -> memref<625x16xf32, #tpu.memory_space<vmem_shared>>
      tpu.wait_dma2 semaphore(%run_scoped3A : memref<!tpu.dma_semaphore, #tpu.memory_space<semaphore_mem>>) src(%arg10 : memref<625x16xf32, #tpu.memory_space<vmem>>) dst(%dma_wait3A_523 : memref<625x16xf32, #tpu.memory_space<vmem_shared>>)
      tpu.yield
    }) : () -> ()
    %add3A_304 = arith.constant 5000 : i32
    %add3A_305 = arith.addi %mul3A_4, %add3A_304 : i32
    "tpu.region"() ({
      %run_scoped3A = tpu.sem_alloc : memref<!tpu.dma_semaphore, #tpu.memory_space<semaphore_mem>>
      %dma_start3A_516 = tpu.memref_slice %arg4[%add3A_305, %mul3A_287] : memref<100000x64xf32, #tpu.memory_space<hbm>> -> memref<625x16xf32, #tpu.memory_space<hbm>>
      %dma_start3A_517 = tpu.memref_slice %arg4[%add3A_305, %mul3A_287] : memref<100000x64xf32, #tpu.memory_space<hbm>> -> memref<625x16xf32, #tpu.memory_space<hbm>>
      tpu.enqueue_dma source(%dma_start3A_517 : memref<625x16xf32, #tpu.memory_space<hbm>>) target(%arg10 : memref<625x16xf32, #tpu.memory_space<vmem>>) target_semaphore(%run_scoped3A : memref<!tpu.dma_semaphore, #tpu.memory_space<semaphore_mem>>)
      %dma_wait3A_518 = tpu.memref_slice %arg4[%add3A_305, %mul3A_287] : memref<100000x64xf32, #tpu.memory_space<hbm>> -> memref<625x16xf32, #tpu.memory_space<hbm>>
      %dma_wait3A_519 = tpu.memref_slice %arg4[%add3A_305, %mul3A_287] : memref<100000x64xf32, #tpu.memory_space<hbm>> -> memref<625x16xf32, #tpu.memory_space<hbm>>
      tpu.wait_dma2 semaphore(%run_scoped3A : memref<!tpu.dma_semaphore, #tpu.memory_space<semaphore_mem>>) src(%dma_wait3A_519 : memref<625x16xf32, #tpu.memory_space<hbm>>) dst(%arg10 : memref<625x16xf32, #tpu.memory_space<vmem>>)
      tpu.yield
    }) : () -> ()
    "tpu.region"() ({
      %run_scoped3A = tpu.sem_alloc : memref<!tpu.dma_semaphore, #tpu.memory_space<semaphore_mem>>
      %dma_start3A_516 = arith.constant 0 : i32
      %dma_start3A_517 = tpu.memref_slice %arg11[%add3A_305, %dma_start3A_516] : memref<100000x16xf32, #tpu.memory_space<vmem_shared>> -> memref<625x16xf32, #tpu.memory_space<vmem_shared>>
      %dma_start3A_518 = arith.constant 0 : i32
      %dma_start3A_519 = tpu.memref_slice %arg11[%add3A_305, %dma_start3A_518] : memref<100000x16xf32, #tpu.memory_space<vmem_shared>> -> memref<625x16xf32, #tpu.memory_space<vmem_shared>>
      tpu.enqueue_dma source(%arg10 : memref<625x16xf32, #tpu.memory_space<vmem>>) target(%dma_start3A_519 : memref<625x16xf32, #tpu.memory_space<vmem_shared>>) target_semaphore(%run_scoped3A : memref<!tpu.dma_semaphore, #tpu.memory_space<semaphore_mem>>)
      %dma_wait3A_520 = arith.constant 0 : i32
      %dma_wait3A_521 = tpu.memref_slice %arg11[%add3A_305, %dma_wait3A_520] : memref<100000x16xf32, #tpu.memory_space<vmem_shared>> -> memref<625x16xf32, #tpu.memory_space<vmem_shared>>
      %dma_wait3A_522 = arith.constant 0 : i32
      %dma_wait3A_523 = tpu.memref_slice %arg11[%add3A_305, %dma_wait3A_522] : memref<100000x16xf32, #tpu.memory_space<vmem_shared>> -> memref<625x16xf32, #tpu.memory_space<vmem_shared>>
      tpu.wait_dma2 semaphore(%run_scoped3A : memref<!tpu.dma_semaphore, #tpu.memory_space<semaphore_mem>>) src(%arg10 : memref<625x16xf32, #tpu.memory_space<vmem>>) dst(%dma_wait3A_523 : memref<625x16xf32, #tpu.memory_space<vmem_shared>>)
      tpu.yield
    }) : () -> ()
    %add3A_306 = arith.constant 5625 : i32
    %add3A_307 = arith.addi %mul3A_4, %add3A_306 : i32
    "tpu.region"() ({
      %run_scoped3A = tpu.sem_alloc : memref<!tpu.dma_semaphore, #tpu.memory_space<semaphore_mem>>
      %dma_start3A_516 = tpu.memref_slice %arg4[%add3A_307, %mul3A_287] : memref<100000x64xf32, #tpu.memory_space<hbm>> -> memref<625x16xf32, #tpu.memory_space<hbm>>
      %dma_start3A_517 = tpu.memref_slice %arg4[%add3A_307, %mul3A_287] : memref<100000x64xf32, #tpu.memory_space<hbm>> -> memref<625x16xf32, #tpu.memory_space<hbm>>
      tpu.enqueue_dma source(%dma_start3A_517 : memref<625x16xf32, #tpu.memory_space<hbm>>) target(%arg10 : memref<625x16xf32, #tpu.memory_space<vmem>>) target_semaphore(%run_scoped3A : memref<!tpu.dma_semaphore, #tpu.memory_space<semaphore_mem>>)
      %dma_wait3A_518 = tpu.memref_slice %arg4[%add3A_307, %mul3A_287] : memref<100000x64xf32, #tpu.memory_space<hbm>> -> memref<625x16xf32, #tpu.memory_space<hbm>>
      %dma_wait3A_519 = tpu.memref_slice %arg4[%add3A_307, %mul3A_287] : memref<100000x64xf32, #tpu.memory_space<hbm>> -> memref<625x16xf32, #tpu.memory_space<hbm>>
      tpu.wait_dma2 semaphore(%run_scoped3A : memref<!tpu.dma_semaphore, #tpu.memory_space<semaphore_mem>>) src(%dma_wait3A_519 : memref<625x16xf32, #tpu.memory_space<hbm>>) dst(%arg10 : memref<625x16xf32, #tpu.memory_space<vmem>>)
      tpu.yield
    }) : () -> ()
    "tpu.region"() ({
      %run_scoped3A = tpu.sem_alloc : memref<!tpu.dma_semaphore, #tpu.memory_space<semaphore_mem>>
      %dma_start3A_516 = arith.constant 0 : i32
      %dma_start3A_517 = tpu.memref_slice %arg11[%add3A_307, %dma_start3A_516] : memref<100000x16xf32, #tpu.memory_space<vmem_shared>> -> memref<625x16xf32, #tpu.memory_space<vmem_shared>>
      %dma_start3A_518 = arith.constant 0 : i32
      %dma_start3A_519 = tpu.memref_slice %arg11[%add3A_307, %dma_start3A_518] : memref<100000x16xf32, #tpu.memory_space<vmem_shared>> -> memref<625x16xf32, #tpu.memory_space<vmem_shared>>
      tpu.enqueue_dma source(%arg10 : memref<625x16xf32, #tpu.memory_space<vmem>>) target(%dma_start3A_519 : memref<625x16xf32, #tpu.memory_space<vmem_shared>>) target_semaphore(%run_scoped3A : memref<!tpu.dma_semaphore, #tpu.memory_space<semaphore_mem>>)
      %dma_wait3A_520 = arith.constant 0 : i32
      %dma_wait3A_521 = tpu.memref_slice %arg11[%add3A_307, %dma_wait3A_520] : memref<100000x16xf32, #tpu.memory_space<vmem_shared>> -> memref<625x16xf32, #tpu.memory_space<vmem_shared>>
      %dma_wait3A_522 = arith.constant 0 : i32
      %dma_wait3A_523 = tpu.memref_slice %arg11[%add3A_307, %dma_wait3A_522] : memref<100000x16xf32, #tpu.memory_space<vmem_shared>> -> memref<625x16xf32, #tpu.memory_space<vmem_shared>>
      tpu.wait_dma2 semaphore(%run_scoped3A : memref<!tpu.dma_semaphore, #tpu.memory_space<semaphore_mem>>) src(%arg10 : memref<625x16xf32, #tpu.memory_space<vmem>>) dst(%dma_wait3A_523 : memref<625x16xf32, #tpu.memory_space<vmem_shared>>)
      tpu.yield
    }) : () -> ()
    %barrier3A_308 = arith.constant 0 : index
    tpu.barrier barrier_id(%barrier3A_308)
    %add3A_309 = arith.constant 0 : i32
    %add3A_310 = arith.addi %mul3A_2, %add3A_309 : i32
    %dma_wait3A_311 = arith.constant 0 : i32
    %dma_wait3A_312 = tpu.memref_slice %arg3[%add3A_310, %dma_wait3A_311] : memref<6400x128xi32, #tpu.memory_space<hbm>> -> memref<4x128xi32, #tpu.memory_space<hbm>>
    %dma_wait3A_313 = arith.constant 0 : i32
    %dma_wait3A_314 = tpu.memref_slice %arg3[%add3A_310, %dma_wait3A_313] : memref<6400x128xi32, #tpu.memory_space<hbm>> -> memref<4x128xi32, #tpu.memory_space<hbm>>
    tpu.wait_dma2 semaphore(%arg12 : memref<!tpu.dma_semaphore, #tpu.memory_space<semaphore_mem>>) src(%dma_wait3A_314 : memref<4x128xi32, #tpu.memory_space<hbm>>) dst(%arg8 : memref<4x128xi32, #tpu.memory_space<vmem>>)
    %add3A_315 = arith.constant 0 : i32
    %add3A_316 = arith.addi %mul3A_0, %add3A_315 : i32
    %dma_wait3A_317 = tpu.memref_slice %arg2[%add3A_316, %mul3A_287] : memref<819200x64xf32, #tpu.memory_space<hbm>> -> memref<512x16xf32, #tpu.memory_space<hbm>>
    %dma_wait3A_318 = tpu.memref_slice %arg2[%add3A_316, %mul3A_287] : memref<819200x64xf32, #tpu.memory_space<hbm>> -> memref<512x16xf32, #tpu.memory_space<hbm>>
    tpu.wait_dma2 semaphore(%arg12 : memref<!tpu.dma_semaphore, #tpu.memory_space<semaphore_mem>>) src(%dma_wait3A_318 : memref<512x16xf32, #tpu.memory_space<hbm>>) dst(%arg6 : memref<512x16xf32, #tpu.memory_space<vmem>>)
    %dma_start3A_319 = arith.constant 0 : i32
    %dma_start3A_320 = arith.constant 0 : i32
    %dma_start3A_321 = arith.constant 0 : i32
    %dma_start3A_322 = tpu.memref_slice %arg6[%dma_start3A_320, %dma_start3A_321] : memref<512x16xf32, #tpu.memory_space<vmem>> -> memref<128x16xf32, #tpu.memory_space<vmem>>
    %dma_start3A_323 = arith.constant 0 : i32
    %dma_start3A_324 = tpu.memref_slice %arg8[%dma_start3A_319, %dma_start3A_323] : memref<4x128xi32, #tpu.memory_space<vmem>> -> memref<1x128xi32, #tpu.memory_space<vmem>>
    %dma_start3A_325 = tpu.memref_squeeze %dma_start3A_324 : memref<1x128xi32, #tpu.memory_space<vmem>> -> memref<128xi32, #tpu.memory_space<vmem>>
    %dma_start3A_326 = arith.constant 0 : i32
    %dma_start3A_327 = arith.constant 0 : i32
    %dma_start3A_328 = tpu.memref_slice %arg11[%dma_start3A_326, %dma_start3A_327] : memref<100000x16xf32, #tpu.memory_space<vmem_shared>> -> memref<100000x16xf32, #tpu.memory_space<vmem_shared>>
    tpu.enqueue_indirect_dma source(%dma_start3A_322 : memref<128x16xf32, #tpu.memory_space<vmem>>) target(%dma_start3A_328 : memref<100000x16xf32, #tpu.memory_space<vmem_shared>>) offsets(%dma_start3A_325 : memref<128xi32, #tpu.memory_space<vmem>>) semaphore(%arg14 : memref<!tpu.dma_semaphore, #tpu.memory_space<semaphore_mem>>) {add = true}
    %dma_start3A_329 = arith.constant 1 : i32
    %dma_start3A_330 = arith.constant 128 : i32
    %dma_start3A_331 = arith.constant 0 : i32
    %dma_start3A_332 = tpu.memref_slice %arg6[%dma_start3A_330, %dma_start3A_331] : memref<512x16xf32, #tpu.memory_space<vmem>> -> memref<128x16xf32, #tpu.memory_space<vmem>>
    %dma_start3A_333 = arith.constant 0 : i32
    %dma_start3A_334 = tpu.memref_slice %arg8[%dma_start3A_329, %dma_start3A_333] : memref<4x128xi32, #tpu.memory_space<vmem>> -> memref<1x128xi32, #tpu.memory_space<vmem>>
    %dma_start3A_335 = tpu.memref_squeeze %dma_start3A_334 : memref<1x128xi32, #tpu.memory_space<vmem>> -> memref<128xi32, #tpu.memory_space<vmem>>
    %dma_start3A_336 = arith.constant 0 : i32
    %dma_start3A_337 = arith.constant 0 : i32
    %dma_start3A_338 = tpu.memref_slice %arg11[%dma_start3A_336, %dma_start3A_337] : memref<100000x16xf32, #tpu.memory_space<vmem_shared>> -> memref<100000x16xf32, #tpu.memory_space<vmem_shared>>
    tpu.enqueue_indirect_dma source(%dma_start3A_332 : memref<128x16xf32, #tpu.memory_space<vmem>>) target(%dma_start3A_338 : memref<100000x16xf32, #tpu.memory_space<vmem_shared>>) offsets(%dma_start3A_335 : memref<128xi32, #tpu.memory_space<vmem>>) semaphore(%arg14 : memref<!tpu.dma_semaphore, #tpu.memory_space<semaphore_mem>>) {add = true}
    %dma_start3A_339 = arith.constant 2 : i32
    %dma_start3A_340 = arith.constant 256 : i32
    %dma_start3A_341 = arith.constant 0 : i32
    %dma_start3A_342 = tpu.memref_slice %arg6[%dma_start3A_340, %dma_start3A_341] : memref<512x16xf32, #tpu.memory_space<vmem>> -> memref<128x16xf32, #tpu.memory_space<vmem>>
    %dma_start3A_343 = arith.constant 0 : i32
    %dma_start3A_344 = tpu.memref_slice %arg8[%dma_start3A_339, %dma_start3A_343] : memref<4x128xi32, #tpu.memory_space<vmem>> -> memref<1x128xi32, #tpu.memory_space<vmem>>
    %dma_start3A_345 = tpu.memref_squeeze %dma_start3A_344 : memref<1x128xi32, #tpu.memory_space<vmem>> -> memref<128xi32, #tpu.memory_space<vmem>>
    %dma_start3A_346 = arith.constant 0 : i32
    %dma_start3A_347 = arith.constant 0 : i32
    %dma_start3A_348 = tpu.memref_slice %arg11[%dma_start3A_346, %dma_start3A_347] : memref<100000x16xf32, #tpu.memory_space<vmem_shared>> -> memref<100000x16xf32, #tpu.memory_space<vmem_shared>>
    tpu.enqueue_indirect_dma source(%dma_start3A_342 : memref<128x16xf32, #tpu.memory_space<vmem>>) target(%dma_start3A_348 : memref<100000x16xf32, #tpu.memory_space<vmem_shared>>) offsets(%dma_start3A_345 : memref<128xi32, #tpu.memory_space<vmem>>) semaphore(%arg14 : memref<!tpu.dma_semaphore, #tpu.memory_space<semaphore_mem>>) {add = true}
    %dma_start3A_349 = arith.constant 3 : i32
    %dma_start3A_350 = arith.constant 384 : i32
    %dma_start3A_351 = arith.constant 0 : i32
    %dma_start3A_352 = tpu.memref_slice %arg6[%dma_start3A_350, %dma_start3A_351] : memref<512x16xf32, #tpu.memory_space<vmem>> -> memref<128x16xf32, #tpu.memory_space<vmem>>
    %dma_start3A_353 = arith.constant 0 : i32
    %dma_start3A_354 = tpu.memref_slice %arg8[%dma_start3A_349, %dma_start3A_353] : memref<4x128xi32, #tpu.memory_space<vmem>> -> memref<1x128xi32, #tpu.memory_space<vmem>>
    %dma_start3A_355 = tpu.memref_squeeze %dma_start3A_354 : memref<1x128xi32, #tpu.memory_space<vmem>> -> memref<128xi32, #tpu.memory_space<vmem>>
    %dma_start3A_356 = arith.constant 0 : i32
    %dma_start3A_357 = arith.constant 0 : i32
    %dma_start3A_358 = tpu.memref_slice %arg11[%dma_start3A_356, %dma_start3A_357] : memref<100000x16xf32, #tpu.memory_space<vmem_shared>> -> memref<100000x16xf32, #tpu.memory_space<vmem_shared>>
    tpu.enqueue_indirect_dma source(%dma_start3A_352 : memref<128x16xf32, #tpu.memory_space<vmem>>) target(%dma_start3A_358 : memref<100000x16xf32, #tpu.memory_space<vmem_shared>>) offsets(%dma_start3A_355 : memref<128xi32, #tpu.memory_space<vmem>>) semaphore(%arg14 : memref<!tpu.dma_semaphore, #tpu.memory_space<semaphore_mem>>) {add = true}
    %scan3A_359 = arith.constant 0 : i32
    %scan3A_360 = arith.constant 0 : i32
    %scan3A_361 = arith.constant 49 : i32
    %scan3A_362 = arith.addi %scan3A_360, %scan3A_361 : i32
    %scan3A_363 = arith.constant 1 : i32
    scf.for %scan3A_516 = %scan3A_360 to %scan3A_362 step %scan3A_363  : i32 {
      %mul3A_517 = arith.constant 2 : i32
      %mul3A_518 = arith.muli %mul3A_517, %scan3A_516 : i32
      %add3A_519 = arith.constant 1 : i32
      %add3A_520 = arith.addi %mul3A_518, %add3A_519 : i32
      %mul3A_521 = arith.constant 4 : i32
      %mul3A_522 = arith.muli %add3A_520, %mul3A_521 : i32
      %add3A_523 = arith.addi %mul3A_2, %mul3A_522 : i32
      %dma_wait3A_524 = arith.constant 0 : i32
      %dma_wait3A_525 = tpu.memref_slice %arg3[%add3A_523, %dma_wait3A_524] : memref<6400x128xi32, #tpu.memory_space<hbm>> -> memref<4x128xi32, #tpu.memory_space<hbm>>
      %dma_wait3A_526 = arith.constant 0 : i32
      %dma_wait3A_527 = tpu.memref_slice %arg3[%add3A_523, %dma_wait3A_526] : memref<6400x128xi32, #tpu.memory_space<hbm>> -> memref<4x128xi32, #tpu.memory_space<hbm>>
      tpu.wait_dma2 semaphore(%arg13 : memref<!tpu.dma_semaphore, #tpu.memory_space<semaphore_mem>>) src(%dma_wait3A_527 : memref<4x128xi32, #tpu.memory_space<hbm>>) dst(%arg9 : memref<4x128xi32, #tpu.memory_space<vmem>>)
      %mul3A_528 = arith.constant 512 : i32
      %mul3A_529 = arith.muli %add3A_520, %mul3A_528 : i32
      %add3A_530 = arith.addi %mul3A_0, %mul3A_529 : i32
      %dma_wait3A_531 = tpu.memref_slice %arg2[%add3A_530, %mul3A_287] : memref<819200x64xf32, #tpu.memory_space<hbm>> -> memref<512x16xf32, #tpu.memory_space<hbm>>
      %dma_wait3A_532 = tpu.memref_slice %arg2[%add3A_530, %mul3A_287] : memref<819200x64xf32, #tpu.memory_space<hbm>> -> memref<512x16xf32, #tpu.memory_space<hbm>>
      tpu.wait_dma2 semaphore(%arg13 : memref<!tpu.dma_semaphore, #tpu.memory_space<semaphore_mem>>) src(%dma_wait3A_532 : memref<512x16xf32, #tpu.memory_space<hbm>>) dst(%arg7 : memref<512x16xf32, #tpu.memory_space<vmem>>)
      %dma_start3A_533 = arith.constant 0 : i32
      %dma_start3A_534 = arith.constant 0 : i32
      %dma_start3A_535 = arith.constant 0 : i32
      %dma_start3A_536 = tpu.memref_slice %arg7[%dma_start3A_534, %dma_start3A_535] : memref<512x16xf32, #tpu.memory_space<vmem>> -> memref<128x16xf32, #tpu.memory_space<vmem>>
      %dma_start3A_537 = arith.constant 0 : i32
      %dma_start3A_538 = tpu.memref_slice %arg9[%dma_start3A_533, %dma_start3A_537] : memref<4x128xi32, #tpu.memory_space<vmem>> -> memref<1x128xi32, #tpu.memory_space<vmem>>
      %dma_start3A_539 = tpu.memref_squeeze %dma_start3A_538 : memref<1x128xi32, #tpu.memory_space<vmem>> -> memref<128xi32, #tpu.memory_space<vmem>>
      %dma_start3A_540 = arith.constant 0 : i32
      %dma_start3A_541 = arith.constant 0 : i32
      %dma_start3A_542 = tpu.memref_slice %arg11[%dma_start3A_540, %dma_start3A_541] : memref<100000x16xf32, #tpu.memory_space<vmem_shared>> -> memref<100000x16xf32, #tpu.memory_space<vmem_shared>>
      tpu.enqueue_indirect_dma source(%dma_start3A_536 : memref<128x16xf32, #tpu.memory_space<vmem>>) target(%dma_start3A_542 : memref<100000x16xf32, #tpu.memory_space<vmem_shared>>) offsets(%dma_start3A_539 : memref<128xi32, #tpu.memory_space<vmem>>) semaphore(%arg15 : memref<!tpu.dma_semaphore, #tpu.memory_space<semaphore_mem>>) {add = true}
      %dma_start3A_543 = arith.constant 1 : i32
      %dma_start3A_544 = arith.constant 128 : i32
      %dma_start3A_545 = arith.constant 0 : i32
      %dma_start3A_546 = tpu.memref_slice %arg7[%dma_start3A_544, %dma_start3A_545] : memref<512x16xf32, #tpu.memory_space<vmem>> -> memref<128x16xf32, #tpu.memory_space<vmem>>
      %dma_start3A_547 = arith.constant 0 : i32
      %dma_start3A_548 = tpu.memref_slice %arg9[%dma_start3A_543, %dma_start3A_547] : memref<4x128xi32, #tpu.memory_space<vmem>> -> memref<1x128xi32, #tpu.memory_space<vmem>>
      %dma_start3A_549 = tpu.memref_squeeze %dma_start3A_548 : memref<1x128xi32, #tpu.memory_space<vmem>> -> memref<128xi32, #tpu.memory_space<vmem>>
      %dma_start3A_550 = arith.constant 0 : i32
      %dma_start3A_551 = arith.constant 0 : i32
      %dma_start3A_552 = tpu.memref_slice %arg11[%dma_start3A_550, %dma_start3A_551] : memref<100000x16xf32, #tpu.memory_space<vmem_shared>> -> memref<100000x16xf32, #tpu.memory_space<vmem_shared>>
      tpu.enqueue_indirect_dma source(%dma_start3A_546 : memref<128x16xf32, #tpu.memory_space<vmem>>) target(%dma_start3A_552 : memref<100000x16xf32, #tpu.memory_space<vmem_shared>>) offsets(%dma_start3A_549 : memref<128xi32, #tpu.memory_space<vmem>>) semaphore(%arg15 : memref<!tpu.dma_semaphore, #tpu.memory_space<semaphore_mem>>) {add = true}
      %dma_start3A_553 = arith.constant 2 : i32
      %dma_start3A_554 = arith.constant 256 : i32
      %dma_start3A_555 = arith.constant 0 : i32
      %dma_start3A_556 = tpu.memref_slice %arg7[%dma_start3A_554, %dma_start3A_555] : memref<512x16xf32, #tpu.memory_space<vmem>> -> memref<128x16xf32, #tpu.memory_space<vmem>>
      %dma_start3A_557 = arith.constant 0 : i32
      %dma_start3A_558 = tpu.memref_slice %arg9[%dma_start3A_553, %dma_start3A_557] : memref<4x128xi32, #tpu.memory_space<vmem>> -> memref<1x128xi32, #tpu.memory_space<vmem>>
      %dma_start3A_559 = tpu.memref_squeeze %dma_start3A_558 : memref<1x128xi32, #tpu.memory_space<vmem>> -> memref<128xi32, #tpu.memory_space<vmem>>
      %dma_start3A_560 = arith.constant 0 : i32
      %dma_start3A_561 = arith.constant 0 : i32
      %dma_start3A_562 = tpu.memref_slice %arg11[%dma_start3A_560, %dma_start3A_561] : memref<100000x16xf32, #tpu.memory_space<vmem_shared>> -> memref<100000x16xf32, #tpu.memory_space<vmem_shared>>
      tpu.enqueue_indirect_dma source(%dma_start3A_556 : memref<128x16xf32, #tpu.memory_space<vmem>>) target(%dma_start3A_562 : memref<100000x16xf32, #tpu.memory_space<vmem_shared>>) offsets(%dma_start3A_559 : memref<128xi32, #tpu.memory_space<vmem>>) semaphore(%arg15 : memref<!tpu.dma_semaphore, #tpu.memory_space<semaphore_mem>>) {add = true}
      %dma_start3A_563 = arith.constant 3 : i32
      %dma_start3A_564 = arith.constant 384 : i32
      %dma_start3A_565 = arith.constant 0 : i32
      %dma_start3A_566 = tpu.memref_slice %arg7[%dma_start3A_564, %dma_start3A_565] : memref<512x16xf32, #tpu.memory_space<vmem>> -> memref<128x16xf32, #tpu.memory_space<vmem>>
      %dma_start3A_567 = arith.constant 0 : i32
      %dma_start3A_568 = tpu.memref_slice %arg9[%dma_start3A_563, %dma_start3A_567] : memref<4x128xi32, #tpu.memory_space<vmem>> -> memref<1x128xi32, #tpu.memory_space<vmem>>
      %dma_start3A_569 = tpu.memref_squeeze %dma_start3A_568 : memref<1x128xi32, #tpu.memory_space<vmem>> -> memref<128xi32, #tpu.memory_space<vmem>>
      %dma_start3A_570 = arith.constant 0 : i32
      %dma_start3A_571 = arith.constant 0 : i32
      %dma_start3A_572 = tpu.memref_slice %arg11[%dma_start3A_570, %dma_start3A_571] : memref<100000x16xf32, #tpu.memory_space<vmem_shared>> -> memref<100000x16xf32, #tpu.memory_space<vmem_shared>>
      tpu.enqueue_indirect_dma source(%dma_start3A_566 : memref<128x16xf32, #tpu.memory_space<vmem>>) target(%dma_start3A_572 : memref<100000x16xf32, #tpu.memory_space<vmem_shared>>) offsets(%dma_start3A_569 : memref<128xi32, #tpu.memory_space<vmem>>) semaphore(%arg15 : memref<!tpu.dma_semaphore, #tpu.memory_space<semaphore_mem>>) {add = true}
      %dma_wait3A_573 = arith.constant 0 : i32
      %dma_wait3A_574 = arith.constant 0 : i32
      %dma_wait3A_575 = arith.constant 0 : i32
      %dma_wait3A_576 = tpu.memref_slice %arg6[%dma_wait3A_574, %dma_wait3A_575] : memref<512x16xf32, #tpu.memory_space<vmem>> -> memref<128x16xf32, #tpu.memory_space<vmem>>
      %dma_wait3A_577 = arith.constant 0 : i32
      %dma_wait3A_578 = tpu.memref_slice %arg8[%dma_wait3A_573, %dma_wait3A_577] : memref<4x128xi32, #tpu.memory_space<vmem>> -> memref<1x128xi32, #tpu.memory_space<vmem>>
      %dma_wait3A_579 = tpu.memref_squeeze %dma_wait3A_578 : memref<1x128xi32, #tpu.memory_space<vmem>> -> memref<128xi32, #tpu.memory_space<vmem>>
      %dma_wait3A_580 = arith.constant 0 : i32
      %dma_wait3A_581 = arith.constant 0 : i32
      %dma_wait3A_582 = tpu.memref_slice %arg11[%dma_wait3A_580, %dma_wait3A_581] : memref<100000x16xf32, #tpu.memory_space<vmem_shared>> -> memref<100000x16xf32, #tpu.memory_space<vmem_shared>>
      tpu.wait_indirect_dma semaphore(%arg14 : memref<!tpu.dma_semaphore, #tpu.memory_space<semaphore_mem>>) src(%dma_wait3A_576 : memref<128x16xf32, #tpu.memory_space<vmem>>) dst(%dma_wait3A_582 : memref<100000x16xf32, #tpu.memory_space<vmem_shared>>)
      %dma_wait3A_583 = arith.constant 1 : i32
      %dma_wait3A_584 = arith.constant 128 : i32
      %dma_wait3A_585 = arith.constant 0 : i32
      %dma_wait3A_586 = tpu.memref_slice %arg6[%dma_wait3A_584, %dma_wait3A_585] : memref<512x16xf32, #tpu.memory_space<vmem>> -> memref<128x16xf32, #tpu.memory_space<vmem>>
      %dma_wait3A_587 = arith.constant 0 : i32
      %dma_wait3A_588 = tpu.memref_slice %arg8[%dma_wait3A_583, %dma_wait3A_587] : memref<4x128xi32, #tpu.memory_space<vmem>> -> memref<1x128xi32, #tpu.memory_space<vmem>>
      %dma_wait3A_589 = tpu.memref_squeeze %dma_wait3A_588 : memref<1x128xi32, #tpu.memory_space<vmem>> -> memref<128xi32, #tpu.memory_space<vmem>>
      %dma_wait3A_590 = arith.constant 0 : i32
      %dma_wait3A_591 = arith.constant 0 : i32
      %dma_wait3A_592 = tpu.memref_slice %arg11[%dma_wait3A_590, %dma_wait3A_591] : memref<100000x16xf32, #tpu.memory_space<vmem_shared>> -> memref<100000x16xf32, #tpu.memory_space<vmem_shared>>
      tpu.wait_indirect_dma semaphore(%arg14 : memref<!tpu.dma_semaphore, #tpu.memory_space<semaphore_mem>>) src(%dma_wait3A_586 : memref<128x16xf32, #tpu.memory_space<vmem>>) dst(%dma_wait3A_592 : memref<100000x16xf32, #tpu.memory_space<vmem_shared>>)
      %dma_wait3A_593 = arith.constant 2 : i32
      %dma_wait3A_594 = arith.constant 256 : i32
      %dma_wait3A_595 = arith.constant 0 : i32
      %dma_wait3A_596 = tpu.memref_slice %arg6[%dma_wait3A_594, %dma_wait3A_595] : memref<512x16xf32, #tpu.memory_space<vmem>> -> memref<128x16xf32, #tpu.memory_space<vmem>>
      %dma_wait3A_597 = arith.constant 0 : i32
      %dma_wait3A_598 = tpu.memref_slice %arg8[%dma_wait3A_593, %dma_wait3A_597] : memref<4x128xi32, #tpu.memory_space<vmem>> -> memref<1x128xi32, #tpu.memory_space<vmem>>
      %dma_wait3A_599 = tpu.memref_squeeze %dma_wait3A_598 : memref<1x128xi32, #tpu.memory_space<vmem>> -> memref<128xi32, #tpu.memory_space<vmem>>
      %dma_wait3A_600 = arith.constant 0 : i32
      %dma_wait3A_601 = arith.constant 0 : i32
      %dma_wait3A_602 = tpu.memref_slice %arg11[%dma_wait3A_600, %dma_wait3A_601] : memref<100000x16xf32, #tpu.memory_space<vmem_shared>> -> memref<100000x16xf32, #tpu.memory_space<vmem_shared>>
      tpu.wait_indirect_dma semaphore(%arg14 : memref<!tpu.dma_semaphore, #tpu.memory_space<semaphore_mem>>) src(%dma_wait3A_596 : memref<128x16xf32, #tpu.memory_space<vmem>>) dst(%dma_wait3A_602 : memref<100000x16xf32, #tpu.memory_space<vmem_shared>>)
      %dma_wait3A_603 = arith.constant 3 : i32
      %dma_wait3A_604 = arith.constant 384 : i32
      %dma_wait3A_605 = arith.constant 0 : i32
      %dma_wait3A_606 = tpu.memref_slice %arg6[%dma_wait3A_604, %dma_wait3A_605] : memref<512x16xf32, #tpu.memory_space<vmem>> -> memref<128x16xf32, #tpu.memory_space<vmem>>
      %dma_wait3A_607 = arith.constant 0 : i32
      %dma_wait3A_608 = tpu.memref_slice %arg8[%dma_wait3A_603, %dma_wait3A_607] : memref<4x128xi32, #tpu.memory_space<vmem>> -> memref<1x128xi32, #tpu.memory_space<vmem>>
      %dma_wait3A_609 = tpu.memref_squeeze %dma_wait3A_608 : memref<1x128xi32, #tpu.memory_space<vmem>> -> memref<128xi32, #tpu.memory_space<vmem>>
      %dma_wait3A_610 = arith.constant 0 : i32
      %dma_wait3A_611 = arith.constant 0 : i32
      %dma_wait3A_612 = tpu.memref_slice %arg11[%dma_wait3A_610, %dma_wait3A_611] : memref<100000x16xf32, #tpu.memory_space<vmem_shared>> -> memref<100000x16xf32, #tpu.memory_space<vmem_shared>>
      tpu.wait_indirect_dma semaphore(%arg14 : memref<!tpu.dma_semaphore, #tpu.memory_space<semaphore_mem>>) src(%dma_wait3A_606 : memref<128x16xf32, #tpu.memory_space<vmem>>) dst(%dma_wait3A_612 : memref<100000x16xf32, #tpu.memory_space<vmem_shared>>)
      %add3A_613 = arith.constant 2 : i32
      %add3A_614 = arith.addi %mul3A_518, %add3A_613 : i32
      %mul3A_615 = arith.constant 4 : i32
      %mul3A_616 = arith.muli %add3A_614, %mul3A_615 : i32
      %add3A_617 = arith.addi %mul3A_2, %mul3A_616 : i32
      %dma_start3A_618 = arith.constant 0 : i32
      %dma_start3A_619 = tpu.memref_slice %arg3[%add3A_617, %dma_start3A_618] : memref<6400x128xi32, #tpu.memory_space<hbm>> -> memref<4x128xi32, #tpu.memory_space<hbm>>
      %dma_start3A_620 = arith.constant 0 : i32
      %dma_start3A_621 = tpu.memref_slice %arg3[%add3A_617, %dma_start3A_620] : memref<6400x128xi32, #tpu.memory_space<hbm>> -> memref<4x128xi32, #tpu.memory_space<hbm>>
      tpu.enqueue_dma source(%dma_start3A_621 : memref<4x128xi32, #tpu.memory_space<hbm>>) target(%arg8 : memref<4x128xi32, #tpu.memory_space<vmem>>) target_semaphore(%arg12 : memref<!tpu.dma_semaphore, #tpu.memory_space<semaphore_mem>>)
      %mul3A_622 = arith.constant 512 : i32
      %mul3A_623 = arith.muli %add3A_614, %mul3A_622 : i32
      %add3A_624 = arith.addi %mul3A_0, %mul3A_623 : i32
      %dma_start3A_625 = tpu.memref_slice %arg2[%add3A_624, %mul3A_287] : memref<819200x64xf32, #tpu.memory_space<hbm>> -> memref<512x16xf32, #tpu.memory_space<hbm>>
      %dma_start3A_626 = tpu.memref_slice %arg2[%add3A_624, %mul3A_287] : memref<819200x64xf32, #tpu.memory_space<hbm>> -> memref<512x16xf32, #tpu.memory_space<hbm>>
      tpu.enqueue_dma source(%dma_start3A_626 : memref<512x16xf32, #tpu.memory_space<hbm>>) target(%arg6 : memref<512x16xf32, #tpu.memory_space<vmem>>) target_semaphore(%arg12 : memref<!tpu.dma_semaphore, #tpu.memory_space<semaphore_mem>>)
      %add3A_627 = arith.constant 2 : i32
      %add3A_628 = arith.addi %mul3A_518, %add3A_627 : i32
      %mul3A_629 = arith.constant 4 : i32
      %mul3A_630 = arith.muli %add3A_628, %mul3A_629 : i32
      %add3A_631 = arith.addi %mul3A_2, %mul3A_630 : i32
      %dma_wait3A_632 = arith.constant 0 : i32
      %dma_wait3A_633 = tpu.memref_slice %arg3[%add3A_631, %dma_wait3A_632] : memref<6400x128xi32, #tpu.memory_space<hbm>> -> memref<4x128xi32, #tpu.memory_space<hbm>>
      %dma_wait3A_634 = arith.constant 0 : i32
      %dma_wait3A_635 = tpu.memref_slice %arg3[%add3A_631, %dma_wait3A_634] : memref<6400x128xi32, #tpu.memory_space<hbm>> -> memref<4x128xi32, #tpu.memory_space<hbm>>
      tpu.wait_dma2 semaphore(%arg12 : memref<!tpu.dma_semaphore, #tpu.memory_space<semaphore_mem>>) src(%dma_wait3A_635 : memref<4x128xi32, #tpu.memory_space<hbm>>) dst(%arg8 : memref<4x128xi32, #tpu.memory_space<vmem>>)
      %mul3A_636 = arith.constant 512 : i32
      %mul3A_637 = arith.muli %add3A_628, %mul3A_636 : i32
      %add3A_638 = arith.addi %mul3A_0, %mul3A_637 : i32
      %dma_wait3A_639 = tpu.memref_slice %arg2[%add3A_638, %mul3A_287] : memref<819200x64xf32, #tpu.memory_space<hbm>> -> memref<512x16xf32, #tpu.memory_space<hbm>>
      %dma_wait3A_640 = tpu.memref_slice %arg2[%add3A_638, %mul3A_287] : memref<819200x64xf32, #tpu.memory_space<hbm>> -> memref<512x16xf32, #tpu.memory_space<hbm>>
      tpu.wait_dma2 semaphore(%arg12 : memref<!tpu.dma_semaphore, #tpu.memory_space<semaphore_mem>>) src(%dma_wait3A_640 : memref<512x16xf32, #tpu.memory_space<hbm>>) dst(%arg6 : memref<512x16xf32, #tpu.memory_space<vmem>>)
      %dma_start3A_641 = arith.constant 0 : i32
      %dma_start3A_642 = arith.constant 0 : i32
      %dma_start3A_643 = arith.constant 0 : i32
      %dma_start3A_644 = tpu.memref_slice %arg6[%dma_start3A_642, %dma_start3A_643] : memref<512x16xf32, #tpu.memory_space<vmem>> -> memref<128x16xf32, #tpu.memory_space<vmem>>
      %dma_start3A_645 = arith.constant 0 : i32
      %dma_start3A_646 = tpu.memref_slice %arg8[%dma_start3A_641, %dma_start3A_645] : memref<4x128xi32, #tpu.memory_space<vmem>> -> memref<1x128xi32, #tpu.memory_space<vmem>>
      %dma_start3A_647 = tpu.memref_squeeze %dma_start3A_646 : memref<1x128xi32, #tpu.memory_space<vmem>> -> memref<128xi32, #tpu.memory_space<vmem>>
      %dma_start3A_648 = arith.constant 0 : i32
      %dma_start3A_649 = arith.constant 0 : i32
      %dma_start3A_650 = tpu.memref_slice %arg11[%dma_start3A_648, %dma_start3A_649] : memref<100000x16xf32, #tpu.memory_space<vmem_shared>> -> memref<100000x16xf32, #tpu.memory_space<vmem_shared>>
      tpu.enqueue_indirect_dma source(%dma_start3A_644 : memref<128x16xf32, #tpu.memory_space<vmem>>) target(%dma_start3A_650 : memref<100000x16xf32, #tpu.memory_space<vmem_shared>>) offsets(%dma_start3A_647 : memref<128xi32, #tpu.memory_space<vmem>>) semaphore(%arg14 : memref<!tpu.dma_semaphore, #tpu.memory_space<semaphore_mem>>) {add = true}
      %dma_start3A_651 = arith.constant 1 : i32
      %dma_start3A_652 = arith.constant 128 : i32
      %dma_start3A_653 = arith.constant 0 : i32
      %dma_start3A_654 = tpu.memref_slice %arg6[%dma_start3A_652, %dma_start3A_653] : memref<512x16xf32, #tpu.memory_space<vmem>> -> memref<128x16xf32, #tpu.memory_space<vmem>>
      %dma_start3A_655 = arith.constant 0 : i32
      %dma_start3A_656 = tpu.memref_slice %arg8[%dma_start3A_651, %dma_start3A_655] : memref<4x128xi32, #tpu.memory_space<vmem>> -> memref<1x128xi32, #tpu.memory_space<vmem>>
      %dma_start3A_657 = tpu.memref_squeeze %dma_start3A_656 : memref<1x128xi32, #tpu.memory_space<vmem>> -> memref<128xi32, #tpu.memory_space<vmem>>
      %dma_start3A_658 = arith.constant 0 : i32
      %dma_start3A_659 = arith.constant 0 : i32
      %dma_start3A_660 = tpu.memref_slice %arg11[%dma_start3A_658, %dma_start3A_659] : memref<100000x16xf32, #tpu.memory_space<vmem_shared>> -> memref<100000x16xf32, #tpu.memory_space<vmem_shared>>
      tpu.enqueue_indirect_dma source(%dma_start3A_654 : memref<128x16xf32, #tpu.memory_space<vmem>>) target(%dma_start3A_660 : memref<100000x16xf32, #tpu.memory_space<vmem_shared>>) offsets(%dma_start3A_657 : memref<128xi32, #tpu.memory_space<vmem>>) semaphore(%arg14 : memref<!tpu.dma_semaphore, #tpu.memory_space<semaphore_mem>>) {add = true}
      %dma_start3A_661 = arith.constant 2 : i32
      %dma_start3A_662 = arith.constant 256 : i32
      %dma_start3A_663 = arith.constant 0 : i32
      %dma_start3A_664 = tpu.memref_slice %arg6[%dma_start3A_662, %dma_start3A_663] : memref<512x16xf32, #tpu.memory_space<vmem>> -> memref<128x16xf32, #tpu.memory_space<vmem>>
      %dma_start3A_665 = arith.constant 0 : i32
      %dma_start3A_666 = tpu.memref_slice %arg8[%dma_start3A_661, %dma_start3A_665] : memref<4x128xi32, #tpu.memory_space<vmem>> -> memref<1x128xi32, #tpu.memory_space<vmem>>
      %dma_start3A_667 = tpu.memref_squeeze %dma_start3A_666 : memref<1x128xi32, #tpu.memory_space<vmem>> -> memref<128xi32, #tpu.memory_space<vmem>>
      %dma_start3A_668 = arith.constant 0 : i32
      %dma_start3A_669 = arith.constant 0 : i32
      %dma_start3A_670 = tpu.memref_slice %arg11[%dma_start3A_668, %dma_start3A_669] : memref<100000x16xf32, #tpu.memory_space<vmem_shared>> -> memref<100000x16xf32, #tpu.memory_space<vmem_shared>>
      tpu.enqueue_indirect_dma source(%dma_start3A_664 : memref<128x16xf32, #tpu.memory_space<vmem>>) target(%dma_start3A_670 : memref<100000x16xf32, #tpu.memory_space<vmem_shared>>) offsets(%dma_start3A_667 : memref<128xi32, #tpu.memory_space<vmem>>) semaphore(%arg14 : memref<!tpu.dma_semaphore, #tpu.memory_space<semaphore_mem>>) {add = true}
      %dma_start3A_671 = arith.constant 3 : i32
      %dma_start3A_672 = arith.constant 384 : i32
      %dma_start3A_673 = arith.constant 0 : i32
      %dma_start3A_674 = tpu.memref_slice %arg6[%dma_start3A_672, %dma_start3A_673] : memref<512x16xf32, #tpu.memory_space<vmem>> -> memref<128x16xf32, #tpu.memory_space<vmem>>
      %dma_start3A_675 = arith.constant 0 : i32
      %dma_start3A_676 = tpu.memref_slice %arg8[%dma_start3A_671, %dma_start3A_675] : memref<4x128xi32, #tpu.memory_space<vmem>> -> memref<1x128xi32, #tpu.memory_space<vmem>>
      %dma_start3A_677 = tpu.memref_squeeze %dma_start3A_676 : memref<1x128xi32, #tpu.memory_space<vmem>> -> memref<128xi32, #tpu.memory_space<vmem>>
      %dma_start3A_678 = arith.constant 0 : i32
      %dma_start3A_679 = arith.constant 0 : i32
      %dma_start3A_680 = tpu.memref_slice %arg11[%dma_start3A_678, %dma_start3A_679] : memref<100000x16xf32, #tpu.memory_space<vmem_shared>> -> memref<100000x16xf32, #tpu.memory_space<vmem_shared>>
      tpu.enqueue_indirect_dma source(%dma_start3A_674 : memref<128x16xf32, #tpu.memory_space<vmem>>) target(%dma_start3A_680 : memref<100000x16xf32, #tpu.memory_space<vmem_shared>>) offsets(%dma_start3A_677 : memref<128xi32, #tpu.memory_space<vmem>>) semaphore(%arg14 : memref<!tpu.dma_semaphore, #tpu.memory_space<semaphore_mem>>) {add = true}
      %dma_wait3A_681 = arith.constant 0 : i32
      %dma_wait3A_682 = arith.constant 0 : i32
      %dma_wait3A_683 = arith.constant 0 : i32
      %dma_wait3A_684 = tpu.memref_slice %arg7[%dma_wait3A_682, %dma_wait3A_683] : memref<512x16xf32, #tpu.memory_space<vmem>> -> memref<128x16xf32, #tpu.memory_space<vmem>>
      %dma_wait3A_685 = arith.constant 0 : i32
      %dma_wait3A_686 = tpu.memref_slice %arg9[%dma_wait3A_681, %dma_wait3A_685] : memref<4x128xi32, #tpu.memory_space<vmem>> -> memref<1x128xi32, #tpu.memory_space<vmem>>
      %dma_wait3A_687 = tpu.memref_squeeze %dma_wait3A_686 : memref<1x128xi32, #tpu.memory_space<vmem>> -> memref<128xi32, #tpu.memory_space<vmem>>
      %dma_wait3A_688 = arith.constant 0 : i32
      %dma_wait3A_689 = arith.constant 0 : i32
      %dma_wait3A_690 = tpu.memref_slice %arg11[%dma_wait3A_688, %dma_wait3A_689] : memref<100000x16xf32, #tpu.memory_space<vmem_shared>> -> memref<100000x16xf32, #tpu.memory_space<vmem_shared>>
      tpu.wait_indirect_dma semaphore(%arg15 : memref<!tpu.dma_semaphore, #tpu.memory_space<semaphore_mem>>) src(%dma_wait3A_684 : memref<128x16xf32, #tpu.memory_space<vmem>>) dst(%dma_wait3A_690 : memref<100000x16xf32, #tpu.memory_space<vmem_shared>>)
      %dma_wait3A_691 = arith.constant 1 : i32
      %dma_wait3A_692 = arith.constant 128 : i32
      %dma_wait3A_693 = arith.constant 0 : i32
      %dma_wait3A_694 = tpu.memref_slice %arg7[%dma_wait3A_692, %dma_wait3A_693] : memref<512x16xf32, #tpu.memory_space<vmem>> -> memref<128x16xf32, #tpu.memory_space<vmem>>
      %dma_wait3A_695 = arith.constant 0 : i32
      %dma_wait3A_696 = tpu.memref_slice %arg9[%dma_wait3A_691, %dma_wait3A_695] : memref<4x128xi32, #tpu.memory_space<vmem>> -> memref<1x128xi32, #tpu.memory_space<vmem>>
      %dma_wait3A_697 = tpu.memref_squeeze %dma_wait3A_696 : memref<1x128xi32, #tpu.memory_space<vmem>> -> memref<128xi32, #tpu.memory_space<vmem>>
      %dma_wait3A_698 = arith.constant 0 : i32
      %dma_wait3A_699 = arith.constant 0 : i32
      %dma_wait3A_700 = tpu.memref_slice %arg11[%dma_wait3A_698, %dma_wait3A_699] : memref<100000x16xf32, #tpu.memory_space<vmem_shared>> -> memref<100000x16xf32, #tpu.memory_space<vmem_shared>>
      tpu.wait_indirect_dma semaphore(%arg15 : memref<!tpu.dma_semaphore, #tpu.memory_space<semaphore_mem>>) src(%dma_wait3A_694 : memref<128x16xf32, #tpu.memory_space<vmem>>) dst(%dma_wait3A_700 : memref<100000x16xf32, #tpu.memory_space<vmem_shared>>)
      %dma_wait3A_701 = arith.constant 2 : i32
      %dma_wait3A_702 = arith.constant 256 : i32
      %dma_wait3A_703 = arith.constant 0 : i32
      %dma_wait3A_704 = tpu.memref_slice %arg7[%dma_wait3A_702, %dma_wait3A_703] : memref<512x16xf32, #tpu.memory_space<vmem>> -> memref<128x16xf32, #tpu.memory_space<vmem>>
      %dma_wait3A_705 = arith.constant 0 : i32
      %dma_wait3A_706 = tpu.memref_slice %arg9[%dma_wait3A_701, %dma_wait3A_705] : memref<4x128xi32, #tpu.memory_space<vmem>> -> memref<1x128xi32, #tpu.memory_space<vmem>>
      %dma_wait3A_707 = tpu.memref_squeeze %dma_wait3A_706 : memref<1x128xi32, #tpu.memory_space<vmem>> -> memref<128xi32, #tpu.memory_space<vmem>>
      %dma_wait3A_708 = arith.constant 0 : i32
      %dma_wait3A_709 = arith.constant 0 : i32
      %dma_wait3A_710 = tpu.memref_slice %arg11[%dma_wait3A_708, %dma_wait3A_709] : memref<100000x16xf32, #tpu.memory_space<vmem_shared>> -> memref<100000x16xf32, #tpu.memory_space<vmem_shared>>
      tpu.wait_indirect_dma semaphore(%arg15 : memref<!tpu.dma_semaphore, #tpu.memory_space<semaphore_mem>>) src(%dma_wait3A_704 : memref<128x16xf32, #tpu.memory_space<vmem>>) dst(%dma_wait3A_710 : memref<100000x16xf32, #tpu.memory_space<vmem_shared>>)
      %dma_wait3A_711 = arith.constant 3 : i32
      %dma_wait3A_712 = arith.constant 384 : i32
      %dma_wait3A_713 = arith.constant 0 : i32
      %dma_wait3A_714 = tpu.memref_slice %arg7[%dma_wait3A_712, %dma_wait3A_713] : memref<512x16xf32, #tpu.memory_space<vmem>> -> memref<128x16xf32, #tpu.memory_space<vmem>>
      %dma_wait3A_715 = arith.constant 0 : i32
      %dma_wait3A_716 = tpu.memref_slice %arg9[%dma_wait3A_711, %dma_wait3A_715] : memref<4x128xi32, #tpu.memory_space<vmem>> -> memref<1x128xi32, #tpu.memory_space<vmem>>
      %dma_wait3A_717 = tpu.memref_squeeze %dma_wait3A_716 : memref<1x128xi32, #tpu.memory_space<vmem>> -> memref<128xi32, #tpu.memory_space<vmem>>
      %dma_wait3A_718 = arith.constant 0 : i32
      %dma_wait3A_719 = arith.constant 0 : i32
      %dma_wait3A_720 = tpu.memref_slice %arg11[%dma_wait3A_718, %dma_wait3A_719] : memref<100000x16xf32, #tpu.memory_space<vmem_shared>> -> memref<100000x16xf32, #tpu.memory_space<vmem_shared>>
      tpu.wait_indirect_dma semaphore(%arg15 : memref<!tpu.dma_semaphore, #tpu.memory_space<semaphore_mem>>) src(%dma_wait3A_714 : memref<128x16xf32, #tpu.memory_space<vmem>>) dst(%dma_wait3A_720 : memref<100000x16xf32, #tpu.memory_space<vmem_shared>>)
      %add3A_721 = arith.constant 3 : i32
      %add3A_722 = arith.addi %mul3A_518, %add3A_721 : i32
      %mul3A_723 = arith.constant 4 : i32
      %mul3A_724 = arith.muli %add3A_722, %mul3A_723 : i32
      %add3A_725 = arith.addi %mul3A_2, %mul3A_724 : i32
      %dma_start3A_726 = arith.constant 0 : i32
      %dma_start3A_727 = tpu.memref_slice %arg3[%add3A_725, %dma_start3A_726] : memref<6400x128xi32, #tpu.memory_space<hbm>> -> memref<4x128xi32, #tpu.memory_space<hbm>>
      %dma_start3A_728 = arith.constant 0 : i32
      %dma_start3A_729 = tpu.memref_slice %arg3[%add3A_725, %dma_start3A_728] : memref<6400x128xi32, #tpu.memory_space<hbm>> -> memref<4x128xi32, #tpu.memory_space<hbm>>
      tpu.enqueue_dma source(%dma_start3A_729 : memref<4x128xi32, #tpu.memory_space<hbm>>) target(%arg9 : memref<4x128xi32, #tpu.memory_space<vmem>>) target_semaphore(%arg13 : memref<!tpu.dma_semaphore, #tpu.memory_space<semaphore_mem>>)
      %mul3A_730 = arith.constant 512 : i32
      %mul3A_731 = arith.muli %add3A_722, %mul3A_730 : i32
      %add3A_732 = arith.addi %mul3A_0, %mul3A_731 : i32
      %dma_start3A_733 = tpu.memref_slice %arg2[%add3A_732, %mul3A_287] : memref<819200x64xf32, #tpu.memory_space<hbm>> -> memref<512x16xf32, #tpu.memory_space<hbm>>
      %dma_start3A_734 = tpu.memref_slice %arg2[%add3A_732, %mul3A_287] : memref<819200x64xf32, #tpu.memory_space<hbm>> -> memref<512x16xf32, #tpu.memory_space<hbm>>
      tpu.enqueue_dma source(%dma_start3A_734 : memref<512x16xf32, #tpu.memory_space<hbm>>) target(%arg7 : memref<512x16xf32, #tpu.memory_space<vmem>>) target_semaphore(%arg13 : memref<!tpu.dma_semaphore, #tpu.memory_space<semaphore_mem>>)
    }
    %scan3A_364 = arith.constant 49 : i32
    %add3A_365 = arith.constant 396 : i32
    %add3A_366 = arith.addi %mul3A_2, %add3A_365 : i32
    %dma_wait3A_367 = arith.constant 0 : i32
    %dma_wait3A_368 = tpu.memref_slice %arg3[%add3A_366, %dma_wait3A_367] : memref<6400x128xi32, #tpu.memory_space<hbm>> -> memref<4x128xi32, #tpu.memory_space<hbm>>
    %dma_wait3A_369 = arith.constant 0 : i32
    %dma_wait3A_370 = tpu.memref_slice %arg3[%add3A_366, %dma_wait3A_369] : memref<6400x128xi32, #tpu.memory_space<hbm>> -> memref<4x128xi32, #tpu.memory_space<hbm>>
    tpu.wait_dma2 semaphore(%arg13 : memref<!tpu.dma_semaphore, #tpu.memory_space<semaphore_mem>>) src(%dma_wait3A_370 : memref<4x128xi32, #tpu.memory_space<hbm>>) dst(%arg9 : memref<4x128xi32, #tpu.memory_space<vmem>>)
    %add3A_371 = arith.constant 50688 : i32
    %add3A_372 = arith.addi %mul3A_0, %add3A_371 : i32
    %dma_wait3A_373 = tpu.memref_slice %arg2[%add3A_372, %mul3A_287] : memref<819200x64xf32, #tpu.memory_space<hbm>> -> memref<512x16xf32, #tpu.memory_space<hbm>>
    %dma_wait3A_374 = tpu.memref_slice %arg2[%add3A_372, %mul3A_287] : memref<819200x64xf32, #tpu.memory_space<hbm>> -> memref<512x16xf32, #tpu.memory_space<hbm>>
    tpu.wait_dma2 semaphore(%arg13 : memref<!tpu.dma_semaphore, #tpu.memory_space<semaphore_mem>>) src(%dma_wait3A_374 : memref<512x16xf32, #tpu.memory_space<hbm>>) dst(%arg7 : memref<512x16xf32, #tpu.memory_space<vmem>>)
    %dma_start3A_375 = arith.constant 0 : i32
    %dma_start3A_376 = arith.constant 0 : i32
    %dma_start3A_377 = arith.constant 0 : i32
    %dma_start3A_378 = tpu.memref_slice %arg7[%dma_start3A_376, %dma_start3A_377] : memref<512x16xf32, #tpu.memory_space<vmem>> -> memref<128x16xf32, #tpu.memory_space<vmem>>
    %dma_start3A_379 = arith.constant 0 : i32
    %dma_start3A_380 = tpu.memref_slice %arg9[%dma_start3A_375, %dma_start3A_379] : memref<4x128xi32, #tpu.memory_space<vmem>> -> memref<1x128xi32, #tpu.memory_space<vmem>>
    %dma_start3A_381 = tpu.memref_squeeze %dma_start3A_380 : memref<1x128xi32, #tpu.memory_space<vmem>> -> memref<128xi32, #tpu.memory_space<vmem>>
    %dma_start3A_382 = arith.constant 0 : i32
    %dma_start3A_383 = arith.constant 0 : i32
    %dma_start3A_384 = tpu.memref_slice %arg11[%dma_start3A_382, %dma_start3A_383] : memref<100000x16xf32, #tpu.memory_space<vmem_shared>> -> memref<100000x16xf32, #tpu.memory_space<vmem_shared>>
    tpu.enqueue_indirect_dma source(%dma_start3A_378 : memref<128x16xf32, #tpu.memory_space<vmem>>) target(%dma_start3A_384 : memref<100000x16xf32, #tpu.memory_space<vmem_shared>>) offsets(%dma_start3A_381 : memref<128xi32, #tpu.memory_space<vmem>>) semaphore(%arg15 : memref<!tpu.dma_semaphore, #tpu.memory_space<semaphore_mem>>) {add = true}
    %dma_start3A_385 = arith.constant 1 : i32
    %dma_start3A_386 = arith.constant 128 : i32
    %dma_start3A_387 = arith.constant 0 : i32
    %dma_start3A_388 = tpu.memref_slice %arg7[%dma_start3A_386, %dma_start3A_387] : memref<512x16xf32, #tpu.memory_space<vmem>> -> memref<128x16xf32, #tpu.memory_space<vmem>>
    %dma_start3A_389 = arith.constant 0 : i32
    %dma_start3A_390 = tpu.memref_slice %arg9[%dma_start3A_385, %dma_start3A_389] : memref<4x128xi32, #tpu.memory_space<vmem>> -> memref<1x128xi32, #tpu.memory_space<vmem>>
    %dma_start3A_391 = tpu.memref_squeeze %dma_start3A_390 : memref<1x128xi32, #tpu.memory_space<vmem>> -> memref<128xi32, #tpu.memory_space<vmem>>
    %dma_start3A_392 = arith.constant 0 : i32
    %dma_start3A_393 = arith.constant 0 : i32
    %dma_start3A_394 = tpu.memref_slice %arg11[%dma_start3A_392, %dma_start3A_393] : memref<100000x16xf32, #tpu.memory_space<vmem_shared>> -> memref<100000x16xf32, #tpu.memory_space<vmem_shared>>
    tpu.enqueue_indirect_dma source(%dma_start3A_388 : memref<128x16xf32, #tpu.memory_space<vmem>>) target(%dma_start3A_394 : memref<100000x16xf32, #tpu.memory_space<vmem_shared>>) offsets(%dma_start3A_391 : memref<128xi32, #tpu.memory_space<vmem>>) semaphore(%arg15 : memref<!tpu.dma_semaphore, #tpu.memory_space<semaphore_mem>>) {add = true}
    %dma_start3A_395 = arith.constant 2 : i32
    %dma_start3A_396 = arith.constant 256 : i32
    %dma_start3A_397 = arith.constant 0 : i32
    %dma_start3A_398 = tpu.memref_slice %arg7[%dma_start3A_396, %dma_start3A_397] : memref<512x16xf32, #tpu.memory_space<vmem>> -> memref<128x16xf32, #tpu.memory_space<vmem>>
    %dma_start3A_399 = arith.constant 0 : i32
    %dma_start3A_400 = tpu.memref_slice %arg9[%dma_start3A_395, %dma_start3A_399] : memref<4x128xi32, #tpu.memory_space<vmem>> -> memref<1x128xi32, #tpu.memory_space<vmem>>
    %dma_start3A_401 = tpu.memref_squeeze %dma_start3A_400 : memref<1x128xi32, #tpu.memory_space<vmem>> -> memref<128xi32, #tpu.memory_space<vmem>>
    %dma_start3A_402 = arith.constant 0 : i32
    %dma_start3A_403 = arith.constant 0 : i32
    %dma_start3A_404 = tpu.memref_slice %arg11[%dma_start3A_402, %dma_start3A_403] : memref<100000x16xf32, #tpu.memory_space<vmem_shared>> -> memref<100000x16xf32, #tpu.memory_space<vmem_shared>>
    tpu.enqueue_indirect_dma source(%dma_start3A_398 : memref<128x16xf32, #tpu.memory_space<vmem>>) target(%dma_start3A_404 : memref<100000x16xf32, #tpu.memory_space<vmem_shared>>) offsets(%dma_start3A_401 : memref<128xi32, #tpu.memory_space<vmem>>) semaphore(%arg15 : memref<!tpu.dma_semaphore, #tpu.memory_space<semaphore_mem>>) {add = true}
    %dma_start3A_405 = arith.constant 3 : i32
    %dma_start3A_406 = arith.constant 384 : i32
    %dma_start3A_407 = arith.constant 0 : i32
    %dma_start3A_408 = tpu.memref_slice %arg7[%dma_start3A_406, %dma_start3A_407] : memref<512x16xf32, #tpu.memory_space<vmem>> -> memref<128x16xf32, #tpu.memory_space<vmem>>
    %dma_start3A_409 = arith.constant 0 : i32
    %dma_start3A_410 = tpu.memref_slice %arg9[%dma_start3A_405, %dma_start3A_409] : memref<4x128xi32, #tpu.memory_space<vmem>> -> memref<1x128xi32, #tpu.memory_space<vmem>>
    %dma_start3A_411 = tpu.memref_squeeze %dma_start3A_410 : memref<1x128xi32, #tpu.memory_space<vmem>> -> memref<128xi32, #tpu.memory_space<vmem>>
    %dma_start3A_412 = arith.constant 0 : i32
    %dma_start3A_413 = arith.constant 0 : i32
    %dma_start3A_414 = tpu.memref_slice %arg11[%dma_start3A_412, %dma_start3A_413] : memref<100000x16xf32, #tpu.memory_space<vmem_shared>> -> memref<100000x16xf32, #tpu.memory_space<vmem_shared>>
    tpu.enqueue_indirect_dma source(%dma_start3A_408 : memref<128x16xf32, #tpu.memory_space<vmem>>) target(%dma_start3A_414 : memref<100000x16xf32, #tpu.memory_space<vmem_shared>>) offsets(%dma_start3A_411 : memref<128xi32, #tpu.memory_space<vmem>>) semaphore(%arg15 : memref<!tpu.dma_semaphore, #tpu.memory_space<semaphore_mem>>) {add = true}
    %dma_wait3A_415 = arith.constant 0 : i32
    %dma_wait3A_416 = arith.constant 0 : i32
    %dma_wait3A_417 = arith.constant 0 : i32
    %dma_wait3A_418 = tpu.memref_slice %arg6[%dma_wait3A_416, %dma_wait3A_417] : memref<512x16xf32, #tpu.memory_space<vmem>> -> memref<128x16xf32, #tpu.memory_space<vmem>>
    %dma_wait3A_419 = arith.constant 0 : i32
    %dma_wait3A_420 = tpu.memref_slice %arg8[%dma_wait3A_415, %dma_wait3A_419] : memref<4x128xi32, #tpu.memory_space<vmem>> -> memref<1x128xi32, #tpu.memory_space<vmem>>
    %dma_wait3A_421 = tpu.memref_squeeze %dma_wait3A_420 : memref<1x128xi32, #tpu.memory_space<vmem>> -> memref<128xi32, #tpu.memory_space<vmem>>
    %dma_wait3A_422 = arith.constant 0 : i32
    %dma_wait3A_423 = arith.constant 0 : i32
    %dma_wait3A_424 = tpu.memref_slice %arg11[%dma_wait3A_422, %dma_wait3A_423] : memref<100000x16xf32, #tpu.memory_space<vmem_shared>> -> memref<100000x16xf32, #tpu.memory_space<vmem_shared>>
    tpu.wait_indirect_dma semaphore(%arg14 : memref<!tpu.dma_semaphore, #tpu.memory_space<semaphore_mem>>) src(%dma_wait3A_418 : memref<128x16xf32, #tpu.memory_space<vmem>>) dst(%dma_wait3A_424 : memref<100000x16xf32, #tpu.memory_space<vmem_shared>>)
    %dma_wait3A_425 = arith.constant 1 : i32
    %dma_wait3A_426 = arith.constant 128 : i32
    %dma_wait3A_427 = arith.constant 0 : i32
    %dma_wait3A_428 = tpu.memref_slice %arg6[%dma_wait3A_426, %dma_wait3A_427] : memref<512x16xf32, #tpu.memory_space<vmem>> -> memref<128x16xf32, #tpu.memory_space<vmem>>
    %dma_wait3A_429 = arith.constant 0 : i32
    %dma_wait3A_430 = tpu.memref_slice %arg8[%dma_wait3A_425, %dma_wait3A_429] : memref<4x128xi32, #tpu.memory_space<vmem>> -> memref<1x128xi32, #tpu.memory_space<vmem>>
    %dma_wait3A_431 = tpu.memref_squeeze %dma_wait3A_430 : memref<1x128xi32, #tpu.memory_space<vmem>> -> memref<128xi32, #tpu.memory_space<vmem>>
    %dma_wait3A_432 = arith.constant 0 : i32
    %dma_wait3A_433 = arith.constant 0 : i32
    %dma_wait3A_434 = tpu.memref_slice %arg11[%dma_wait3A_432, %dma_wait3A_433] : memref<100000x16xf32, #tpu.memory_space<vmem_shared>> -> memref<100000x16xf32, #tpu.memory_space<vmem_shared>>
    tpu.wait_indirect_dma semaphore(%arg14 : memref<!tpu.dma_semaphore, #tpu.memory_space<semaphore_mem>>) src(%dma_wait3A_428 : memref<128x16xf32, #tpu.memory_space<vmem>>) dst(%dma_wait3A_434 : memref<100000x16xf32, #tpu.memory_space<vmem_shared>>)
    %dma_wait3A_435 = arith.constant 2 : i32
    %dma_wait3A_436 = arith.constant 256 : i32
    %dma_wait3A_437 = arith.constant 0 : i32
    %dma_wait3A_438 = tpu.memref_slice %arg6[%dma_wait3A_436, %dma_wait3A_437] : memref<512x16xf32, #tpu.memory_space<vmem>> -> memref<128x16xf32, #tpu.memory_space<vmem>>
    %dma_wait3A_439 = arith.constant 0 : i32
    %dma_wait3A_440 = tpu.memref_slice %arg8[%dma_wait3A_435, %dma_wait3A_439] : memref<4x128xi32, #tpu.memory_space<vmem>> -> memref<1x128xi32, #tpu.memory_space<vmem>>
    %dma_wait3A_441 = tpu.memref_squeeze %dma_wait3A_440 : memref<1x128xi32, #tpu.memory_space<vmem>> -> memref<128xi32, #tpu.memory_space<vmem>>
    %dma_wait3A_442 = arith.constant 0 : i32
    %dma_wait3A_443 = arith.constant 0 : i32
    %dma_wait3A_444 = tpu.memref_slice %arg11[%dma_wait3A_442, %dma_wait3A_443] : memref<100000x16xf32, #tpu.memory_space<vmem_shared>> -> memref<100000x16xf32, #tpu.memory_space<vmem_shared>>
    tpu.wait_indirect_dma semaphore(%arg14 : memref<!tpu.dma_semaphore, #tpu.memory_space<semaphore_mem>>) src(%dma_wait3A_438 : memref<128x16xf32, #tpu.memory_space<vmem>>) dst(%dma_wait3A_444 : memref<100000x16xf32, #tpu.memory_space<vmem_shared>>)
    %dma_wait3A_445 = arith.constant 3 : i32
    %dma_wait3A_446 = arith.constant 384 : i32
    %dma_wait3A_447 = arith.constant 0 : i32
    %dma_wait3A_448 = tpu.memref_slice %arg6[%dma_wait3A_446, %dma_wait3A_447] : memref<512x16xf32, #tpu.memory_space<vmem>> -> memref<128x16xf32, #tpu.memory_space<vmem>>
    %dma_wait3A_449 = arith.constant 0 : i32
    %dma_wait3A_450 = tpu.memref_slice %arg8[%dma_wait3A_445, %dma_wait3A_449] : memref<4x128xi32, #tpu.memory_space<vmem>> -> memref<1x128xi32, #tpu.memory_space<vmem>>
    %dma_wait3A_451 = tpu.memref_squeeze %dma_wait3A_450 : memref<1x128xi32, #tpu.memory_space<vmem>> -> memref<128xi32, #tpu.memory_space<vmem>>
    %dma_wait3A_452 = arith.constant 0 : i32
    %dma_wait3A_453 = arith.constant 0 : i32
    %dma_wait3A_454 = tpu.memref_slice %arg11[%dma_wait3A_452, %dma_wait3A_453] : memref<100000x16xf32, #tpu.memory_space<vmem_shared>> -> memref<100000x16xf32, #tpu.memory_space<vmem_shared>>
    tpu.wait_indirect_dma semaphore(%arg14 : memref<!tpu.dma_semaphore, #tpu.memory_space<semaphore_mem>>) src(%dma_wait3A_448 : memref<128x16xf32, #tpu.memory_space<vmem>>) dst(%dma_wait3A_454 : memref<100000x16xf32, #tpu.memory_space<vmem_shared>>)
    %dma_wait3A_455 = arith.constant 0 : i32
    %dma_wait3A_456 = arith.constant 0 : i32
    %dma_wait3A_457 = arith.constant 0 : i32
    %dma_wait3A_458 = tpu.memref_slice %arg7[%dma_wait3A_456, %dma_wait3A_457] : memref<512x16xf32, #tpu.memory_space<vmem>> -> memref<128x16xf32, #tpu.memory_space<vmem>>
    %dma_wait3A_459 = arith.constant 0 : i32
    %dma_wait3A_460 = tpu.memref_slice %arg9[%dma_wait3A_455, %dma_wait3A_459] : memref<4x128xi32, #tpu.memory_space<vmem>> -> memref<1x128xi32, #tpu.memory_space<vmem>>
    %dma_wait3A_461 = tpu.memref_squeeze %dma_wait3A_460 : memref<1x128xi32, #tpu.memory_space<vmem>> -> memref<128xi32, #tpu.memory_space<vmem>>
    %dma_wait3A_462 = arith.constant 0 : i32
    %dma_wait3A_463 = arith.constant 0 : i32
    %dma_wait3A_464 = tpu.memref_slice %arg11[%dma_wait3A_462, %dma_wait3A_463] : memref<100000x16xf32, #tpu.memory_space<vmem_shared>> -> memref<100000x16xf32, #tpu.memory_space<vmem_shared>>
    tpu.wait_indirect_dma semaphore(%arg15 : memref<!tpu.dma_semaphore, #tpu.memory_space<semaphore_mem>>) src(%dma_wait3A_458 : memref<128x16xf32, #tpu.memory_space<vmem>>) dst(%dma_wait3A_464 : memref<100000x16xf32, #tpu.memory_space<vmem_shared>>)
    %dma_wait3A_465 = arith.constant 1 : i32
    %dma_wait3A_466 = arith.constant 128 : i32
    %dma_wait3A_467 = arith.constant 0 : i32
    %dma_wait3A_468 = tpu.memref_slice %arg7[%dma_wait3A_466, %dma_wait3A_467] : memref<512x16xf32, #tpu.memory_space<vmem>> -> memref<128x16xf32, #tpu.memory_space<vmem>>
    %dma_wait3A_469 = arith.constant 0 : i32
    %dma_wait3A_470 = tpu.memref_slice %arg9[%dma_wait3A_465, %dma_wait3A_469] : memref<4x128xi32, #tpu.memory_space<vmem>> -> memref<1x128xi32, #tpu.memory_space<vmem>>
    %dma_wait3A_471 = tpu.memref_squeeze %dma_wait3A_470 : memref<1x128xi32, #tpu.memory_space<vmem>> -> memref<128xi32, #tpu.memory_space<vmem>>
    %dma_wait3A_472 = arith.constant 0 : i32
    %dma_wait3A_473 = arith.constant 0 : i32
    %dma_wait3A_474 = tpu.memref_slice %arg11[%dma_wait3A_472, %dma_wait3A_473] : memref<100000x16xf32, #tpu.memory_space<vmem_shared>> -> memref<100000x16xf32, #tpu.memory_space<vmem_shared>>
    tpu.wait_indirect_dma semaphore(%arg15 : memref<!tpu.dma_semaphore, #tpu.memory_space<semaphore_mem>>) src(%dma_wait3A_468 : memref<128x16xf32, #tpu.memory_space<vmem>>) dst(%dma_wait3A_474 : memref<100000x16xf32, #tpu.memory_space<vmem_shared>>)
    %dma_wait3A_475 = arith.constant 2 : i32
    %dma_wait3A_476 = arith.constant 256 : i32
    %dma_wait3A_477 = arith.constant 0 : i32
    %dma_wait3A_478 = tpu.memref_slice %arg7[%dma_wait3A_476, %dma_wait3A_477] : memref<512x16xf32, #tpu.memory_space<vmem>> -> memref<128x16xf32, #tpu.memory_space<vmem>>
    %dma_wait3A_479 = arith.constant 0 : i32
    %dma_wait3A_480 = tpu.memref_slice %arg9[%dma_wait3A_475, %dma_wait3A_479] : memref<4x128xi32, #tpu.memory_space<vmem>> -> memref<1x128xi32, #tpu.memory_space<vmem>>
    %dma_wait3A_481 = tpu.memref_squeeze %dma_wait3A_480 : memref<1x128xi32, #tpu.memory_space<vmem>> -> memref<128xi32, #tpu.memory_space<vmem>>
    %dma_wait3A_482 = arith.constant 0 : i32
    %dma_wait3A_483 = arith.constant 0 : i32
    %dma_wait3A_484 = tpu.memref_slice %arg11[%dma_wait3A_482, %dma_wait3A_483] : memref<100000x16xf32, #tpu.memory_space<vmem_shared>> -> memref<100000x16xf32, #tpu.memory_space<vmem_shared>>
    tpu.wait_indirect_dma semaphore(%arg15 : memref<!tpu.dma_semaphore, #tpu.memory_space<semaphore_mem>>) src(%dma_wait3A_478 : memref<128x16xf32, #tpu.memory_space<vmem>>) dst(%dma_wait3A_484 : memref<100000x16xf32, #tpu.memory_space<vmem_shared>>)
    %dma_wait3A_485 = arith.constant 3 : i32
    %dma_wait3A_486 = arith.constant 384 : i32
    %dma_wait3A_487 = arith.constant 0 : i32
    %dma_wait3A_488 = tpu.memref_slice %arg7[%dma_wait3A_486, %dma_wait3A_487] : memref<512x16xf32, #tpu.memory_space<vmem>> -> memref<128x16xf32, #tpu.memory_space<vmem>>
    %dma_wait3A_489 = arith.constant 0 : i32
    %dma_wait3A_490 = tpu.memref_slice %arg9[%dma_wait3A_485, %dma_wait3A_489] : memref<4x128xi32, #tpu.memory_space<vmem>> -> memref<1x128xi32, #tpu.memory_space<vmem>>
    %dma_wait3A_491 = tpu.memref_squeeze %dma_wait3A_490 : memref<1x128xi32, #tpu.memory_space<vmem>> -> memref<128xi32, #tpu.memory_space<vmem>>
    %dma_wait3A_492 = arith.constant 0 : i32
    %dma_wait3A_493 = arith.constant 0 : i32
    %dma_wait3A_494 = tpu.memref_slice %arg11[%dma_wait3A_492, %dma_wait3A_493] : memref<100000x16xf32, #tpu.memory_space<vmem_shared>> -> memref<100000x16xf32, #tpu.memory_space<vmem_shared>>
    tpu.wait_indirect_dma semaphore(%arg15 : memref<!tpu.dma_semaphore, #tpu.memory_space<semaphore_mem>>) src(%dma_wait3A_488 : memref<128x16xf32, #tpu.memory_space<vmem>>) dst(%dma_wait3A_494 : memref<100000x16xf32, #tpu.memory_space<vmem_shared>>)
    %barrier3A_495 = arith.constant 0 : index
    tpu.barrier barrier_id(%barrier3A_495)
    %add3A_496 = arith.constant 0 : i32
    %add3A_497 = arith.addi %mul3A_4, %add3A_496 : i32
    "tpu.region"() ({
      %run_scoped3A = tpu.sem_alloc : memref<!tpu.dma_semaphore, #tpu.memory_space<semaphore_mem>>
      %dma_start3A_516 = arith.constant 0 : i32
      %dma_start3A_517 = tpu.memref_slice %arg11[%add3A_497, %dma_start3A_516] : memref<100000x16xf32, #tpu.memory_space<vmem_shared>> -> memref<625x16xf32, #tpu.memory_space<vmem_shared>>
      %dma_start3A_518 = arith.constant 0 : i32
      %dma_start3A_519 = tpu.memref_slice %arg11[%add3A_497, %dma_start3A_518] : memref<100000x16xf32, #tpu.memory_space<vmem_shared>> -> memref<625x16xf32, #tpu.memory_space<vmem_shared>>
      tpu.enqueue_dma source(%dma_start3A_519 : memref<625x16xf32, #tpu.memory_space<vmem_shared>>) target(%arg10 : memref<625x16xf32, #tpu.memory_space<vmem>>) target_semaphore(%run_scoped3A : memref<!tpu.dma_semaphore, #tpu.memory_space<semaphore_mem>>)
      %dma_wait3A_520 = arith.constant 0 : i32
      %dma_wait3A_521 = tpu.memref_slice %arg11[%add3A_497, %dma_wait3A_520] : memref<100000x16xf32, #tpu.memory_space<vmem_shared>> -> memref<625x16xf32, #tpu.memory_space<vmem_shared>>
      %dma_wait3A_522 = arith.constant 0 : i32
      %dma_wait3A_523 = tpu.memref_slice %arg11[%add3A_497, %dma_wait3A_522] : memref<100000x16xf32, #tpu.memory_space<vmem_shared>> -> memref<625x16xf32, #tpu.memory_space<vmem_shared>>
      tpu.wait_dma2 semaphore(%run_scoped3A : memref<!tpu.dma_semaphore, #tpu.memory_space<semaphore_mem>>) src(%dma_wait3A_523 : memref<625x16xf32, #tpu.memory_space<vmem_shared>>) dst(%arg10 : memref<625x16xf32, #tpu.memory_space<vmem>>)
      tpu.yield
    }) : () -> ()
    "tpu.region"() ({
      %run_scoped3A = tpu.sem_alloc : memref<!tpu.dma_semaphore, #tpu.memory_space<semaphore_mem>>
      %dma_start3A_516 = tpu.memref_slice %arg5[%add3A_497, %mul3A_287] : memref<100000x64xf32, #tpu.memory_space<hbm>> -> memref<625x16xf32, #tpu.memory_space<hbm>>
      %dma_start3A_517 = tpu.memref_slice %arg5[%add3A_497, %mul3A_287] : memref<100000x64xf32, #tpu.memory_space<hbm>> -> memref<625x16xf32, #tpu.memory_space<hbm>>
      tpu.enqueue_dma source(%arg10 : memref<625x16xf32, #tpu.memory_space<vmem>>) target(%dma_start3A_517 : memref<625x16xf32, #tpu.memory_space<hbm>>) target_semaphore(%run_scoped3A : memref<!tpu.dma_semaphore, #tpu.memory_space<semaphore_mem>>)
      %dma_wait3A_518 = tpu.memref_slice %arg5[%add3A_497, %mul3A_287] : memref<100000x64xf32, #tpu.memory_space<hbm>> -> memref<625x16xf32, #tpu.memory_space<hbm>>
      %dma_wait3A_519 = tpu.memref_slice %arg5[%add3A_497, %mul3A_287] : memref<100000x64xf32, #tpu.memory_space<hbm>> -> memref<625x16xf32, #tpu.memory_space<hbm>>
      tpu.wait_dma2 semaphore(%run_scoped3A : memref<!tpu.dma_semaphore, #tpu.memory_space<semaphore_mem>>) src(%arg10 : memref<625x16xf32, #tpu.memory_space<vmem>>) dst(%dma_wait3A_519 : memref<625x16xf32, #tpu.memory_space<hbm>>)
      tpu.yield
    }) : () -> ()
    %add3A_498 = arith.constant 625 : i32
    %add3A_499 = arith.addi %mul3A_4, %add3A_498 : i32
    "tpu.region"() ({
      %run_scoped3A = tpu.sem_alloc : memref<!tpu.dma_semaphore, #tpu.memory_space<semaphore_mem>>
      %dma_start3A_516 = arith.constant 0 : i32
      %dma_start3A_517 = tpu.memref_slice %arg11[%add3A_499, %dma_start3A_516] : memref<100000x16xf32, #tpu.memory_space<vmem_shared>> -> memref<625x16xf32, #tpu.memory_space<vmem_shared>>
      %dma_start3A_518 = arith.constant 0 : i32
      %dma_start3A_519 = tpu.memref_slice %arg11[%add3A_499, %dma_start3A_518] : memref<100000x16xf32, #tpu.memory_space<vmem_shared>> -> memref<625x16xf32, #tpu.memory_space<vmem_shared>>
      tpu.enqueue_dma source(%dma_start3A_519 : memref<625x16xf32, #tpu.memory_space<vmem_shared>>) target(%arg10 : memref<625x16xf32, #tpu.memory_space<vmem>>) target_semaphore(%run_scoped3A : memref<!tpu.dma_semaphore, #tpu.memory_space<semaphore_mem>>)
      %dma_wait3A_520 = arith.constant 0 : i32
      %dma_wait3A_521 = tpu.memref_slice %arg11[%add3A_499, %dma_wait3A_520] : memref<100000x16xf32, #tpu.memory_space<vmem_shared>> -> memref<625x16xf32, #tpu.memory_space<vmem_shared>>
      %dma_wait3A_522 = arith.constant 0 : i32
      %dma_wait3A_523 = tpu.memref_slice %arg11[%add3A_499, %dma_wait3A_522] : memref<100000x16xf32, #tpu.memory_space<vmem_shared>> -> memref<625x16xf32, #tpu.memory_space<vmem_shared>>
      tpu.wait_dma2 semaphore(%run_scoped3A : memref<!tpu.dma_semaphore, #tpu.memory_space<semaphore_mem>>) src(%dma_wait3A_523 : memref<625x16xf32, #tpu.memory_space<vmem_shared>>) dst(%arg10 : memref<625x16xf32, #tpu.memory_space<vmem>>)
      tpu.yield
    }) : () -> ()
    "tpu.region"() ({
      %run_scoped3A = tpu.sem_alloc : memref<!tpu.dma_semaphore, #tpu.memory_space<semaphore_mem>>
      %dma_start3A_516 = tpu.memref_slice %arg5[%add3A_499, %mul3A_287] : memref<100000x64xf32, #tpu.memory_space<hbm>> -> memref<625x16xf32, #tpu.memory_space<hbm>>
      %dma_start3A_517 = tpu.memref_slice %arg5[%add3A_499, %mul3A_287] : memref<100000x64xf32, #tpu.memory_space<hbm>> -> memref<625x16xf32, #tpu.memory_space<hbm>>
      tpu.enqueue_dma source(%arg10 : memref<625x16xf32, #tpu.memory_space<vmem>>) target(%dma_start3A_517 : memref<625x16xf32, #tpu.memory_space<hbm>>) target_semaphore(%run_scoped3A : memref<!tpu.dma_semaphore, #tpu.memory_space<semaphore_mem>>)
      %dma_wait3A_518 = tpu.memref_slice %arg5[%add3A_499, %mul3A_287] : memref<100000x64xf32, #tpu.memory_space<hbm>> -> memref<625x16xf32, #tpu.memory_space<hbm>>
      %dma_wait3A_519 = tpu.memref_slice %arg5[%add3A_499, %mul3A_287] : memref<100000x64xf32, #tpu.memory_space<hbm>> -> memref<625x16xf32, #tpu.memory_space<hbm>>
      tpu.wait_dma2 semaphore(%run_scoped3A : memref<!tpu.dma_semaphore, #tpu.memory_space<semaphore_mem>>) src(%arg10 : memref<625x16xf32, #tpu.memory_space<vmem>>) dst(%dma_wait3A_519 : memref<625x16xf32, #tpu.memory_space<hbm>>)
      tpu.yield
    }) : () -> ()
    %add3A_500 = arith.constant 1250 : i32
    %add3A_501 = arith.addi %mul3A_4, %add3A_500 : i32
    "tpu.region"() ({
      %run_scoped3A = tpu.sem_alloc : memref<!tpu.dma_semaphore, #tpu.memory_space<semaphore_mem>>
      %dma_start3A_516 = arith.constant 0 : i32
      %dma_start3A_517 = tpu.memref_slice %arg11[%add3A_501, %dma_start3A_516] : memref<100000x16xf32, #tpu.memory_space<vmem_shared>> -> memref<625x16xf32, #tpu.memory_space<vmem_shared>>
      %dma_start3A_518 = arith.constant 0 : i32
      %dma_start3A_519 = tpu.memref_slice %arg11[%add3A_501, %dma_start3A_518] : memref<100000x16xf32, #tpu.memory_space<vmem_shared>> -> memref<625x16xf32, #tpu.memory_space<vmem_shared>>
      tpu.enqueue_dma source(%dma_start3A_519 : memref<625x16xf32, #tpu.memory_space<vmem_shared>>) target(%arg10 : memref<625x16xf32, #tpu.memory_space<vmem>>) target_semaphore(%run_scoped3A : memref<!tpu.dma_semaphore, #tpu.memory_space<semaphore_mem>>)
      %dma_wait3A_520 = arith.constant 0 : i32
      %dma_wait3A_521 = tpu.memref_slice %arg11[%add3A_501, %dma_wait3A_520] : memref<100000x16xf32, #tpu.memory_space<vmem_shared>> -> memref<625x16xf32, #tpu.memory_space<vmem_shared>>
      %dma_wait3A_522 = arith.constant 0 : i32
      %dma_wait3A_523 = tpu.memref_slice %arg11[%add3A_501, %dma_wait3A_522] : memref<100000x16xf32, #tpu.memory_space<vmem_shared>> -> memref<625x16xf32, #tpu.memory_space<vmem_shared>>
      tpu.wait_dma2 semaphore(%run_scoped3A : memref<!tpu.dma_semaphore, #tpu.memory_space<semaphore_mem>>) src(%dma_wait3A_523 : memref<625x16xf32, #tpu.memory_space<vmem_shared>>) dst(%arg10 : memref<625x16xf32, #tpu.memory_space<vmem>>)
      tpu.yield
    }) : () -> ()
    "tpu.region"() ({
      %run_scoped3A = tpu.sem_alloc : memref<!tpu.dma_semaphore, #tpu.memory_space<semaphore_mem>>
      %dma_start3A_516 = tpu.memref_slice %arg5[%add3A_501, %mul3A_287] : memref<100000x64xf32, #tpu.memory_space<hbm>> -> memref<625x16xf32, #tpu.memory_space<hbm>>
      %dma_start3A_517 = tpu.memref_slice %arg5[%add3A_501, %mul3A_287] : memref<100000x64xf32, #tpu.memory_space<hbm>> -> memref<625x16xf32, #tpu.memory_space<hbm>>
      tpu.enqueue_dma source(%arg10 : memref<625x16xf32, #tpu.memory_space<vmem>>) target(%dma_start3A_517 : memref<625x16xf32, #tpu.memory_space<hbm>>) target_semaphore(%run_scoped3A : memref<!tpu.dma_semaphore, #tpu.memory_space<semaphore_mem>>)
      %dma_wait3A_518 = tpu.memref_slice %arg5[%add3A_501, %mul3A_287] : memref<100000x64xf32, #tpu.memory_space<hbm>> -> memref<625x16xf32, #tpu.memory_space<hbm>>
      %dma_wait3A_519 = tpu.memref_slice %arg5[%add3A_501, %mul3A_287] : memref<100000x64xf32, #tpu.memory_space<hbm>> -> memref<625x16xf32, #tpu.memory_space<hbm>>
      tpu.wait_dma2 semaphore(%run_scoped3A : memref<!tpu.dma_semaphore, #tpu.memory_space<semaphore_mem>>) src(%arg10 : memref<625x16xf32, #tpu.memory_space<vmem>>) dst(%dma_wait3A_519 : memref<625x16xf32, #tpu.memory_space<hbm>>)
      tpu.yield
    }) : () -> ()
    %add3A_502 = arith.constant 1875 : i32
    %add3A_503 = arith.addi %mul3A_4, %add3A_502 : i32
    "tpu.region"() ({
      %run_scoped3A = tpu.sem_alloc : memref<!tpu.dma_semaphore, #tpu.memory_space<semaphore_mem>>
      %dma_start3A_516 = arith.constant 0 : i32
      %dma_start3A_517 = tpu.memref_slice %arg11[%add3A_503, %dma_start3A_516] : memref<100000x16xf32, #tpu.memory_space<vmem_shared>> -> memref<625x16xf32, #tpu.memory_space<vmem_shared>>
      %dma_start3A_518 = arith.constant 0 : i32
      %dma_start3A_519 = tpu.memref_slice %arg11[%add3A_503, %dma_start3A_518] : memref<100000x16xf32, #tpu.memory_space<vmem_shared>> -> memref<625x16xf32, #tpu.memory_space<vmem_shared>>
      tpu.enqueue_dma source(%dma_start3A_519 : memref<625x16xf32, #tpu.memory_space<vmem_shared>>) target(%arg10 : memref<625x16xf32, #tpu.memory_space<vmem>>) target_semaphore(%run_scoped3A : memref<!tpu.dma_semaphore, #tpu.memory_space<semaphore_mem>>)
      %dma_wait3A_520 = arith.constant 0 : i32
      %dma_wait3A_521 = tpu.memref_slice %arg11[%add3A_503, %dma_wait3A_520] : memref<100000x16xf32, #tpu.memory_space<vmem_shared>> -> memref<625x16xf32, #tpu.memory_space<vmem_shared>>
      %dma_wait3A_522 = arith.constant 0 : i32
      %dma_wait3A_523 = tpu.memref_slice %arg11[%add3A_503, %dma_wait3A_522] : memref<100000x16xf32, #tpu.memory_space<vmem_shared>> -> memref<625x16xf32, #tpu.memory_space<vmem_shared>>
      tpu.wait_dma2 semaphore(%run_scoped3A : memref<!tpu.dma_semaphore, #tpu.memory_space<semaphore_mem>>) src(%dma_wait3A_523 : memref<625x16xf32, #tpu.memory_space<vmem_shared>>) dst(%arg10 : memref<625x16xf32, #tpu.memory_space<vmem>>)
      tpu.yield
    }) : () -> ()
    "tpu.region"() ({
      %run_scoped3A = tpu.sem_alloc : memref<!tpu.dma_semaphore, #tpu.memory_space<semaphore_mem>>
      %dma_start3A_516 = tpu.memref_slice %arg5[%add3A_503, %mul3A_287] : memref<100000x64xf32, #tpu.memory_space<hbm>> -> memref<625x16xf32, #tpu.memory_space<hbm>>
      %dma_start3A_517 = tpu.memref_slice %arg5[%add3A_503, %mul3A_287] : memref<100000x64xf32, #tpu.memory_space<hbm>> -> memref<625x16xf32, #tpu.memory_space<hbm>>
      tpu.enqueue_dma source(%arg10 : memref<625x16xf32, #tpu.memory_space<vmem>>) target(%dma_start3A_517 : memref<625x16xf32, #tpu.memory_space<hbm>>) target_semaphore(%run_scoped3A : memref<!tpu.dma_semaphore, #tpu.memory_space<semaphore_mem>>)
      %dma_wait3A_518 = tpu.memref_slice %arg5[%add3A_503, %mul3A_287] : memref<100000x64xf32, #tpu.memory_space<hbm>> -> memref<625x16xf32, #tpu.memory_space<hbm>>
      %dma_wait3A_519 = tpu.memref_slice %arg5[%add3A_503, %mul3A_287] : memref<100000x64xf32, #tpu.memory_space<hbm>> -> memref<625x16xf32, #tpu.memory_space<hbm>>
      tpu.wait_dma2 semaphore(%run_scoped3A : memref<!tpu.dma_semaphore, #tpu.memory_space<semaphore_mem>>) src(%arg10 : memref<625x16xf32, #tpu.memory_space<vmem>>) dst(%dma_wait3A_519 : memref<625x16xf32, #tpu.memory_space<hbm>>)
      tpu.yield
    }) : () -> ()
    %add3A_504 = arith.constant 2500 : i32
    %add3A_505 = arith.addi %mul3A_4, %add3A_504 : i32
    "tpu.region"() ({
      %run_scoped3A = tpu.sem_alloc : memref<!tpu.dma_semaphore, #tpu.memory_space<semaphore_mem>>
      %dma_start3A_516 = arith.constant 0 : i32
      %dma_start3A_517 = tpu.memref_slice %arg11[%add3A_505, %dma_start3A_516] : memref<100000x16xf32, #tpu.memory_space<vmem_shared>> -> memref<625x16xf32, #tpu.memory_space<vmem_shared>>
      %dma_start3A_518 = arith.constant 0 : i32
      %dma_start3A_519 = tpu.memref_slice %arg11[%add3A_505, %dma_start3A_518] : memref<100000x16xf32, #tpu.memory_space<vmem_shared>> -> memref<625x16xf32, #tpu.memory_space<vmem_shared>>
      tpu.enqueue_dma source(%dma_start3A_519 : memref<625x16xf32, #tpu.memory_space<vmem_shared>>) target(%arg10 : memref<625x16xf32, #tpu.memory_space<vmem>>) target_semaphore(%run_scoped3A : memref<!tpu.dma_semaphore, #tpu.memory_space<semaphore_mem>>)
      %dma_wait3A_520 = arith.constant 0 : i32
      %dma_wait3A_521 = tpu.memref_slice %arg11[%add3A_505, %dma_wait3A_520] : memref<100000x16xf32, #tpu.memory_space<vmem_shared>> -> memref<625x16xf32, #tpu.memory_space<vmem_shared>>
      %dma_wait3A_522 = arith.constant 0 : i32
      %dma_wait3A_523 = tpu.memref_slice %arg11[%add3A_505, %dma_wait3A_522] : memref<100000x16xf32, #tpu.memory_space<vmem_shared>> -> memref<625x16xf32, #tpu.memory_space<vmem_shared>>
      tpu.wait_dma2 semaphore(%run_scoped3A : memref<!tpu.dma_semaphore, #tpu.memory_space<semaphore_mem>>) src(%dma_wait3A_523 : memref<625x16xf32, #tpu.memory_space<vmem_shared>>) dst(%arg10 : memref<625x16xf32, #tpu.memory_space<vmem>>)
      tpu.yield
    }) : () -> ()
    "tpu.region"() ({
      %run_scoped3A = tpu.sem_alloc : memref<!tpu.dma_semaphore, #tpu.memory_space<semaphore_mem>>
      %dma_start3A_516 = tpu.memref_slice %arg5[%add3A_505, %mul3A_287] : memref<100000x64xf32, #tpu.memory_space<hbm>> -> memref<625x16xf32, #tpu.memory_space<hbm>>
      %dma_start3A_517 = tpu.memref_slice %arg5[%add3A_505, %mul3A_287] : memref<100000x64xf32, #tpu.memory_space<hbm>> -> memref<625x16xf32, #tpu.memory_space<hbm>>
      tpu.enqueue_dma source(%arg10 : memref<625x16xf32, #tpu.memory_space<vmem>>) target(%dma_start3A_517 : memref<625x16xf32, #tpu.memory_space<hbm>>) target_semaphore(%run_scoped3A : memref<!tpu.dma_semaphore, #tpu.memory_space<semaphore_mem>>)
      %dma_wait3A_518 = tpu.memref_slice %arg5[%add3A_505, %mul3A_287] : memref<100000x64xf32, #tpu.memory_space<hbm>> -> memref<625x16xf32, #tpu.memory_space<hbm>>
      %dma_wait3A_519 = tpu.memref_slice %arg5[%add3A_505, %mul3A_287] : memref<100000x64xf32, #tpu.memory_space<hbm>> -> memref<625x16xf32, #tpu.memory_space<hbm>>
      tpu.wait_dma2 semaphore(%run_scoped3A : memref<!tpu.dma_semaphore, #tpu.memory_space<semaphore_mem>>) src(%arg10 : memref<625x16xf32, #tpu.memory_space<vmem>>) dst(%dma_wait3A_519 : memref<625x16xf32, #tpu.memory_space<hbm>>)
      tpu.yield
    }) : () -> ()
    %add3A_506 = arith.constant 3125 : i32
    %add3A_507 = arith.addi %mul3A_4, %add3A_506 : i32
    "tpu.region"() ({
      %run_scoped3A = tpu.sem_alloc : memref<!tpu.dma_semaphore, #tpu.memory_space<semaphore_mem>>
      %dma_start3A_516 = arith.constant 0 : i32
      %dma_start3A_517 = tpu.memref_slice %arg11[%add3A_507, %dma_start3A_516] : memref<100000x16xf32, #tpu.memory_space<vmem_shared>> -> memref<625x16xf32, #tpu.memory_space<vmem_shared>>
      %dma_start3A_518 = arith.constant 0 : i32
      %dma_start3A_519 = tpu.memref_slice %arg11[%add3A_507, %dma_start3A_518] : memref<100000x16xf32, #tpu.memory_space<vmem_shared>> -> memref<625x16xf32, #tpu.memory_space<vmem_shared>>
      tpu.enqueue_dma source(%dma_start3A_519 : memref<625x16xf32, #tpu.memory_space<vmem_shared>>) target(%arg10 : memref<625x16xf32, #tpu.memory_space<vmem>>) target_semaphore(%run_scoped3A : memref<!tpu.dma_semaphore, #tpu.memory_space<semaphore_mem>>)
      %dma_wait3A_520 = arith.constant 0 : i32
      %dma_wait3A_521 = tpu.memref_slice %arg11[%add3A_507, %dma_wait3A_520] : memref<100000x16xf32, #tpu.memory_space<vmem_shared>> -> memref<625x16xf32, #tpu.memory_space<vmem_shared>>
      %dma_wait3A_522 = arith.constant 0 : i32
      %dma_wait3A_523 = tpu.memref_slice %arg11[%add3A_507, %dma_wait3A_522] : memref<100000x16xf32, #tpu.memory_space<vmem_shared>> -> memref<625x16xf32, #tpu.memory_space<vmem_shared>>
      tpu.wait_dma2 semaphore(%run_scoped3A : memref<!tpu.dma_semaphore, #tpu.memory_space<semaphore_mem>>) src(%dma_wait3A_523 : memref<625x16xf32, #tpu.memory_space<vmem_shared>>) dst(%arg10 : memref<625x16xf32, #tpu.memory_space<vmem>>)
      tpu.yield
    }) : () -> ()
    "tpu.region"() ({
      %run_scoped3A = tpu.sem_alloc : memref<!tpu.dma_semaphore, #tpu.memory_space<semaphore_mem>>
      %dma_start3A_516 = tpu.memref_slice %arg5[%add3A_507, %mul3A_287] : memref<100000x64xf32, #tpu.memory_space<hbm>> -> memref<625x16xf32, #tpu.memory_space<hbm>>
      %dma_start3A_517 = tpu.memref_slice %arg5[%add3A_507, %mul3A_287] : memref<100000x64xf32, #tpu.memory_space<hbm>> -> memref<625x16xf32, #tpu.memory_space<hbm>>
      tpu.enqueue_dma source(%arg10 : memref<625x16xf32, #tpu.memory_space<vmem>>) target(%dma_start3A_517 : memref<625x16xf32, #tpu.memory_space<hbm>>) target_semaphore(%run_scoped3A : memref<!tpu.dma_semaphore, #tpu.memory_space<semaphore_mem>>)
      %dma_wait3A_518 = tpu.memref_slice %arg5[%add3A_507, %mul3A_287] : memref<100000x64xf32, #tpu.memory_space<hbm>> -> memref<625x16xf32, #tpu.memory_space<hbm>>
      %dma_wait3A_519 = tpu.memref_slice %arg5[%add3A_507, %mul3A_287] : memref<100000x64xf32, #tpu.memory_space<hbm>> -> memref<625x16xf32, #tpu.memory_space<hbm>>
      tpu.wait_dma2 semaphore(%run_scoped3A : memref<!tpu.dma_semaphore, #tpu.memory_space<semaphore_mem>>) src(%arg10 : memref<625x16xf32, #tpu.memory_space<vmem>>) dst(%dma_wait3A_519 : memref<625x16xf32, #tpu.memory_space<hbm>>)
      tpu.yield
    }) : () -> ()
    %add3A_508 = arith.constant 3750 : i32
    %add3A_509 = arith.addi %mul3A_4, %add3A_508 : i32
    "tpu.region"() ({
      %run_scoped3A = tpu.sem_alloc : memref<!tpu.dma_semaphore, #tpu.memory_space<semaphore_mem>>
      %dma_start3A_516 = arith.constant 0 : i32
      %dma_start3A_517 = tpu.memref_slice %arg11[%add3A_509, %dma_start3A_516] : memref<100000x16xf32, #tpu.memory_space<vmem_shared>> -> memref<625x16xf32, #tpu.memory_space<vmem_shared>>
      %dma_start3A_518 = arith.constant 0 : i32
      %dma_start3A_519 = tpu.memref_slice %arg11[%add3A_509, %dma_start3A_518] : memref<100000x16xf32, #tpu.memory_space<vmem_shared>> -> memref<625x16xf32, #tpu.memory_space<vmem_shared>>
      tpu.enqueue_dma source(%dma_start3A_519 : memref<625x16xf32, #tpu.memory_space<vmem_shared>>) target(%arg10 : memref<625x16xf32, #tpu.memory_space<vmem>>) target_semaphore(%run_scoped3A : memref<!tpu.dma_semaphore, #tpu.memory_space<semaphore_mem>>)
      %dma_wait3A_520 = arith.constant 0 : i32
      %dma_wait3A_521 = tpu.memref_slice %arg11[%add3A_509, %dma_wait3A_520] : memref<100000x16xf32, #tpu.memory_space<vmem_shared>> -> memref<625x16xf32, #tpu.memory_space<vmem_shared>>
      %dma_wait3A_522 = arith.constant 0 : i32
      %dma_wait3A_523 = tpu.memref_slice %arg11[%add3A_509, %dma_wait3A_522] : memref<100000x16xf32, #tpu.memory_space<vmem_shared>> -> memref<625x16xf32, #tpu.memory_space<vmem_shared>>
      tpu.wait_dma2 semaphore(%run_scoped3A : memref<!tpu.dma_semaphore, #tpu.memory_space<semaphore_mem>>) src(%dma_wait3A_523 : memref<625x16xf32, #tpu.memory_space<vmem_shared>>) dst(%arg10 : memref<625x16xf32, #tpu.memory_space<vmem>>)
      tpu.yield
    }) : () -> ()
    "tpu.region"() ({
      %run_scoped3A = tpu.sem_alloc : memref<!tpu.dma_semaphore, #tpu.memory_space<semaphore_mem>>
      %dma_start3A_516 = tpu.memref_slice %arg5[%add3A_509, %mul3A_287] : memref<100000x64xf32, #tpu.memory_space<hbm>> -> memref<625x16xf32, #tpu.memory_space<hbm>>
      %dma_start3A_517 = tpu.memref_slice %arg5[%add3A_509, %mul3A_287] : memref<100000x64xf32, #tpu.memory_space<hbm>> -> memref<625x16xf32, #tpu.memory_space<hbm>>
      tpu.enqueue_dma source(%arg10 : memref<625x16xf32, #tpu.memory_space<vmem>>) target(%dma_start3A_517 : memref<625x16xf32, #tpu.memory_space<hbm>>) target_semaphore(%run_scoped3A : memref<!tpu.dma_semaphore, #tpu.memory_space<semaphore_mem>>)
      %dma_wait3A_518 = tpu.memref_slice %arg5[%add3A_509, %mul3A_287] : memref<100000x64xf32, #tpu.memory_space<hbm>> -> memref<625x16xf32, #tpu.memory_space<hbm>>
      %dma_wait3A_519 = tpu.memref_slice %arg5[%add3A_509, %mul3A_287] : memref<100000x64xf32, #tpu.memory_space<hbm>> -> memref<625x16xf32, #tpu.memory_space<hbm>>
      tpu.wait_dma2 semaphore(%run_scoped3A : memref<!tpu.dma_semaphore, #tpu.memory_space<semaphore_mem>>) src(%arg10 : memref<625x16xf32, #tpu.memory_space<vmem>>) dst(%dma_wait3A_519 : memref<625x16xf32, #tpu.memory_space<hbm>>)
      tpu.yield
    }) : () -> ()
    %add3A_510 = arith.constant 4375 : i32
    %add3A_511 = arith.addi %mul3A_4, %add3A_510 : i32
    "tpu.region"() ({
      %run_scoped3A = tpu.sem_alloc : memref<!tpu.dma_semaphore, #tpu.memory_space<semaphore_mem>>
      %dma_start3A_516 = arith.constant 0 : i32
      %dma_start3A_517 = tpu.memref_slice %arg11[%add3A_511, %dma_start3A_516] : memref<100000x16xf32, #tpu.memory_space<vmem_shared>> -> memref<625x16xf32, #tpu.memory_space<vmem_shared>>
      %dma_start3A_518 = arith.constant 0 : i32
      %dma_start3A_519 = tpu.memref_slice %arg11[%add3A_511, %dma_start3A_518] : memref<100000x16xf32, #tpu.memory_space<vmem_shared>> -> memref<625x16xf32, #tpu.memory_space<vmem_shared>>
      tpu.enqueue_dma source(%dma_start3A_519 : memref<625x16xf32, #tpu.memory_space<vmem_shared>>) target(%arg10 : memref<625x16xf32, #tpu.memory_space<vmem>>) target_semaphore(%run_scoped3A : memref<!tpu.dma_semaphore, #tpu.memory_space<semaphore_mem>>)
      %dma_wait3A_520 = arith.constant 0 : i32
      %dma_wait3A_521 = tpu.memref_slice %arg11[%add3A_511, %dma_wait3A_520] : memref<100000x16xf32, #tpu.memory_space<vmem_shared>> -> memref<625x16xf32, #tpu.memory_space<vmem_shared>>
      %dma_wait3A_522 = arith.constant 0 : i32
      %dma_wait3A_523 = tpu.memref_slice %arg11[%add3A_511, %dma_wait3A_522] : memref<100000x16xf32, #tpu.memory_space<vmem_shared>> -> memref<625x16xf32, #tpu.memory_space<vmem_shared>>
      tpu.wait_dma2 semaphore(%run_scoped3A : memref<!tpu.dma_semaphore, #tpu.memory_space<semaphore_mem>>) src(%dma_wait3A_523 : memref<625x16xf32, #tpu.memory_space<vmem_shared>>) dst(%arg10 : memref<625x16xf32, #tpu.memory_space<vmem>>)
      tpu.yield
    }) : () -> ()
    "tpu.region"() ({
      %run_scoped3A = tpu.sem_alloc : memref<!tpu.dma_semaphore, #tpu.memory_space<semaphore_mem>>
      %dma_start3A_516 = tpu.memref_slice %arg5[%add3A_511, %mul3A_287] : memref<100000x64xf32, #tpu.memory_space<hbm>> -> memref<625x16xf32, #tpu.memory_space<hbm>>
      %dma_start3A_517 = tpu.memref_slice %arg5[%add3A_511, %mul3A_287] : memref<100000x64xf32, #tpu.memory_space<hbm>> -> memref<625x16xf32, #tpu.memory_space<hbm>>
      tpu.enqueue_dma source(%arg10 : memref<625x16xf32, #tpu.memory_space<vmem>>) target(%dma_start3A_517 : memref<625x16xf32, #tpu.memory_space<hbm>>) target_semaphore(%run_scoped3A : memref<!tpu.dma_semaphore, #tpu.memory_space<semaphore_mem>>)
      %dma_wait3A_518 = tpu.memref_slice %arg5[%add3A_511, %mul3A_287] : memref<100000x64xf32, #tpu.memory_space<hbm>> -> memref<625x16xf32, #tpu.memory_space<hbm>>
      %dma_wait3A_519 = tpu.memref_slice %arg5[%add3A_511, %mul3A_287] : memref<100000x64xf32, #tpu.memory_space<hbm>> -> memref<625x16xf32, #tpu.memory_space<hbm>>
      tpu.wait_dma2 semaphore(%run_scoped3A : memref<!tpu.dma_semaphore, #tpu.memory_space<semaphore_mem>>) src(%arg10 : memref<625x16xf32, #tpu.memory_space<vmem>>) dst(%dma_wait3A_519 : memref<625x16xf32, #tpu.memory_space<hbm>>)
      tpu.yield
    }) : () -> ()
    %add3A_512 = arith.constant 5000 : i32
    %add3A_513 = arith.addi %mul3A_4, %add3A_512 : i32
    "tpu.region"() ({
      %run_scoped3A = tpu.sem_alloc : memref<!tpu.dma_semaphore, #tpu.memory_space<semaphore_mem>>
      %dma_start3A_516 = arith.constant 0 : i32
      %dma_start3A_517 = tpu.memref_slice %arg11[%add3A_513, %dma_start3A_516] : memref<100000x16xf32, #tpu.memory_space<vmem_shared>> -> memref<625x16xf32, #tpu.memory_space<vmem_shared>>
      %dma_start3A_518 = arith.constant 0 : i32
      %dma_start3A_519 = tpu.memref_slice %arg11[%add3A_513, %dma_start3A_518] : memref<100000x16xf32, #tpu.memory_space<vmem_shared>> -> memref<625x16xf32, #tpu.memory_space<vmem_shared>>
      tpu.enqueue_dma source(%dma_start3A_519 : memref<625x16xf32, #tpu.memory_space<vmem_shared>>) target(%arg10 : memref<625x16xf32, #tpu.memory_space<vmem>>) target_semaphore(%run_scoped3A : memref<!tpu.dma_semaphore, #tpu.memory_space<semaphore_mem>>)
      %dma_wait3A_520 = arith.constant 0 : i32
      %dma_wait3A_521 = tpu.memref_slice %arg11[%add3A_513, %dma_wait3A_520] : memref<100000x16xf32, #tpu.memory_space<vmem_shared>> -> memref<625x16xf32, #tpu.memory_space<vmem_shared>>
      %dma_wait3A_522 = arith.constant 0 : i32
      %dma_wait3A_523 = tpu.memref_slice %arg11[%add3A_513, %dma_wait3A_522] : memref<100000x16xf32, #tpu.memory_space<vmem_shared>> -> memref<625x16xf32, #tpu.memory_space<vmem_shared>>
      tpu.wait_dma2 semaphore(%run_scoped3A : memref<!tpu.dma_semaphore, #tpu.memory_space<semaphore_mem>>) src(%dma_wait3A_523 : memref<625x16xf32, #tpu.memory_space<vmem_shared>>) dst(%arg10 : memref<625x16xf32, #tpu.memory_space<vmem>>)
      tpu.yield
    }) : () -> ()
    "tpu.region"() ({
      %run_scoped3A = tpu.sem_alloc : memref<!tpu.dma_semaphore, #tpu.memory_space<semaphore_mem>>
      %dma_start3A_516 = tpu.memref_slice %arg5[%add3A_513, %mul3A_287] : memref<100000x64xf32, #tpu.memory_space<hbm>> -> memref<625x16xf32, #tpu.memory_space<hbm>>
      %dma_start3A_517 = tpu.memref_slice %arg5[%add3A_513, %mul3A_287] : memref<100000x64xf32, #tpu.memory_space<hbm>> -> memref<625x16xf32, #tpu.memory_space<hbm>>
      tpu.enqueue_dma source(%arg10 : memref<625x16xf32, #tpu.memory_space<vmem>>) target(%dma_start3A_517 : memref<625x16xf32, #tpu.memory_space<hbm>>) target_semaphore(%run_scoped3A : memref<!tpu.dma_semaphore, #tpu.memory_space<semaphore_mem>>)
      %dma_wait3A_518 = tpu.memref_slice %arg5[%add3A_513, %mul3A_287] : memref<100000x64xf32, #tpu.memory_space<hbm>> -> memref<625x16xf32, #tpu.memory_space<hbm>>
      %dma_wait3A_519 = tpu.memref_slice %arg5[%add3A_513, %mul3A_287] : memref<100000x64xf32, #tpu.memory_space<hbm>> -> memref<625x16xf32, #tpu.memory_space<hbm>>
      tpu.wait_dma2 semaphore(%run_scoped3A : memref<!tpu.dma_semaphore, #tpu.memory_space<semaphore_mem>>) src(%arg10 : memref<625x16xf32, #tpu.memory_space<vmem>>) dst(%dma_wait3A_519 : memref<625x16xf32, #tpu.memory_space<hbm>>)
      tpu.yield
    }) : () -> ()
    %add3A_514 = arith.constant 5625 : i32
    %add3A_515 = arith.addi %mul3A_4, %add3A_514 : i32
    "tpu.region"() ({
      %run_scoped3A = tpu.sem_alloc : memref<!tpu.dma_semaphore, #tpu.memory_space<semaphore_mem>>
      %dma_start3A_516 = arith.constant 0 : i32
      %dma_start3A_517 = tpu.memref_slice %arg11[%add3A_515, %dma_start3A_516] : memref<100000x16xf32, #tpu.memory_space<vmem_shared>> -> memref<625x16xf32, #tpu.memory_space<vmem_shared>>
      %dma_start3A_518 = arith.constant 0 : i32
      %dma_start3A_519 = tpu.memref_slice %arg11[%add3A_515, %dma_start3A_518] : memref<100000x16xf32, #tpu.memory_space<vmem_shared>> -> memref<625x16xf32, #tpu.memory_space<vmem_shared>>
      tpu.enqueue_dma source(%dma_start3A_519 : memref<625x16xf32, #tpu.memory_space<vmem_shared>>) target(%arg10 : memref<625x16xf32, #tpu.memory_space<vmem>>) target_semaphore(%run_scoped3A : memref<!tpu.dma_semaphore, #tpu.memory_space<semaphore_mem>>)
      %dma_wait3A_520 = arith.constant 0 : i32
      %dma_wait3A_521 = tpu.memref_slice %arg11[%add3A_515, %dma_wait3A_520] : memref<100000x16xf32, #tpu.memory_space<vmem_shared>> -> memref<625x16xf32, #tpu.memory_space<vmem_shared>>
      %dma_wait3A_522 = arith.constant 0 : i32
      %dma_wait3A_523 = tpu.memref_slice %arg11[%add3A_515, %dma_wait3A_522] : memref<100000x16xf32, #tpu.memory_space<vmem_shared>> -> memref<625x16xf32, #tpu.memory_space<vmem_shared>>
      tpu.wait_dma2 semaphore(%run_scoped3A : memref<!tpu.dma_semaphore, #tpu.memory_space<semaphore_mem>>) src(%dma_wait3A_523 : memref<625x16xf32, #tpu.memory_space<vmem_shared>>) dst(%arg10 : memref<625x16xf32, #tpu.memory_space<vmem>>)
      tpu.yield
    }) : () -> ()
    "tpu.region"() ({
      %run_scoped3A = tpu.sem_alloc : memref<!tpu.dma_semaphore, #tpu.memory_space<semaphore_mem>>
      %dma_start3A_516 = tpu.memref_slice %arg5[%add3A_515, %mul3A_287] : memref<100000x64xf32, #tpu.memory_space<hbm>> -> memref<625x16xf32, #tpu.memory_space<hbm>>
      %dma_start3A_517 = tpu.memref_slice %arg5[%add3A_515, %mul3A_287] : memref<100000x64xf32, #tpu.memory_space<hbm>> -> memref<625x16xf32, #tpu.memory_space<hbm>>
      tpu.enqueue_dma source(%arg10 : memref<625x16xf32, #tpu.memory_space<vmem>>) target(%dma_start3A_517 : memref<625x16xf32, #tpu.memory_space<hbm>>) target_semaphore(%run_scoped3A : memref<!tpu.dma_semaphore, #tpu.memory_space<semaphore_mem>>)
      %dma_wait3A_518 = tpu.memref_slice %arg5[%add3A_515, %mul3A_287] : memref<100000x64xf32, #tpu.memory_space<hbm>> -> memref<625x16xf32, #tpu.memory_space<hbm>>
      %dma_wait3A_519 = tpu.memref_slice %arg5[%add3A_515, %mul3A_287] : memref<100000x64xf32, #tpu.memory_space<hbm>> -> memref<625x16xf32, #tpu.memory_space<hbm>>
      tpu.wait_dma2 semaphore(%run_scoped3A : memref<!tpu.dma_semaphore, #tpu.memory_space<semaphore_mem>>) src(%arg10 : memref<625x16xf32, #tpu.memory_space<vmem>>) dst(%dma_wait3A_519 : memref<625x16xf32, #tpu.memory_space<hbm>>)
      tpu.yield
    }) : () -> ()
    return
  }
}

</mosaic_0001>

<sc_bundles>
// kernel: kernel.3.cloned.1.call-start
scs
__scs_entry_jumppad:
0x0: {  	(pc) =	sbr.rel $0x88, $3  }
0x1: {  	(tag) =	ssettag $0x0;
	lr =	simm.s32 $0x1  }
0x2: {  	[smem:$0x3F9E] =	sst lr;
	_ =	strace $0xD0000000  }
0x3: {  	_ = 	snop  }
0x4: {  	_ = 	snop  }
0x5: {  	_ = 	snop  }
0x6: {  	_ = 	snop  }
0x7: {  	_ = 	snop  }
__scs_overlays_trampoline_lowered:
0x8: {  	[smem:$0x3FAD] =	sst s0  }
0x9: {  	[smem:$0x3FAE] =	sst s1  }
0xa: {  	[smem:$0x3FAF] =	sst s2  }
0xb: {  	[smem:$0x3FB0] =	sst s3  }
0xc: {  	[smem:$0x3FB1] =	sst s4  }
0xd: {  	[smem:$0x3FB2] =	sst s5  }
0xe: {  	[smem:$0x3FB3] =	sst s6  }
0xf: {  	[smem:$0x3FB4] =	sst s7  }
0x10: {  	[smem:$0x3FB5] =	sst s8  }
0x11: {  	[smem:$0x3FB6] =	sst s9;
	s0 =	simm.s32 @!p0 $0x0  }
0x12: {  	s1 =	sld [smem:$0x3F9C];
	s0 =	simm.s32 @p0 $0x1  }
0x13: {  	[smem:$0x3FB7] =	sst s0;
	s0 =	simm.s32 @!p1 $0x0  }
0x14: {  	s2 =	sld [smem:$0x3F9B];
	s0 =	simm.s32 @p1 $0x1  }
0x15: {  	[smem:$0x3FB8] =	sst s0;
	s0 =	simm.s32 @!p2 $0x0  }
0x16: {  	s3 =	sld [smem:$0x3FDB];
	s0 =	simm.s32 @p2 $0x1  }
0x17: {  	s4 =	simm.s32 $0x1BF5;
	[smem:$0x3FBA] =	sst s0  }
0x18: {  	s0 =	sld [smem:$0x3F9D];
	_ =	swait.ge [sflag:s4], $0x0  }
0x19: {  	s7 =	sld [smem:$0x3F9E]  }
0x1a: {  	s8 =	sadd.s32 $0xFFFFE003, lr  }
0x1b: {  	s9 =	sadd.s32 $0xFFFFFEF7, lr;
	s5 =	simm.s32 $0xFFFFFFFF;
	p2 =	slt.u32 s8, $0xFFFFF086  }
0x1c: {  	p1 =	slt.u32 s9, $0xF7A;
	s5 =	simm.s32 @!p2 $0x0  }
0x1d: {  	s5 =	simm.s32 @p1 $0x1;
	p0 =	seq.s32 s7, s2  }
0x1e: {  	s7 =	smul.u32 @!p0 $0xF7A, s2;
	p2 =	seq.s32 @!p0 s5, $0x0  }
0x1f: {  	s9 =	smul.u32 $0xF7A, s1;
	s8 =	simm.s32 @!p0 $0x1BF5;
	p2 =	por !p2, p0  }
0x20: {  	[sflag:s8] =	ssyncset.s32 @!p0 $0xFFFFF086;
	s6 =	sadd.s32 @!p0 s3, s7;
	s7 =	simm.s32 @!p0 $0x108  }
0x21: {  	s3 =	sadd.s32 s3, s9;
	s6 =	sadd.s32 @!p0 $0x88, s6;
	s7 =	simm.s32 @p2 $0x1082  }
0x22: {  	[simem:s7], [sflag:s8] =	dma.local @!p0 [hbm:s6], $0xF7A  }
0x23: {  	s9 =	sor.u32 $0xD0000000, s2;
	s6 =	simm.s32 $0x108;
	_ =	swait.ge @!p0 [sflag:s8], $0x0  }
0x24: {  	s3 =	sadd.s32 $0x88, s3;
	s6 =	simm.s32 @!p1 $0x1082;
	[sflag:s4] =	ssyncset.s32 $0xFFFFF086  }
0x25: {  	[simem:s6], [sflag:s4] =	dma.local [hbm:s3], $0xF7A  }
0x26: {  	[smem:$0x3F9E] =	sst s1;
	(tag) =	ssettag s2;
	_ =	strace s9  }
0x27: {  	s1 =	sld [smem:$0x3FAE]  }
0x28: {  	s2 =	sld [smem:$0x3FAF]  }
0x29: {  	s4 =	sld [smem:$0x3FB1]  }
0x2a: {  	p0 =	seq.s32 s5, $0x0;
	s5 =	sld [smem:$0x3FB2]  }
0x2b: {  	s6 =	sld [smem:$0x3FB3]  }
0x2c: {  	s7 =	sld [smem:$0x3FB4]  }
0x2d: {  	s3 =	simm.s32 $0x108;
	s8 =	sld [smem:$0x3FB5]  }
0x2e: {  	s3 =	simm.s32 @!p0 $0x1082;
	s9 =	sld [smem:$0x3FB6]  }
0x2f: {  	lr =	sadd.s32 s0, s3;
	s0 =	sld [smem:$0x3FAD]  }
0x30: {  	s3 =	sld [smem:$0x3FB0]  }
0x31: {  	[smem:$0x3FB9] =	sst s10  }
0x32: {  	s10 =	sld [smem:$0x3FB7];
	_ =	sdelay $0x3  }
0x33: {  	p0 =	seq.s32 s10, $0x1;
	s10 =	sld [smem:$0x3FB9];
	_ =	sdelay $0x3  }
0x34: {  	[smem:$0x3FB9] =	sst s10  }
0x35: {  	s10 =	sld [smem:$0x3FB8];
	_ =	sdelay $0x3  }
0x36: {  	p1 =	seq.s32 s10, $0x1;
	s10 =	sld [smem:$0x3FB9];
	_ =	sdelay $0x3  }
0x37: {  	[smem:$0x3FB9] =	sst s10  }
0x38: {  	s10 =	sld [smem:$0x3FBA]  }
0x39: {  	_ = 	snop;
	(pc) =	sbr.ind lr, $3  }
0x3a: {  	_ = 	snop  }
0x3b: {  	_ = 	snop  }
0x3c: {  	p2 =	seq.s32 s10, $0x1;
	s10 =	sld [smem:$0x3FB9]  }
0x3d: {  	_ =	shalt  }
0x3e: {  	_ =	shalt  }
0x3f: {  	_ =	shalt  }
0x40: {  	_ =	shalt  }
0x41: {  	_ =	shalt  }
0x42: {  	_ =	shalt  }
0x43: {  	_ =	shalt  }
0x44: {  	_ =	shalt  }
0x45: {  	_ =	shalt  }
0x46: {  	_ =	shalt  }
0x47: {  	_ =	shalt  }
0x48: {  	_ =	shalt  }
0x49: {  	_ =	shalt  }
0x4a: {  	_ =	shalt  }
0x4b: {  	_ =	shalt  }
0x4c: {  	_ =	shalt  }
0x4d: {  	_ =	shalt  }
0x4e: {  	_ =	shalt  }
0x4f: {  	_ =	shalt  }
0x50: {  	_ =	shalt  }
0x51: {  	_ =	shalt  }
0x52: {  	_ =	shalt  }
0x53: {  	_ =	shalt  }
0x54: {  	_ =	shalt  }
0x55: {  	_ =	shalt  }
0x56: {  	_ =	shalt  }
0x57: {  	_ =	shalt  }
0x58: {  	_ =	shalt  }
0x59: {  	_ =	shalt  }
0x5a: {  	_ =	shalt  }
0x5b: {  	_ =	shalt  }
0x5c: {  	_ =	shalt  }
0x5d: {  	_ =	shalt  }
0x5e: {  	_ =	shalt  }
0x5f: {  	_ =	shalt  }
0x60: {  	_ =	shalt  }
0x61: {  	_ =	shalt  }
0x62: {  	_ =	shalt  }
0x63: {  	_ =	shalt  }
0x64: {  	_ =	shalt  }
0x65: {  	_ =	shalt  }
0x66: {  	_ =	shalt  }
0x67: {  	_ =	shalt  }
0x68: {  	_ =	shalt  }
0x69: {  	_ =	shalt  }
0x6a: {  	_ =	shalt  }
0x6b: {  	_ =	shalt  }
0x6c: {  	_ =	shalt  }
0x6d: {  	_ =	shalt  }
0x6e: {  	_ =	shalt  }
0x6f: {  	_ =	shalt  }
0x70: {  	_ =	shalt  }
0x71: {  	_ =	shalt  }
0x72: {  	_ =	shalt  }
0x73: {  	_ =	shalt  }
0x74: {  	_ =	shalt  }
0x75: {  	_ =	shalt  }
0x76: {  	_ =	shalt  }
0x77: {  	_ =	shalt  }
0x78: {  	_ =	shalt  }
0x79: {  	_ =	shalt  }
0x7a: {  	_ =	shalt  }
0x7b: {  	_ =	shalt  }
0x7c: {  	_ =	shalt  }
0x7d: {  	_ =	shalt  }
0x7e: {  	_ =	shalt  }
0x7f: {  	_ =	shalt  }
0x80: {  	_ =	shalt  }
0x81: {  	_ =	shalt  }
0x82: {  	_ =	shalt  }
0x83: {  	_ =	shalt  }
0x84: {  	_ =	shalt  }
0x85: {  	_ =	shalt  }
0x86: {  	_ =	shalt  }
0x87: {  	_ =	shalt  }
.Lfunc_end0:
.L_simem_size_0:
called_computation_lowered:
.L_overlay_start_0:
0x88: {  	s2 =	sld [smem:$0x3FD9]  }
0x89: {  	s3 =	sld [smem:$0x3FFE];
	_ =	sdelay $0x1  }
0x8a: {  	s1 =	srdreg.scid  }
0x8b: {  	s0 =	sand.u32 $0x1, s1  }
0x8c: {  	s17 =	sshll.u32 s0, $0xA;
	s2 =	sadd.s32 s3, s2  }
0x8d: {  	s2 =	sadd.s32 s2, s17  }
0x8e: {  	[smem:$0x3FC5] =	sst s2  }
0x8f: {  	_ = 	snop  }
0x90: {  	s2 =	sld [smem:$0x3FC8]  }
0x91: {  	s18 =	sld [smem:$0x3FD0];
	(tm) =	ssettm $0x1  }
0x92: {  	s4 =	sld [smem:$0x3FFB];
	_ =	sdelay $0x3  }
0x93: {  	_ =	strace s4  }
0x94: {  	s4 =	sld [smem:$0x3FFC];
	_ =	sdelay $0x3  }
0x95: {  	_ =	strace s4  }
0x96: {  	s4 =	sld [smem:$0x3FFD];
	_ =	sdelay $0x3  }
0x97: {  	_ =	strace s4  }
0x98: {  	_ =	strace $0x8FFFFFFF  }
0x99: {  	s19 =	sld [smem:$0x3FDB];
	_ =	sdelay $0x1  }
0x9a: {  	s5 =	simm.s32 $_scs_section_size  }
0x9b: {  	s6 =	simm.s32 $_size__tile_overlayer_lowered;
	s7 =	simm.s32 $_tile_overlayer_lowered  }
0x9c: {  	s22 =	simm.s32 $0x1BFF;
	s21 =	sshll.u32 s7, $0x1;
	s4 =	sadd.s32 s5, s19  }
0x9d: {  	s8 =	simm.s32 $0x0;
	s20 =	sshll.u32 s6, $0x1;
	s6 =	sadd.s32 s21, s4  }
0x9e: {  	[timem:s8], [sflag:s22] =	dma.local [hbm:s6], s20  }
0x9f: {  	_ =	swait.ge [sflag:s22], s20  }
0xa0: {  	s5 =	ssub.s32 $0x0, s20;
	[sflag:s22] =	ssyncset.done $0x0  }
0xa1: {  	[sflag:s22] =	ssyncadd.s32 s5;
	_ =	sdelay $0x1  }
0xa2: {  	s23 =	simm.s32 $0x1B8B  }
0xa3: {  	_ =	swait.ge [sflag:s23], $0x1  }
0xa4: {  	[sflag:s23] =	ssyncset.done $0x0  }
0xa5: {  	s25 =	simm.s32 $0x1B8E;
	s24 =	sld [smem:$0x3FFE];
	[sflag:s23] =	ssyncadd.s32 $0xFFFFFFFF  }
0xa6: {  	s26 =	simm.s32 $execute0_lowered;
	[smem:$0x3FD2] =	sst s25  }
0xa7: {  	s6 =	sshll.u32 s26, $0x1;
	_ =	strace $0x80000046;
	[dreg:$0x1] =	wrdreg $0xFFFFFFFF  }
0xa8: {  	s28 =	simm.s32 $_size_execute0_lowered;
	s4 =	sadd.s32 s4, s6;
	[dreg:$0x0] =	wrdreg $0x0  }
0xa9: {  	s6 =	sshll.u32 s28, $0x1;
	[dreg:$0x2] =	wrdreg s4  }
0xaa: {  	[dreg:$0x3] =	wrdreg s6  }
0xab: {  	[dreg:$0x4] =	wrdreg $0xC0  }
0xac: {  	_ =	task [dreg:s8], $0x5FFFF  }
0xad: {  	[dreg:$0x1] =	wrdreg $0xFFFFFFFF  }
0xae: {  	[dreg:$0x0] =	wrdreg $0x60  }
0xaf: {  	[dreg:$0x2] =	wrdreg s24  }
0xb0: {  	[dreg:$0x3] =	wrdreg s2  }
0xb1: {  	[dreg:$0x4] =	wrdreg s18  }
0xb2: {  	[dreg:$0x5] =	wrdreg $0x6B100  }
0xb3: {  	[dreg:$0x6] =	wrdreg $0x9  }
0xb4: {  	_ =	task.clear_ibuf [dreg:s8], $0x7FFFF;
	_ =	strace $0x90000046  }
0xb5: {  	s29 =	simm.s32 $0x9;
	_ =	strace $0x80000048  }
0xb6: {  	_ =	swait.ge [sflag:s29], $0x1  }
0xb7: {  	[sflag:s29] =	ssyncadd.s32 $0xFFFFFFFF  }
0xb8: {  	_ =	strace $0x90000048  }
0xb9: {  	_ =	sfence  }
0xba: {  	s30 =	sld [smem:$0x0];
	_ =	sdelay $0x2  }
0xbb: {  	s31 =	sshll.u32 s1, $0xD;
	s1 =	sshrl.u32 s1, $0x2  }
0xbc: {  	s3 =	sand.u32 $0x4000, s31;
	s1 =	sadd.s32 s1, s30  }
0xbd: {  	s0 =	sor.u32 s3, s0;
	s1 =	sshll.u32 s1, $0x11  }
0xbe: {  	s0 =	sor.u32 s1, s0  }
0xbf: {  	s0 =	sadd.s32 $0x8F2B, s0  }
0xc0: {  	[sflag:s0] =	ssyncadd.remote.s32 $0x1  }
0xc1: {  	_ =	sfence.sel $0xFFFF  }
0xc2: {  	[dreg:$0x0] =	wrdreg $0xFFFFFFFF;
	(pc) =	sbr.abs _section_cstart, $3  }
0xc3: {  	[dreg:$0x1] =	wrdreg $0xFFFFFFFF  }
0xc4: {  	_ =	task.clear_ibuf [dreg:s8], $0x2FFFF;
	_ =	strace $0x9FFFFFFF  }
0xc5: {  	(tm) =	ssettm $0x7FFFFFFF  }
tec
execute0_lowered:
.L_overlay_start_1:
0x0: {  	(tag) =	ssettag $0x1  }
0x1: {  	s0 =	srdreg.scid  }
0x2: {  	s3 =	stileid.u32;
	s2 =	rddreg [dreg:$0x1]  }
0x3: {  	s1 =	simm.s32 $0x0;
	s4 =	sand.u32 $0x1, s0;
	s5 =	smul.u32 $0x1900, s3  }
0x4: {  	s11 =	smul.u32 $0x320000, s3;
	[smem:$0x7FF] =	sst s1;
	s0 =	ssub.s32 $0x2, s4  }
0x5: {  	s3 =	smul.u32 $0x61A80, s3;
	s14 =	sshll.u32 s4, $0x4;
	s6 =	sshrl.u32 s0, $0x1  }
0x6: {  	s31 =	sadd.s32 s2, s5;
	s2 =	sor.u32 s14, s11;
	s18 =	sor.u32 $0x8000, s11  }
0x7: {  	s4 =	sadd.s32 $0x9C40, s3;
	s13 =	sor.u32 s14, s3;
	s5 =	sadd.s32 $0x13880, s3  }
0x8: {  	s8 =	sadd.s32 $0x30D40, s3;
	s12 =	sadd.s32 $0x4E200, s3;
	s29 =	sor.u32 $0x20, s14  }
0x9: {  	s0 =	ssub.s32 s0, s6;
	s7 =	sor.u32 s14, s4;
	s19 =	sshrl.u32 s13, $0x3  }
0xa: {  	s15 =	sor.u32 s14, s5;
	s6 =	sadd.s32 $0x1D4C0, s3;
	s16 =	sor.u32 s14, s8  }
0xb: {  	s17 =	sor.u32 s14, s12;
	[smem:$0x7F5] =	sst s0;
	s20 =	sshrl.u32 s7, $0x3  }
0xc: {  	s21 =	sshrl.u32 s15, $0x3;
	s7 =	sadd.s32 $0x27100, s3;
	s9 =	sor.u32 s14, s6  }
0xd: {  	s24 =	sshrl.u32 s16, $0x3;
	s28 =	sshrl.u32 s17, $0x3;
	s17 =	sor.u32 s14, s18  }
0xe: {  	s10 =	sor.u32 s14, s7;
	s22 =	sshrl.u32 s9, $0x3;
	s9 =	sadd.s32 $0x3A980, s3  }
0xf: {  	s23 =	sshrl.u32 s10, $0x3;
	s10 =	sadd.s32 $0x445C0, s3;
	s13 =	sor.u32 s14, s9  }
0x10: {  	s15 =	sor.u32 s14, s10;
	s25 =	sshrl.u32 s13, $0x3;
	s13 =	sadd.s32 $0x57E40, s3  }
0x11: {  	s26 =	sshrl.u32 s15, $0x3;
	s16 =	sor.u32 s14, s13;
	s15 =	rddreg [dreg:$0x0]  }
0x12: {  	s30 =	sshrl.u32 s16, $0x3;
	s16 =	sor.u32 s11, s29;
	s11 =	rddreg [dreg:$0x2]  }
0x13: {  	s14 =	sor.u32 s29, s18;
	s18 =	sadd.s32 $0x600, s15;
	s0 =	sadd.s32 s11, s19  }
0x14: {  	s19 =	sadd.s32 s18, s19;
	[dreg:$0x9] =	wrdreg s0  }
0x15: {  	[dreg:$0xa] =	wrdreg s19;
	s19 =	sadd.s32 s11, s20  }
0x16: {  	[dreg:$0xb] =	wrdreg s19;
	s19 =	sadd.s32 s18, s20  }
0x17: {  	s20 =	sadd.s32 s11, s21;
	[dreg:$0xc] =	wrdreg s19  }
0x18: {  	[dreg:$0xd] =	wrdreg s20;
	s19 =	sadd.s32 s18, s21  }
0x19: {  	s20 =	sadd.s32 s11, s22;
	[dreg:$0xe] =	wrdreg s19  }
0x1a: {  	s21 =	sadd.s32 s18, s22;
	[dreg:$0xf] =	wrdreg s20  }
0x1b: {  	s22 =	sadd.s32 s11, s23;
	[dreg:$0x10] =	wrdreg s21  }
0x1c: {  	s23 =	sadd.s32 s18, s23;
	[dreg:$0x11] =	wrdreg s22  }
0x1d: {  	[dreg:$0x12] =	wrdreg s23;
	s19 =	sadd.s32 s11, s24  }
0x1e: {  	s20 =	sadd.s32 s18, s24;
	[dreg:$0x13] =	wrdreg s19  }
0x1f: {  	s21 =	sadd.s32 s11, s25;
	[dreg:$0x14] =	wrdreg s20  }
0x20: {  	s22 =	sadd.s32 s18, s25;
	[dreg:$0x15] =	wrdreg s21  }
0x21: {  	s23 =	sadd.s32 s11, s26;
	[dreg:$0x16] =	wrdreg s22  }
0x22: {  	s24 =	sadd.s32 s18, s26;
	[dreg:$0x17] =	wrdreg s23  }
0x23: {  	s17 =	sshrl.u32 s17, $0x3;
	s25 =	sadd.s32 s11, s28;
	[dreg:$0x18] =	wrdreg s24  }
0x24: {  	s0 =	sor.u32 s29, s12;
	s26 =	sadd.s32 s18, s28;
	[dreg:$0x19] =	wrdreg s25  }
0x25: {  	s28 =	sor.u32 s3, s29;
	[dreg:$0x1a] =	wrdreg s26;
	s20 =	sadd.s32 s11, s30  }
0x26: {  	s21 =	sadd.s32 s18, s30;
	s19 =	sshrl.u32 s28, $0x3;
	s22 =	sor.u32 s29, s4  }
0x27: {  	s23 =	sor.u32 s29, s5;
	s24 =	sor.u32 s29, s6;
	s25 =	sor.u32 s29, s7  }
0x28: {  	s26 =	sor.u32 s29, s8;
	s28 =	sor.u32 s29, s9;
	[dreg:$0x1b] =	wrdreg s20  }
0x29: {  	[dreg:$0x1c] =	wrdreg s21;
	s21 =	sshrl.u32 s23, $0x3;
	s23 =	sshrl.u32 s25, $0x3  }
0x2a: {  	s25 =	sshrl.u32 s28, $0x3;
	s28 =	sshrl.u32 s0, $0x3;
	s0 =	sadd.s32 s11, s19  }
0x2b: {  	s20 =	sshrl.u32 s22, $0x3;
	s19 =	sadd.s32 s18, s19;
	[dreg:$0x1d] =	wrdreg s0  }
0x2c: {  	s22 =	sshrl.u32 s24, $0x3;
	s0 =	sadd.s32 s11, s20;
	[smem:$0x7E0] =	sst s19  }
0x2d: {  	s24 =	sshrl.u32 s26, $0x3;
	s20 =	sadd.s32 s18, s20;
	[dreg:$0x1e] =	wrdreg s0  }
0x2e: {  	s26 =	sor.u32 s29, s10;
	s0 =	sadd.s32 s11, s21;
	[smem:$0x7E1] =	sst s20  }
0x2f: {  	s26 =	sshrl.u32 s26, $0x3;
	s21 =	sadd.s32 s18, s21;
	[dreg:$0x1f] =	wrdreg s0  }
0x30: {  	s15 =	sadd.s32 $0xC80600, s15;
	s19 =	sadd.s32 s18, s26;
	[smem:$0x7E2] =	sst s21  }
0x31: {  	s3 =	sshrl.u32 s3, $0x2;
	s20 =	sadd.s32 s18, s28;
	[smem:$0x7E7] =	sst s19  }
0x32: {  	s29 =	sor.u32 s29, s13;
	s0 =	sadd.s32 s11, s22;
	[smem:$0x7E8] =	sst s20  }
0x33: {  	s29 =	sshrl.u32 s29, $0x3;
	s22 =	sadd.s32 s18, s22;
	[smem:$0x7D9] =	sst s0  }
0x34: {  	s4 =	sshrl.u32 s4, $0x2;
	s21 =	sadd.s32 s18, s29;
	[smem:$0x7E3] =	sst s22  }
0x35: {  	s30 =	simm.s32 $0x1000;
	s0 =	sadd.s32 s11, s23;
	[smem:$0x7E9] =	sst s21  }
0x36: {  	s23 =	sadd.s32 s18, s23;
	s22 =	sor.u32 $0x18000, s2;
	[smem:$0x7DA] =	sst s0  }
0x37: {  	s0 =	sadd.s32 s11, s24;
	[smem:$0x7E4] =	sst s23;
	s24 =	sadd.s32 s18, s24  }
0x38: {  	s23 =	sor.u32 $0x10020, s2;
	[smem:$0x7DB] =	sst s0;
	s0 =	sadd.s32 s11, s25  }
0x39: {  	[smem:$0x7E5] =	sst s24;
	s19 =	sshrl.u32 s23, $0x3;
	s24 =	sor.u32 $0x18020, s2  }
0x3a: {  	[smem:$0x7DC] =	sst s0;
	s0 =	sadd.s32 s11, s26;
	s26 =	sshrl.u32 s24, $0x3  }
0x3b: {  	s24 =	sshrl.u32 s6, $0x2;
	[smem:$0x7DD] =	sst s0;
	s0 =	sadd.s32 s11, s28  }
0x3c: {  	s6 =	sshrl.u32 s9, $0x2;
	s11 =	sadd.s32 s11, s29;
	[smem:$0x7DE] =	sst s0  }
0x3d: {  	s28 =	sadd.s32 s26, s15;
	[smem:$0x7DF] =	sst s11;
	s11 =	sadd.s32 s18, s25  }
0x3e: {  	s29 =	simm.s32 $0x4100;
	s18 =	sshrl.u32 s22, $0x3;
	[smem:$0x7E6] =	sst s11  }
0x3f: {  	s25 =	sadd.s32 s19, s15;
	s11 =	rddreg [dreg:$0x3];
	s18 =	sadd.s32 s18, s15  }
0x40: {  	s0 =	sshrl.u32 s2, $0x3;
	_ =	strace $0x80000047;
	[dreg:$0x5] =	wrdreg s18  }
0x41: {  	s19 =	sadd.s32 s15, s17;
	s22 =	sshrl.u32 s5, $0x2;
	[dreg:$0x6] =	wrdreg s25  }
0x42: {  	s17 =	sshrl.u32 s13, $0x2;
	s5 =	simm.s32 $0x4000;
	[dreg:$0x7] =	wrdreg s28  }
0x43: {  	s13 =	simm.s32 $0x1;
	s18 =	sadd.s32 s15, s0;
	[smem:$0x7EB] =	sst s19  }
0x44: {  	s20 =	sadd.s32 s3, s11;
	s21 =	sadd.s32 s4, s11;
	[dreg:$0x8] =	wrdreg s31  }
0x45: {  	s23 =	sadd.s32 s22, s11;
	s25 =	sshrl.u32 s7, $0x2;
	[smem:$0x7EA] =	sst s18  }
0x46: {  	s26 =	sadd.s32 s24, s11;
	s4 =	sshrl.u32 s8, $0x2;
	[smem:$0x7EC] =	sst s20  }
0x47: {  	s7 =	sshrl.u32 s10, $0x2;
	s8 =	sadd.s32 s6, s11;
	[smem:$0x7ED] =	sst s21  }
0x48: {  	s10 =	sshrl.u32 s12, $0x2;
	s24 =	sadd.s32 $0x40, s31;
	[smem:$0x7EE] =	sst s23  }
0x49: {  	s6 =	simm.s32 $0x10;
	[smem:$0x7EF] =	sst s26;
	s28 =	sadd.s32 s25, s11  }
0x4a: {  	s3 =	sadd.s32 s4, s11;
	[smem:$0x7F1] =	sst s8;
	s9 =	sadd.s32 s7, s11  }
0x4b: {  	s25 =	sadd.s32 s10, s11;
	s18 =	sshrl.u32 s16, $0x3;
	s10 =	sadd.s32 s17, s11  }
0x4c: {  	s20 =	sshrl.u32 s14, $0x3;
	s22 =	sld [smem:$0x7F5];
	s23 =	sor.u32 $0x10000, s2  }
0x4d: {  	[smem:$0x7F8] =	sst s24;
	s26 =	sadd.s32 $0x80, s31;
	s7 =	simm.s32 $0x40  }
0x4e: {  	s8 =	simm.s32 $0x4200;
	s14 =	simm.s32 $0x80;
	[smem:$0x7F0] =	sst s3  }
0x4f: {  	s16 =	simm.s32 $0x4080;
	s17 =	simm.s32 $0x800;
	[smem:$0x7F2] =	sst s9  }
0x50: {  	s31 =	simm.s32 $0x4180;
	s2 =	simm.s32 $0x1800;
	[smem:$0x7F7] =	sst s23  }
0x51: {  	s24 =	simm.s32 $0x4;
	s12 =	smov.u32 s28;
	[smem:$0x7F9] =	sst s26  }
0x52: {  	s19 =	sadd.s32 s15, s18;
	s21 =	sadd.s32 s15, s20;
	[smem:$0x7FC] =	sst s25  }
0x53: {  	s9 =	simm.s32 $0x2000;
	s26 =	simm.s32 $0x4400;
	[smem:$0x7FD] =	sst s10  }
0x54: {  	s3 =	simm.s32 $0x4280;
	s18 =	simm.s32 $0x2800;
	[smem:$0x7F3] =	sst s19  }
0x55: {  	s20 =	simm.s32 $0x3000;
	s28 =	simm.s32 $0x0;
	[smem:$0x7F4] =	sst s21  }
0x56: {  	s23 =	simm.s32 $0x3;
	s19 =	simm.s32 $0x4300;
	[smem:$0x7FA] =	sst s28  }
0x57: {  	s21 =	simm.s32 $0x4380;
	[smem:$0x7FB] =	sst s12;
	s0 =	smax.u32 s22, $0x1  }
0x58: {  	s22 =	simm.s32 $0x3800;
	[smem:$0x7F6] =	sst s0;
	s0 =	simm.s32 $0x2  }
.LBB2_1:
0x59: {  	s4 =	rddreg [dreg:$0x8]  }
0x5a: {  	[tilespmem:s5], [sflag:$0x1] =	stream.linear.gather [hbm4b:s4+s1], $0x200, $0x38;
	[tilespmem:$0x1F1B0] =	vst v63  }
0x5b: {  	s4 =	sld [smem:$0x7EA];
	_ =	sdelay $0x2  }
0x5c: {  	[tilespmem:s1], [sflag:$0x1] =	stream.strided.gather [hbm4b:s4+s6], $0x2000, s7, s6, $0x38;
	[tilespmem:$0x1F1B0] =	vst v63  }
0x5d: {  	s4 =	sld [smem:$0x7F8];
	_ =	sdelay $0x2  }
0x5e: {  	[tilespmem:s8], [sflag:$0x2] =	stream.linear.gather [hbm4b:s4+s1], $0x200, $0x38;
	[tilespmem:$0x1F1B0] =	vst v63  }
0x5f: {  	s4 =	sld [smem:$0x7EB];
	_ =	sdelay $0x2  }
0x60: {  	[tilespmem:s9], [sflag:$0x2] =	stream.strided.gather [hbm4b:s4+s6], $0x2000, s7, s6, $0x38;
	[tilespmem:$0x1F1B0] =	vst v63  }
0x61: {  	s28 =	simm.s32 $0x5;
	s4 =	rddreg [dreg:$0x9]  }
0x62: {  	[tilespmem:s26], [sflag:$0x5] =	stream.strided.gather [hbm4b:s4+s6], $0x2710, s7, s6, $0x38;
	[tilespmem:$0x1F1B0] =	vst v63  }
0x63: {  	_ =	swait.ge [sflag:s28], $0x2710  }
0x64: {  	s4 =	sld [smem:$0x7EC]  }
0x65: {  	[sflag:s28] =	ssyncset.done $0x0  }
0x66: {  	[sflag:s28] =	ssyncadd.s32 $0xFFFFD8F0  }
0x67: {  	[spmem:s4] =	stream.linear.scatter [tilespmem:s26], [sflag:$0x5], $0x2710, $0x38;
	[tilespmem:$0x1F1B0] =	vst v63  }
0x68: {  	_ =	swait.ge [sflag:s28], $0x2710  }
0x69: {  	[sflag:s28] =	ssyncset.done $0x0  }
0x6a: {  	s4 =	rddreg [dreg:$0xb];
	[sflag:s28] =	ssyncadd.s32 $0xFFFFD8F0  }
0x6b: {  	[tilespmem:s26], [sflag:$0x5] =	stream.strided.gather [hbm4b:s4+s6], $0x2710, s7, s6, $0x38;
	[tilespmem:$0x1F1B0] =	vst v63  }
0x6c: {  	_ =	swait.ge [sflag:s28], $0x2710  }
0x6d: {  	s4 =	sld [smem:$0x7ED]  }
0x6e: {  	[sflag:s28] =	ssyncset.done $0x0  }
0x6f: {  	[sflag:s28] =	ssyncadd.s32 $0xFFFFD8F0  }
0x70: {  	[spmem:s4] =	stream.linear.scatter [tilespmem:s26], [sflag:$0x5], $0x2710, $0x38;
	[tilespmem:$0x1F1B0] =	vst v63  }
0x71: {  	_ =	swait.ge [sflag:s28], $0x2710  }
0x72: {  	[sflag:s28] =	ssyncset.done $0x0  }
0x73: {  	s4 =	rddreg [dreg:$0xd];
	[sflag:s28] =	ssyncadd.s32 $0xFFFFD8F0  }
0x74: {  	[tilespmem:s26], [sflag:$0x5] =	stream.strided.gather [hbm4b:s4+s6], $0x2710, s7, s6, $0x38;
	[tilespmem:$0x1F1B0] =	vst v63  }
0x75: {  	_ =	swait.ge [sflag:s28], $0x2710  }
0x76: {  	s4 =	sld [smem:$0x7EE]  }
0x77: {  	[sflag:s28] =	ssyncset.done $0x0  }
0x78: {  	[sflag:s28] =	ssyncadd.s32 $0xFFFFD8F0  }
0x79: {  	[spmem:s4] =	stream.linear.scatter [tilespmem:s26], [sflag:$0x5], $0x2710, $0x38;
	[tilespmem:$0x1F1B0] =	vst v63  }
0x7a: {  	_ =	swait.ge [sflag:s28], $0x2710  }
0x7b: {  	[sflag:s28] =	ssyncset.done $0x0  }
0x7c: {  	s4 =	rddreg [dreg:$0xf];
	[sflag:s28] =	ssyncadd.s32 $0xFFFFD8F0  }
0x7d: {  	[tilespmem:s26], [sflag:$0x5] =	stream.strided.gather [hbm4b:s4+s6], $0x2710, s7, s6, $0x38;
	[tilespmem:$0x1F1B0] =	vst v63  }
0x7e: {  	_ =	swait.ge [sflag:s28], $0x2710  }
0x7f: {  	s4 =	sld [smem:$0x7EF]  }
0x80: {  	[sflag:s28] =	ssyncset.done $0x0  }
0x81: {  	[sflag:s28] =	ssyncadd.s32 $0xFFFFD8F0  }
0x82: {  	[spmem:s4] =	stream.linear.scatter [tilespmem:s26], [sflag:$0x5], $0x2710, $0x38;
	[tilespmem:$0x1F1B0] =	vst v63  }
0x83: {  	_ =	swait.ge [sflag:s28], $0x2710  }
0x84: {  	[sflag:s28] =	ssyncset.done $0x0  }
0x85: {  	s4 =	rddreg [dreg:$0x11];
	[sflag:s28] =	ssyncadd.s32 $0xFFFFD8F0  }
0x86: {  	[tilespmem:s26], [sflag:$0x5] =	stream.strided.gather [hbm4b:s4+s6], $0x2710, s7, s6, $0x38;
	[tilespmem:$0x1F1B0] =	vst v63  }
0x87: {  	_ =	swait.ge [sflag:s28], $0x2710  }
0x88: {  	[sflag:s28] =	ssyncset.done $0x0  }
0x89: {  	[sflag:s28] =	ssyncadd.s32 $0xFFFFD8F0  }
0x8a: {  	[spmem:s12] =	stream.linear.scatter [tilespmem:s26], [sflag:$0x5], $0x2710, $0x38;
	[tilespmem:$0x1F1B0] =	vst v63  }
0x8b: {  	_ =	swait.ge [sflag:s28], $0x2710  }
0x8c: {  	[sflag:s28] =	ssyncset.done $0x0  }
0x8d: {  	s12 =	rddreg [dreg:$0x13];
	[sflag:s28] =	ssyncadd.s32 $0xFFFFD8F0  }
0x8e: {  	[tilespmem:s26], [sflag:$0x5] =	stream.strided.gather [hbm4b:s12+s6], $0x2710, s7, s6, $0x38;
	[tilespmem:$0x1F1B0] =	vst v63  }
0x8f: {  	_ =	swait.ge [sflag:s28], $0x2710  }
0x90: {  	s12 =	sld [smem:$0x7F0]  }
0x91: {  	[sflag:s28] =	ssyncset.done $0x0  }
0x92: {  	[sflag:s28] =	ssyncadd.s32 $0xFFFFD8F0  }
0x93: {  	[spmem:s12] =	stream.linear.scatter [tilespmem:s26], [sflag:$0x5], $0x2710, $0x38;
	[tilespmem:$0x1F1B0] =	vst v63  }
0x94: {  	_ =	swait.ge [sflag:s28], $0x2710  }
0x95: {  	[sflag:s28] =	ssyncset.done $0x0  }
0x96: {  	s12 =	rddreg [dreg:$0x15];
	[sflag:s28] =	ssyncadd.s32 $0xFFFFD8F0  }
0x97: {  	[tilespmem:s26], [sflag:$0x5] =	stream.strided.gather [hbm4b:s12+s6], $0x2710, s7, s6, $0x38;
	[tilespmem:$0x1F1B0] =	vst v63  }
0x98: {  	_ =	swait.ge [sflag:s28], $0x2710  }
0x99: {  	s12 =	sld [smem:$0x7F1]  }
0x9a: {  	[sflag:s28] =	ssyncset.done $0x0  }
0x9b: {  	[sflag:s28] =	ssyncadd.s32 $0xFFFFD8F0  }
0x9c: {  	[spmem:s12] =	stream.linear.scatter [tilespmem:s26], [sflag:$0x5], $0x2710, $0x38;
	[tilespmem:$0x1F1B0] =	vst v63  }
0x9d: {  	_ =	swait.ge [sflag:s28], $0x2710  }
0x9e: {  	[sflag:s28] =	ssyncset.done $0x0  }
0x9f: {  	s12 =	rddreg [dreg:$0x17];
	[sflag:s28] =	ssyncadd.s32 $0xFFFFD8F0  }
0xa0: {  	[tilespmem:s26], [sflag:$0x5] =	stream.strided.gather [hbm4b:s12+s6], $0x2710, s7, s6, $0x38;
	[tilespmem:$0x1F1B0] =	vst v63  }
0xa1: {  	_ =	swait.ge [sflag:s28], $0x2710  }
0xa2: {  	s12 =	sld [smem:$0x7F2]  }
0xa3: {  	[sflag:s28] =	ssyncset.done $0x0  }
0xa4: {  	[sflag:s28] =	ssyncadd.s32 $0xFFFFD8F0  }
0xa5: {  	[spmem:s12] =	stream.linear.scatter [tilespmem:s26], [sflag:$0x5], $0x2710, $0x38;
	[tilespmem:$0x1F1B0] =	vst v63  }
0xa6: {  	_ =	swait.ge [sflag:s28], $0x2710  }
0xa7: {  	[sflag:s28] =	ssyncset.done $0x0  }
0xa8: {  	s12 =	rddreg [dreg:$0x19];
	[sflag:s28] =	ssyncadd.s32 $0xFFFFD8F0  }
0xa9: {  	[tilespmem:s26], [sflag:$0x5] =	stream.strided.gather [hbm4b:s12+s6], $0x2710, s7, s6, $0x38;
	[tilespmem:$0x1F1B0] =	vst v63  }
0xaa: {  	_ =	swait.ge [sflag:s28], $0x2710  }
0xab: {  	[sflag:s28] =	ssyncset.done $0x0  }
0xac: {  	[sflag:s28] =	ssyncadd.s32 $0xFFFFD8F0  }
0xad: {  	[spmem:s25] =	stream.linear.scatter [tilespmem:s26], [sflag:$0x5], $0x2710, $0x38;
	[tilespmem:$0x1F1B0] =	vst v63  }
0xae: {  	_ =	swait.ge [sflag:s28], $0x2710  }
0xaf: {  	[sflag:s28] =	ssyncset.done $0x0  }
0xb0: {  	s12 =	rddreg [dreg:$0x1b];
	[sflag:s28] =	ssyncadd.s32 $0xFFFFD8F0  }
0xb1: {  	[tilespmem:s26], [sflag:$0x5] =	stream.strided.gather [hbm4b:s12+s6], $0x2710, s7, s6, $0x38;
	[tilespmem:$0x1F1B0] =	vst v63  }
0xb2: {  	_ =	swait.ge [sflag:s28], $0x2710  }
0xb3: {  	[sflag:s28] =	ssyncset.done $0x0  }
0xb4: {  	[sflag:s28] =	ssyncadd.s32 $0xFFFFD8F0  }
0xb5: {  	[spmem:s10] =	stream.linear.scatter [tilespmem:s26], [sflag:$0x5], $0x2710, $0x38;
	[tilespmem:$0x1F1B0] =	vst v63  }
0xb6: {  	_ =	swait.ge [sflag:s28], $0x2710  }
0xb7: {  	[sflag:s28] =	ssyncset.done $0x0  }
0xb8: {  	[sflag:s28] =	ssyncadd.s32 $0xFFFFD8F0  }
0xb9: {  	[bflag:$0x0] =	sbarrier.arrive $0xFFFF  }
0xba: {  	_ =	swait.ge [sflag:s13], $0x200  }
0xbb: {  	[sflag:s13] =	ssyncset.done $0x0  }
0xbc: {  	[sflag:s13] =	ssyncadd.s32 $0xFFFFFE00  }
0xbd: {  	_ =	swait.ge [sflag:s13], $0x2000  }
0xbe: {  	[sflag:s13] =	ssyncset.done $0x0  }
0xbf: {  	[sflag:s13] =	ssyncadd.s32 $0xFFFFE000  }
0xc0: {  	[spmem:s11] =	stream.indirect.scatter.add.f32 [tilespmem:s1], [sflag:$0x3], $0x10, s5, s14, $0xb8;
	[tilespmem:$0x1F1B0] =	vst v63  }
0xc1: {  	_ = 	snop  }
0xc2: {  	[spmem:s11] =	stream.indirect.scatter.add.f32 [tilespmem:s17], [sflag:$0x3], $0x10, s16, s14, $0xb8;
	[tilespmem:$0x1F1B0] =	vst v63  }
0xc3: {  	_ = 	snop  }
0xc4: {  	[spmem:s11] =	stream.indirect.scatter.add.f32 [tilespmem:s30], [sflag:$0x3], $0x10, s29, s14, $0xb8;
	[tilespmem:$0x1F1B0] =	vst v63  }
0xc5: {  	_ = 	snop  }
0xc6: {  	[spmem:s11] =	stream.indirect.scatter.add.f32 [tilespmem:s2], [sflag:$0x3], $0x10, s31, s14, $0xb8;
	[tilespmem:$0x1F1B0] =	vst v63  }
0xc7: {  	_ =	swait.ge [sflag:s0], $0x200  }
0xc8: {  	[sflag:s0] =	ssyncset.done $0x0  }
0xc9: {  	[sflag:s0] =	ssyncadd.s32 $0xFFFFFE00  }
0xca: {  	_ =	swait.ge [sflag:s0], $0x2000  }
0xcb: {  	[sflag:s0] =	ssyncset.done $0x0  }
0xcc: {  	[sflag:s0] =	ssyncadd.s32 $0xFFFFE000  }
0xcd: {  	[spmem:s11] =	stream.indirect.scatter.add.f32 [tilespmem:s9], [sflag:$0x4], $0x10, s8, s14, $0xb8;
	[tilespmem:$0x1F1B0] =	vst v63  }
0xce: {  	_ = 	snop  }
0xcf: {  	[spmem:s11] =	stream.indirect.scatter.add.f32 [tilespmem:s18], [sflag:$0x4], $0x10, s3, s14, $0xb8;
	[tilespmem:$0x1F1B0] =	vst v63  }
0xd0: {  	_ = 	snop  }
0xd1: {  	[spmem:s11] =	stream.indirect.scatter.add.f32 [tilespmem:s20], [sflag:$0x4], $0x10, s19, s14, $0xb8;
	[tilespmem:$0x1F1B0] =	vst v63  }
0xd2: {  	_ = 	snop  }
0xd3: {  	[spmem:s11] =	stream.indirect.scatter.add.f32 [tilespmem:s22], [sflag:$0x4], $0x10, s21, s14, $0xb8;
	[tilespmem:$0x1F1B0] =	vst v63  }
0xd4: {  	_ =	swait.ge [sflag:s23], $0x800  }
0xd5: {  	[sflag:s23] =	ssyncset.done $0x0  }
0xd6: {  	[sflag:s23] =	ssyncadd.s32 $0xFFFFF800  }
0xd7: {  	_ =	swait.ge [sflag:s23], $0x800  }
0xd8: {  	[sflag:s23] =	ssyncset.done $0x0  }
0xd9: {  	[sflag:s23] =	ssyncadd.s32 $0xFFFFF800  }
0xda: {  	_ =	swait.ge [sflag:s23], $0x800  }
0xdb: {  	[sflag:s23] =	ssyncset.done $0x0  }
0xdc: {  	[sflag:s23] =	ssyncadd.s32 $0xFFFFF800  }
0xdd: {  	_ =	swait.ge [sflag:s23], $0x800  }
0xde: {  	s10 =	sld [smem:$0x7F7]  }
0xdf: {  	s12 =	sld [smem:$0x7F9]  }
0xe0: {  	[sflag:s23] =	ssyncset.done $0x0  }
0xe1: {  	[sflag:s23] =	ssyncadd.s32 $0xFFFFF800;
	s25 =	sshrl.u32 s10, $0x3  }
0xe2: {  	[tilespmem:s5], [sflag:$0x1] =	stream.linear.gather [hbm4b:s12+s1], $0x200, $0x38;
	[tilespmem:$0x1F1B0] =	vst v63  }
0xe3: {  	s4 =	sadd.s32 s15, s25  }
0xe4: {  	[tilespmem:s1], [sflag:$0x1] =	stream.strided.gather [hbm4b:s4+s6], $0x2000, s7, s6, $0x38;
	[tilespmem:$0x1F1B0] =	vst v63  }
0xe5: {  	_ =	swait.ge [sflag:s13], $0x200  }
0xe6: {  	[sflag:s13] =	ssyncset.done $0x0  }
0xe7: {  	[sflag:s13] =	ssyncadd.s32 $0xFFFFFE00  }
0xe8: {  	_ =	swait.ge [sflag:s13], $0x2000  }
0xe9: {  	[sflag:s13] =	ssyncset.done $0x0  }
0xea: {  	[sflag:s13] =	ssyncadd.s32 $0xFFFFE000  }
0xeb: {  	[spmem:s11] =	stream.indirect.scatter.add.f32 [tilespmem:s1], [sflag:$0x3], $0x10, s5, s14, $0xb8;
	[tilespmem:$0x1F1B0] =	vst v63  }
0xec: {  	_ = 	snop  }
0xed: {  	[spmem:s11] =	stream.indirect.scatter.add.f32 [tilespmem:s17], [sflag:$0x3], $0x10, s16, s14, $0xb8;
	[tilespmem:$0x1F1B0] =	vst v63  }
0xee: {  	_ = 	snop  }
0xef: {  	[spmem:s11] =	stream.indirect.scatter.add.f32 [tilespmem:s30], [sflag:$0x3], $0x10, s29, s14, $0xb8;
	[tilespmem:$0x1F1B0] =	vst v63  }
0xf0: {  	_ = 	snop  }
0xf1: {  	[spmem:s11] =	stream.indirect.scatter.add.f32 [tilespmem:s2], [sflag:$0x3], $0x10, s31, s14, $0xb8;
	[tilespmem:$0x1F1B0] =	vst v63  }
0xf2: {  	_ =	swait.ge [sflag:s24], $0x800  }
0xf3: {  	[sflag:s24] =	ssyncset.done $0x0  }
0xf4: {  	[sflag:s24] =	ssyncadd.s32 $0xFFFFF800  }
0xf5: {  	_ =	swait.ge [sflag:s24], $0x800  }
0xf6: {  	[sflag:s24] =	ssyncset.done $0x0  }
0xf7: {  	[sflag:s24] =	ssyncadd.s32 $0xFFFFF800  }
0xf8: {  	_ =	swait.ge [sflag:s24], $0x800  }
0xf9: {  	[sflag:s24] =	ssyncset.done $0x0  }
0xfa: {  	[sflag:s24] =	ssyncadd.s32 $0xFFFFF800  }
0xfb: {  	_ =	swait.ge [sflag:s24], $0x800  }
0xfc: {  	s26 =	sadd.s32 $0x40, s12;
	[sflag:s24] =	ssyncset.done $0x0;
	s4 =	rddreg [dreg:$0x5]  }
0xfd: {  	s28 =	simm.s32 $0x2000;
	[smem:$0x7D8] =	sst s26;
	[sflag:s24] =	ssyncadd.s32 $0xFFFFF800  }
0xfe: {  	[tilespmem:s8], [sflag:$0x2] =	stream.linear.gather [hbm4b:s26+s1], $0x200, $0x38;
	[tilespmem:$0x1F1B0] =	vst v63  }
0xff: {  	s25 =	sadd.s32 $0x0, s4;
	s4 =	sadd.s32 $0x10000, s10;
	s26 =	sadd.s32 $0x80, s12  }
.LBB2_2:
0x100: {  	[tilespmem:s9], [sflag:$0x2] =	stream.strided.gather [hbm4b:s25+s6], $0x2000, s7, s6, $0x38;
	[tilespmem:$0x1F1B0] =	vst v63  }
0x101: {  	_ =	swait.ge [sflag:s0], $0x200  }
0x102: {  	[sflag:s0] =	ssyncset.done $0x0  }
0x103: {  	[sflag:s0] =	ssyncadd.s32 $0xFFFFFE00  }
0x104: {  	_ =	swait.ge [sflag:s0], $0x2000  }
0x105: {  	[sflag:s0] =	ssyncset.done $0x0  }
0x106: {  	[sflag:s0] =	ssyncadd.s32 $0xFFFFE000  }
0x107: {  	[spmem:s11] =	stream.indirect.scatter.add.f32 [tilespmem:s9], [sflag:$0x4], $0x10, s8, s14, $0xb8;
	[tilespmem:$0x1F1B0] =	vst v63  }
0x108: {  	_ = 	snop  }
0x109: {  	[spmem:s11] =	stream.indirect.scatter.add.f32 [tilespmem:s18], [sflag:$0x4], $0x10, s3, s14, $0xb8;
	[tilespmem:$0x1F1B0] =	vst v63  }
0x10a: {  	_ = 	snop  }
0x10b: {  	[spmem:s11] =	stream.indirect.scatter.add.f32 [tilespmem:s20], [sflag:$0x4], $0x10, s19, s14, $0xb8;
	[tilespmem:$0x1F1B0] =	vst v63  }
0x10c: {  	_ = 	snop  }
0x10d: {  	[spmem:s11] =	stream.indirect.scatter.add.f32 [tilespmem:s22], [sflag:$0x4], $0x10, s21, s14, $0xb8;
	[tilespmem:$0x1F1B0] =	vst v63  }
0x10e: {  	_ =	swait.ge [sflag:s23], $0x800  }
0x10f: {  	[sflag:s23] =	ssyncset.done $0x0  }
0x110: {  	[sflag:s23] =	ssyncadd.s32 $0xFFFFF800  }
0x111: {  	_ =	swait.ge [sflag:s23], $0x800  }
0x112: {  	[sflag:s23] =	ssyncset.done $0x0  }
0x113: {  	[sflag:s23] =	ssyncadd.s32 $0xFFFFF800  }
0x114: {  	_ =	swait.ge [sflag:s23], $0x800  }
0x115: {  	[sflag:s23] =	ssyncset.done $0x0  }
0x116: {  	[sflag:s23] =	ssyncadd.s32 $0xFFFFF800  }
0x117: {  	_ =	swait.ge [sflag:s23], $0x800  }
0x118: {  	[sflag:s23] =	ssyncset.done $0x0  }
0x119: {  	s10 =	sshrl.u32 s4, $0x3;
	[sflag:s23] =	ssyncadd.s32 $0xFFFFF800  }
0x11a: {  	[tilespmem:s5], [sflag:$0x1] =	stream.linear.gather [hbm4b:s26+s1], $0x200, $0x38;
	[tilespmem:$0x1F1B0] =	vst v63  }
0x11b: {  	s10 =	sadd.s32 s15, s10  }
0x11c: {  	[tilespmem:s1], [sflag:$0x1] =	stream.strided.gather [hbm4b:s10+s6], $0x2000, s7, s6, $0x38;
	[tilespmem:$0x1F1B0] =	vst v63  }
0x11d: {  	_ =	swait.ge [sflag:s13], $0x200  }
0x11e: {  	[sflag:s13] =	ssyncset.done $0x0  }
0x11f: {  	[sflag:s13] =	ssyncadd.s32 $0xFFFFFE00  }
0x120: {  	_ =	swait.ge [sflag:s13], $0x2000  }
0x121: {  	[sflag:s13] =	ssyncset.done $0x0  }
0x122: {  	[sflag:s13] =	ssyncadd.s32 $0xFFFFE000  }
0x123: {  	[spmem:s11] =	stream.indirect.scatter.add.f32 [tilespmem:s1], [sflag:$0x3], $0x10, s5, s14, $0xb8;
	[tilespmem:$0x1F1B0] =	vst v63  }
0x124: {  	_ = 	snop  }
0x125: {  	[spmem:s11] =	stream.indirect.scatter.add.f32 [tilespmem:s17], [sflag:$0x3], $0x10, s16, s14, $0xb8;
	[tilespmem:$0x1F1B0] =	vst v63  }
0x126: {  	_ = 	snop  }
0x127: {  	[spmem:s11] =	stream.indirect.scatter.add.f32 [tilespmem:s30], [sflag:$0x3], $0x10, s29, s14, $0xb8;
	[tilespmem:$0x1F1B0] =	vst v63  }
0x128: {  	_ = 	snop  }
0x129: {  	[spmem:s11] =	stream.indirect.scatter.add.f32 [tilespmem:s2], [sflag:$0x3], $0x10, s31, s14, $0xb8;
	[tilespmem:$0x1F1B0] =	vst v63  }
0x12a: {  	_ =	swait.ge [sflag:s24], $0x800  }
0x12b: {  	[sflag:s24] =	ssyncset.done $0x0  }
0x12c: {  	[sflag:s24] =	ssyncadd.s32 $0xFFFFF800  }
0x12d: {  	_ =	swait.ge [sflag:s24], $0x800  }
0x12e: {  	[sflag:s24] =	ssyncset.done $0x0  }
0x12f: {  	[sflag:s24] =	ssyncadd.s32 $0xFFFFF800  }
0x130: {  	_ =	swait.ge [sflag:s24], $0x800  }
0x131: {  	p0 =	sne.s32 s28, $0x60000;
	[sflag:s24] =	ssyncset.done $0x0  }
.Ltmp0:
0x132: {  	s25 =	smov.u32 s28;
	[sflag:s24] =	ssyncadd.s32 $0xFFFFF800;
	(pc) =	sbr.rel @p0 .LBB2_2-.Ltmp0, $4  }
0x133: {  	s28 =	sadd.s32 $0x2000, s28;
	s12 =	sadd.s32 $0x40, s26;
	_ =	swait.ge [sflag:s24], $0x800  }
0x134: {  	s4 =	sadd.s32 $0x10000, s4;
	[sflag:s24] =	ssyncset.done $0x0;
	s10 =	rddreg [dreg:$0x5]  }
0x135: {  	s26 =	sadd.s32 $0x80, s26;
	[sflag:s24] =	ssyncadd.s32 $0xFFFFF800;
	s25 =	sadd.s32 s25, s10  }
0x136: {  	[tilespmem:s8], [sflag:$0x2] =	stream.linear.gather [hbm4b:s12+s1], $0x200, $0x38;
	[tilespmem:$0x1F1B0] =	vst v63  }
0x137: {  	[tilespmem:s9], [sflag:$0x2] =	stream.strided.gather [hbm4b:s25+s6], $0x2000, s7, s6, $0x38;
	[tilespmem:$0x1F1B0] =	vst v63  }
0x138: {  	_ =	swait.ge [sflag:s0], $0x200  }
0x139: {  	[sflag:s0] =	ssyncset.done $0x0  }
0x13a: {  	[sflag:s0] =	ssyncadd.s32 $0xFFFFFE00  }
0x13b: {  	_ =	swait.ge [sflag:s0], $0x2000  }
0x13c: {  	[sflag:s0] =	ssyncset.done $0x0  }
0x13d: {  	[sflag:s0] =	ssyncadd.s32 $0xFFFFE000  }
0x13e: {  	[spmem:s11] =	stream.indirect.scatter.add.f32 [tilespmem:s9], [sflag:$0x4], $0x10, s8, s14, $0xb8;
	[tilespmem:$0x1F1B0] =	vst v63  }
0x13f: {  	_ = 	snop  }
0x140: {  	[spmem:s11] =	stream.indirect.scatter.add.f32 [tilespmem:s18], [sflag:$0x4], $0x10, s3, s14, $0xb8;
	[tilespmem:$0x1F1B0] =	vst v63  }
0x141: {  	_ = 	snop  }
0x142: {  	[spmem:s11] =	stream.indirect.scatter.add.f32 [tilespmem:s20], [sflag:$0x4], $0x10, s19, s14, $0xb8;
	[tilespmem:$0x1F1B0] =	vst v63  }
0x143: {  	_ = 	snop  }
0x144: {  	[spmem:s11] =	stream.indirect.scatter.add.f32 [tilespmem:s22], [sflag:$0x4], $0x10, s21, s14, $0xb8;
	[tilespmem:$0x1F1B0] =	vst v63  }
0x145: {  	_ =	swait.ge [sflag:s23], $0x800  }
0x146: {  	[sflag:s23] =	ssyncset.done $0x0  }
0x147: {  	[sflag:s23] =	ssyncadd.s32 $0xFFFFF800  }
0x148: {  	_ =	swait.ge [sflag:s23], $0x800  }
0x149: {  	[sflag:s23] =	ssyncset.done $0x0  }
0x14a: {  	[sflag:s23] =	ssyncadd.s32 $0xFFFFF800  }
0x14b: {  	_ =	swait.ge [sflag:s23], $0x800  }
0x14c: {  	[sflag:s23] =	ssyncset.done $0x0  }
0x14d: {  	[sflag:s23] =	ssyncadd.s32 $0xFFFFF800  }
0x14e: {  	_ =	swait.ge [sflag:s23], $0x800  }
0x14f: {  	[sflag:s23] =	ssyncset.done $0x0;
	s4 =	rddreg [dreg:$0x8]  }
0x150: {  	s10 =	simm.s32 $0x0;
	s26 =	sld [smem:$0x7F3];
	[sflag:s23] =	ssyncadd.s32 $0xFFFFF800  }
0x151: {  	[tilespmem:s5], [sflag:$0x1] =	stream.linear.gather [hbm4b:s4+s10], $0x200, $0x38;
	[tilespmem:$0x1F1B0] =	vst v63  }
0x152: {  	_ = 	snop  }
0x153: {  	[tilespmem:s10], [sflag:$0x1] =	stream.strided.gather [hbm4b:s26+s6], $0x2000, s7, s6, $0x38;
	[tilespmem:$0x1F1B0] =	vst v63  }
0x154: {  	_ =	swait.ge [sflag:s24], $0x800  }
0x155: {  	[sflag:s24] =	ssyncset.done $0x0  }
0x156: {  	[sflag:s24] =	ssyncadd.s32 $0xFFFFF800  }
0x157: {  	_ =	swait.ge [sflag:s24], $0x800  }
0x158: {  	[sflag:s24] =	ssyncset.done $0x0  }
0x159: {  	[sflag:s24] =	ssyncadd.s32 $0xFFFFF800  }
0x15a: {  	_ =	swait.ge [sflag:s24], $0x800  }
0x15b: {  	[sflag:s24] =	ssyncset.done $0x0  }
0x15c: {  	[sflag:s24] =	ssyncadd.s32 $0xFFFFF800  }
0x15d: {  	_ =	swait.ge [sflag:s24], $0x800  }
0x15e: {  	s25 =	sld [smem:$0x7F8]  }
0x15f: {  	[sflag:s24] =	ssyncset.done $0x0  }
0x160: {  	s12 =	simm.s32 $0x0;
	s26 =	sld [smem:$0x7F4];
	[sflag:s24] =	ssyncadd.s32 $0xFFFFF800  }
0x161: {  	[tilespmem:s8], [sflag:$0x2] =	stream.linear.gather [hbm4b:s25+s12], $0x200, $0x38;
	[tilespmem:$0x1F1B0] =	vst v63  }
0x162: {  	_ = 	snop  }
0x163: {  	[tilespmem:s9], [sflag:$0x2] =	stream.strided.gather [hbm4b:s26+s6], $0x2000, s7, s6, $0x38;
	[tilespmem:$0x1F1B0] =	vst v63  }
0x164: {  	[bflag:$0x0] =	sbarrier.arrive $0xFFFF  }
0x165: {  	s10 =	sld [smem:$0x7EC];
	_ =	sdelay $0x1  }
0x166: {  	s12 =	simm.s32 $0x4400  }
0x167: {  	[tilespmem:s12], [sflag:$0x5] =	stream.linear.gather [spmem:s10], $0x2710, $0x38;
	[tilespmem:$0x1F1B0] =	vst v63  }
0x168: {  	s10 =	simm.s32 $0x5  }
0x169: {  	_ =	swait.ge [sflag:s10], $0x2710  }
0x16a: {  	[sflag:s10] =	ssyncset.done $0x0  }
0x16b: {  	s25 =	rddreg [dreg:$0xa];
	[sflag:s10] =	ssyncadd.s32 $0xFFFFD8F0  }
0x16c: {  	[hbm4b:s25+s6] =	stream.strided.scatter [tilespmem:s12], [sflag:$0x5], $0x2710, s7, s6, $0x38;
	[tilespmem:$0x1F1B0] =	vst v63  }
0x16d: {  	_ =	swait.ge [sflag:s10], $0x2710  }
0x16e: {  	s26 =	sld [smem:$0x7ED]  }
0x16f: {  	[sflag:s10] =	ssyncset.done $0x0  }
0x170: {  	[sflag:s10] =	ssyncadd.s32 $0xFFFFD8F0  }
0x171: {  	[tilespmem:s12], [sflag:$0x5] =	stream.linear.gather [spmem:s26], $0x2710, $0x38;
	[tilespmem:$0x1F1B0] =	vst v63  }
0x172: {  	_ =	swait.ge [sflag:s10], $0x2710  }
0x173: {  	[sflag:s10] =	ssyncset.done $0x0  }
0x174: {  	s25 =	rddreg [dreg:$0xc];
	[sflag:s10] =	ssyncadd.s32 $0xFFFFD8F0  }
0x175: {  	[hbm4b:s25+s6] =	stream.strided.scatter [tilespmem:s12], [sflag:$0x5], $0x2710, s7, s6, $0x38;
	[tilespmem:$0x1F1B0] =	vst v63  }
0x176: {  	_ =	swait.ge [sflag:s10], $0x2710  }
0x177: {  	s25 =	sld [smem:$0x7EE]  }
0x178: {  	[sflag:s10] =	ssyncset.done $0x0  }
0x179: {  	[sflag:s10] =	ssyncadd.s32 $0xFFFFD8F0  }
0x17a: {  	[tilespmem:s12], [sflag:$0x5] =	stream.linear.gather [spmem:s25], $0x2710, $0x38;
	[tilespmem:$0x1F1B0] =	vst v63  }
0x17b: {  	_ =	swait.ge [sflag:s10], $0x2710  }
0x17c: {  	[sflag:s10] =	ssyncset.done $0x0  }
0x17d: {  	s26 =	rddreg [dreg:$0xe];
	[sflag:s10] =	ssyncadd.s32 $0xFFFFD8F0  }
0x17e: {  	[hbm4b:s26+s6] =	stream.strided.scatter [tilespmem:s12], [sflag:$0x5], $0x2710, s7, s6, $0x38;
	[tilespmem:$0x1F1B0] =	vst v63  }
0x17f: {  	_ =	swait.ge [sflag:s10], $0x2710  }
0x180: {  	s26 =	sld [smem:$0x7EF]  }
0x181: {  	[sflag:s10] =	ssyncset.done $0x0  }
0x182: {  	[sflag:s10] =	ssyncadd.s32 $0xFFFFD8F0  }
0x183: {  	[tilespmem:s12], [sflag:$0x5] =	stream.linear.gather [spmem:s26], $0x2710, $0x38;
	[tilespmem:$0x1F1B0] =	vst v63  }
0x184: {  	_ =	swait.ge [sflag:s10], $0x2710  }
0x185: {  	[sflag:s10] =	ssyncset.done $0x0  }
0x186: {  	s4 =	rddreg [dreg:$0x10];
	[sflag:s10] =	ssyncadd.s32 $0xFFFFD8F0  }
0x187: {  	[hbm4b:s4+s6] =	stream.strided.scatter [tilespmem:s12], [sflag:$0x5], $0x2710, s7, s6, $0x38;
	[tilespmem:$0x1F1B0] =	vst v63  }
0x188: {  	_ =	swait.ge [sflag:s10], $0x2710  }
0x189: {  	s28 =	sld [smem:$0x7FB]  }
0x18a: {  	[sflag:s10] =	ssyncset.done $0x0  }
0x18b: {  	[sflag:s10] =	ssyncadd.s32 $0xFFFFD8F0  }
0x18c: {  	[tilespmem:s12], [sflag:$0x5] =	stream.linear.gather [spmem:s28], $0x2710, $0x38;
	[tilespmem:$0x1F1B0] =	vst v63  }
0x18d: {  	_ =	swait.ge [sflag:s10], $0x2710  }
0x18e: {  	[sflag:s10] =	ssyncset.done $0x0  }
0x18f: {  	s4 =	rddreg [dreg:$0x12];
	[sflag:s10] =	ssyncadd.s32 $0xFFFFD8F0  }
0x190: {  	[hbm4b:s4+s6] =	stream.strided.scatter [tilespmem:s12], [sflag:$0x5], $0x2710, s7, s6, $0x38;
	[tilespmem:$0x1F1B0] =	vst v63  }
0x191: {  	_ =	swait.ge [sflag:s10], $0x2710  }
0x192: {  	s4 =	sld [smem:$0x7F0]  }
0x193: {  	[sflag:s10] =	ssyncset.done $0x0  }
0x194: {  	[sflag:s10] =	ssyncadd.s32 $0xFFFFD8F0  }
0x195: {  	[tilespmem:s12], [sflag:$0x5] =	stream.linear.gather [spmem:s4], $0x2710, $0x38;
	[tilespmem:$0x1F1B0] =	vst v63  }
0x196: {  	_ =	swait.ge [sflag:s10], $0x2710  }
0x197: {  	[sflag:s10] =	ssyncset.done $0x0  }
0x198: {  	s4 =	rddreg [dreg:$0x14];
	[sflag:s10] =	ssyncadd.s32 $0xFFFFD8F0  }
0x199: {  	[hbm4b:s4+s6] =	stream.strided.scatter [tilespmem:s12], [sflag:$0x5], $0x2710, s7, s6, $0x38;
	[tilespmem:$0x1F1B0] =	vst v63  }
0x19a: {  	_ =	swait.ge [sflag:s10], $0x2710  }
0x19b: {  	s4 =	sld [smem:$0x7F1]  }
0x19c: {  	[sflag:s10] =	ssyncset.done $0x0  }
0x19d: {  	[sflag:s10] =	ssyncadd.s32 $0xFFFFD8F0  }
0x19e: {  	[tilespmem:s12], [sflag:$0x5] =	stream.linear.gather [spmem:s4], $0x2710, $0x38;
	[tilespmem:$0x1F1B0] =	vst v63  }
0x19f: {  	_ =	swait.ge [sflag:s10], $0x2710  }
0x1a0: {  	[sflag:s10] =	ssyncset.done $0x0  }
0x1a1: {  	s4 =	rddreg [dreg:$0x16];
	[sflag:s10] =	ssyncadd.s32 $0xFFFFD8F0  }
0x1a2: {  	[hbm4b:s4+s6] =	stream.strided.scatter [tilespmem:s12], [sflag:$0x5], $0x2710, s7, s6, $0x38;
	[tilespmem:$0x1F1B0] =	vst v63  }
0x1a3: {  	_ =	swait.ge [sflag:s10], $0x2710  }
0x1a4: {  	s4 =	sld [smem:$0x7F2]  }
0x1a5: {  	[sflag:s10] =	ssyncset.done $0x0  }
0x1a6: {  	[sflag:s10] =	ssyncadd.s32 $0xFFFFD8F0  }
0x1a7: {  	[tilespmem:s12], [sflag:$0x5] =	stream.linear.gather [spmem:s4], $0x2710, $0x38;
	[tilespmem:$0x1F1B0] =	vst v63  }
0x1a8: {  	_ =	swait.ge [sflag:s10], $0x2710  }
0x1a9: {  	[sflag:s10] =	ssyncset.done $0x0  }
0x1aa: {  	s4 =	rddreg [dreg:$0x18];
	[sflag:s10] =	ssyncadd.s32 $0xFFFFD8F0  }
0x1ab: {  	[hbm4b:s4+s6] =	stream.strided.scatter [tilespmem:s12], [sflag:$0x5], $0x2710, s7, s6, $0x38;
	[tilespmem:$0x1F1B0] =	vst v63  }
0x1ac: {  	_ =	swait.ge [sflag:s10], $0x2710  }
0x1ad: {  	s4 =	sld [smem:$0x7FC]  }
0x1ae: {  	[sflag:s10] =	ssyncset.done $0x0  }
0x1af: {  	[sflag:s10] =	ssyncadd.s32 $0xFFFFD8F0  }
0x1b0: {  	[tilespmem:s12], [sflag:$0x5] =	stream.linear.gather [spmem:s4], $0x2710, $0x38;
	[tilespmem:$0x1F1B0] =	vst v63  }
0x1b1: {  	_ =	swait.ge [sflag:s10], $0x2710  }
0x1b2: {  	[sflag:s10] =	ssyncset.done $0x0  }
0x1b3: {  	s4 =	rddreg [dreg:$0x1a];
	[sflag:s10] =	ssyncadd.s32 $0xFFFFD8F0  }
0x1b4: {  	[hbm4b:s4+s6] =	stream.strided.scatter [tilespmem:s12], [sflag:$0x5], $0x2710, s7, s6, $0x38;
	[tilespmem:$0x1F1B0] =	vst v63  }
0x1b5: {  	_ =	swait.ge [sflag:s10], $0x2710  }
0x1b6: {  	s4 =	sld [smem:$0x7FD]  }
0x1b7: {  	[sflag:s10] =	ssyncset.done $0x0  }
0x1b8: {  	[sflag:s10] =	ssyncadd.s32 $0xFFFFD8F0  }
0x1b9: {  	[tilespmem:s12], [sflag:$0x5] =	stream.linear.gather [spmem:s4], $0x2710, $0x38;
	[tilespmem:$0x1F1B0] =	vst v63  }
0x1ba: {  	_ =	swait.ge [sflag:s10], $0x2710  }
0x1bb: {  	[sflag:s10] =	ssyncset.done $0x0  }
0x1bc: {  	s4 =	rddreg [dreg:$0x1c];
	[sflag:s10] =	ssyncadd.s32 $0xFFFFD8F0  }
0x1bd: {  	[hbm4b:s4+s6] =	stream.strided.scatter [tilespmem:s12], [sflag:$0x5], $0x2710, s7, s6, $0x38;
	[tilespmem:$0x1F1B0] =	vst v63  }
0x1be: {  	_ =	swait.ge [sflag:s10], $0x2710  }
0x1bf: {  	[sflag:s10] =	ssyncset.done $0x0  }
0x1c0: {  	s4 =	rddreg [dreg:$0x1d];
	[sflag:s10] =	ssyncadd.s32 $0xFFFFD8F0  }
0x1c1: {  	[tilespmem:s12], [sflag:$0x5] =	stream.strided.gather [hbm4b:s4+s6], $0x2710, s7, s6, $0x38;
	[tilespmem:$0x1F1B0] =	vst v63  }
0x1c2: {  	_ =	swait.ge [sflag:s10], $0x2710  }
0x1c3: {  	s4 =	sld [smem:$0x7EC]  }
0x1c4: {  	[sflag:s10] =	ssyncset.done $0x0  }
0x1c5: {  	[sflag:s10] =	ssyncadd.s32 $0xFFFFD8F0  }
0x1c6: {  	[spmem:s4] =	stream.linear.scatter [tilespmem:s12], [sflag:$0x5], $0x2710, $0x38;
	[tilespmem:$0x1F1B0] =	vst v63  }
0x1c7: {  	_ =	swait.ge [sflag:s10], $0x2710  }
0x1c8: {  	[sflag:s10] =	ssyncset.done $0x0  }
0x1c9: {  	s4 =	rddreg [dreg:$0x1e];
	[sflag:s10] =	ssyncadd.s32 $0xFFFFD8F0  }
0x1ca: {  	[tilespmem:s12], [sflag:$0x5] =	stream.strided.gather [hbm4b:s4+s6], $0x2710, s7, s6, $0x38;
	[tilespmem:$0x1F1B0] =	vst v63  }
0x1cb: {  	_ =	swait.ge [sflag:s10], $0x2710  }
0x1cc: {  	s4 =	sld [smem:$0x7ED]  }
0x1cd: {  	[sflag:s10] =	ssyncset.done $0x0  }
0x1ce: {  	[sflag:s10] =	ssyncadd.s32 $0xFFFFD8F0  }
0x1cf: {  	[spmem:s4] =	stream.linear.scatter [tilespmem:s12], [sflag:$0x5], $0x2710, $0x38;
	[tilespmem:$0x1F1B0] =	vst v63  }
0x1d0: {  	_ =	swait.ge [sflag:s10], $0x2710  }
0x1d1: {  	[sflag:s10] =	ssyncset.done $0x0  }
0x1d2: {  	s4 =	rddreg [dreg:$0x1f];
	[sflag:s10] =	ssyncadd.s32 $0xFFFFD8F0  }
0x1d3: {  	[tilespmem:s12], [sflag:$0x5] =	stream.strided.gather [hbm4b:s4+s6], $0x2710, s7, s6, $0x38;
	[tilespmem:$0x1F1B0] =	vst v63  }
0x1d4: {  	_ =	swait.ge [sflag:s10], $0x2710  }
0x1d5: {  	[sflag:s10] =	ssyncset.done $0x0  }
0x1d6: {  	[sflag:s10] =	ssyncadd.s32 $0xFFFFD8F0  }
0x1d7: {  	[spmem:s25] =	stream.linear.scatter [tilespmem:s12], [sflag:$0x5], $0x2710, $0x38;
	[tilespmem:$0x1F1B0] =	vst v63  }
0x1d8: {  	_ =	swait.ge [sflag:s10], $0x2710  }
0x1d9: {  	s25 =	sld [smem:$0x7D9]  }
0x1da: {  	[sflag:s10] =	ssyncset.done $0x0  }
0x1db: {  	[sflag:s10] =	ssyncadd.s32 $0xFFFFD8F0  }
0x1dc: {  	[tilespmem:s12], [sflag:$0x5] =	stream.strided.gather [hbm4b:s25+s6], $0x2710, s7, s6, $0x38;
	[tilespmem:$0x1F1B0] =	vst v63  }
0x1dd: {  	_ =	swait.ge [sflag:s10], $0x2710  }
0x1de: {  	[sflag:s10] =	ssyncset.done $0x0  }
0x1df: {  	[sflag:s10] =	ssyncadd.s32 $0xFFFFD8F0  }
0x1e0: {  	[spmem:s26] =	stream.linear.scatter [tilespmem:s12], [sflag:$0x5], $0x2710, $0x38;
	[tilespmem:$0x1F1B0] =	vst v63  }
0x1e1: {  	_ =	swait.ge [sflag:s10], $0x2710  }
0x1e2: {  	s26 =	sld [smem:$0x7DA]  }
0x1e3: {  	[sflag:s10] =	ssyncset.done $0x0  }
0x1e4: {  	[sflag:s10] =	ssyncadd.s32 $0xFFFFD8F0  }
0x1e5: {  	[tilespmem:s12], [sflag:$0x5] =	stream.strided.gather [hbm4b:s26+s6], $0x2710, s7, s6, $0x38;
	[tilespmem:$0x1F1B0] =	vst v63  }
0x1e6: {  	_ =	swait.ge [sflag:s10], $0x2710  }
0x1e7: {  	[sflag:s10] =	ssyncset.done $0x0  }
0x1e8: {  	[sflag:s10] =	ssyncadd.s32 $0xFFFFD8F0  }
0x1e9: {  	[spmem:s28] =	stream.linear.scatter [tilespmem:s12], [sflag:$0x5], $0x2710, $0x38;
	[tilespmem:$0x1F1B0] =	vst v63  }
0x1ea: {  	_ =	swait.ge [sflag:s10], $0x2710  }
0x1eb: {  	s25 =	sld [smem:$0x7DB]  }
0x1ec: {  	[sflag:s10] =	ssyncset.done $0x0  }
0x1ed: {  	s28 =	simm.s32 $0x4400;
	[sflag:s10] =	ssyncadd.s32 $0xFFFFD8F0  }
0x1ee: {  	[tilespmem:s28], [sflag:$0x5] =	stream.strided.gather [hbm4b:s25+s6], $0x2710, s7, s6, $0x38;
	[tilespmem:$0x1F1B0] =	vst v63  }
0x1ef: {  	_ =	swait.ge [sflag:s10], $0x2710  }
0x1f0: {  	s26 =	sld [smem:$0x7F0]  }
0x1f1: {  	[sflag:s10] =	ssyncset.done $0x0  }
0x1f2: {  	[sflag:s10] =	ssyncadd.s32 $0xFFFFD8F0  }
0x1f3: {  	[spmem:s26] =	stream.linear.scatter [tilespmem:s28], [sflag:$0x5], $0x2710, $0x38;
	[tilespmem:$0x1F1B0] =	vst v63  }
0x1f4: {  	_ =	swait.ge [sflag:s10], $0x2710  }
0x1f5: {  	s12 =	sld [smem:$0x7DC]  }
0x1f6: {  	[sflag:s10] =	ssyncset.done $0x0  }
0x1f7: {  	[sflag:s10] =	ssyncadd.s32 $0xFFFFD8F0  }
0x1f8: {  	[tilespmem:s28], [sflag:$0x5] =	stream.strided.gather [hbm4b:s12+s6], $0x2710, s7, s6, $0x38;
	[tilespmem:$0x1F1B0] =	vst v63  }
0x1f9: {  	_ =	swait.ge [sflag:s10], $0x2710  }
0x1fa: {  	s25 =	sld [smem:$0x7F1]  }
0x1fb: {  	[sflag:s10] =	ssyncset.done $0x0  }
0x1fc: {  	[sflag:s10] =	ssyncadd.s32 $0xFFFFD8F0  }
0x1fd: {  	[spmem:s25] =	stream.linear.scatter [tilespmem:s28], [sflag:$0x5], $0x2710, $0x38;
	[tilespmem:$0x1F1B0] =	vst v63  }
0x1fe: {  	_ =	swait.ge [sflag:s10], $0x2710  }
0x1ff: {  	s26 =	sld [smem:$0x7DD]  }
0x200: {  	[sflag:s10] =	ssyncset.done $0x0  }
0x201: {  	[sflag:s10] =	ssyncadd.s32 $0xFFFFD8F0  }
0x202: {  	[tilespmem:s28], [sflag:$0x5] =	stream.strided.gather [hbm4b:s26+s6], $0x2710, s7, s6, $0x38;
	[tilespmem:$0x1F1B0] =	vst v63  }
0x203: {  	_ =	swait.ge [sflag:s10], $0x2710  }
0x204: {  	s12 =	sld [smem:$0x7F2]  }
0x205: {  	[sflag:s10] =	ssyncset.done $0x0  }
0x206: {  	[sflag:s10] =	ssyncadd.s32 $0xFFFFD8F0  }
0x207: {  	[spmem:s12] =	stream.linear.scatter [tilespmem:s28], [sflag:$0x5], $0x2710, $0x38;
	[tilespmem:$0x1F1B0] =	vst v63  }
0x208: {  	_ =	swait.ge [sflag:s10], $0x2710  }
0x209: {  	s25 =	sld [smem:$0x7DE]  }
0x20a: {  	[sflag:s10] =	ssyncset.done $0x0  }
0x20b: {  	[sflag:s10] =	ssyncadd.s32 $0xFFFFD8F0  }
0x20c: {  	[tilespmem:s28], [sflag:$0x5] =	stream.strided.gather [hbm4b:s25+s6], $0x2710, s7, s6, $0x38;
	[tilespmem:$0x1F1B0] =	vst v63  }
0x20d: {  	_ =	swait.ge [sflag:s10], $0x2710  }
0x20e: {  	s26 =	sld [smem:$0x7FC]  }
0x20f: {  	[sflag:s10] =	ssyncset.done $0x0  }
0x210: {  	[sflag:s10] =	ssyncadd.s32 $0xFFFFD8F0  }
0x211: {  	[spmem:s26] =	stream.linear.scatter [tilespmem:s28], [sflag:$0x5], $0x2710, $0x38;
	[tilespmem:$0x1F1B0] =	vst v63  }
0x212: {  	_ =	swait.ge [sflag:s10], $0x2710  }
0x213: {  	s12 =	sld [smem:$0x7DF]  }
0x214: {  	[sflag:s10] =	ssyncset.done $0x0  }
0x215: {  	[sflag:s10] =	ssyncadd.s32 $0xFFFFD8F0  }
0x216: {  	[tilespmem:s28], [sflag:$0x5] =	stream.strided.gather [hbm4b:s12+s6], $0x2710, s7, s6, $0x38;
	[tilespmem:$0x1F1B0] =	vst v63  }
0x217: {  	_ =	swait.ge [sflag:s10], $0x2710  }
0x218: {  	s25 =	sld [smem:$0x7FD]  }
0x219: {  	[sflag:s10] =	ssyncset.done $0x0  }
0x21a: {  	[sflag:s10] =	ssyncadd.s32 $0xFFFFD8F0  }
0x21b: {  	[spmem:s25] =	stream.linear.scatter [tilespmem:s28], [sflag:$0x5], $0x2710, $0x38;
	[tilespmem:$0x1F1B0] =	vst v63  }
0x21c: {  	_ =	swait.ge [sflag:s10], $0x2710  }
0x21d: {  	[sflag:s10] =	ssyncset.done $0x0  }
0x21e: {  	[sflag:s10] =	ssyncadd.s32 $0xFFFFD8F0  }
0x21f: {  	[bflag:$0x0] =	sbarrier.arrive $0xFFFF  }
0x220: {  	_ =	swait.ge [sflag:s13], $0x200  }
0x221: {  	[sflag:s13] =	ssyncset.done $0x0  }
0x222: {  	[sflag:s13] =	ssyncadd.s32 $0xFFFFFE00  }
0x223: {  	_ =	swait.ge [sflag:s13], $0x2000  }
0x224: {  	[sflag:s13] =	ssyncset.done $0x0  }
0x225: {  	s26 =	simm.s32 $0x0;
	[sflag:s13] =	ssyncadd.s32 $0xFFFFE000  }
0x226: {  	[spmem:s11] =	stream.indirect.scatter.add.f32 [tilespmem:s26], [sflag:$0x3], $0x10, s5, s14, $0xb8;
	[tilespmem:$0x1F1B0] =	vst v63  }
0x227: {  	_ = 	snop  }
0x228: {  	[spmem:s11] =	stream.indirect.scatter.add.f32 [tilespmem:s17], [sflag:$0x3], $0x10, s16, s14, $0xb8;
	[tilespmem:$0x1F1B0] =	vst v63  }
0x229: {  	_ = 	snop  }
0x22a: {  	[spmem:s11] =	stream.indirect.scatter.add.f32 [tilespmem:s30], [sflag:$0x3], $0x10, s29, s14, $0xb8;
	[tilespmem:$0x1F1B0] =	vst v63  }
0x22b: {  	_ = 	snop  }
0x22c: {  	[spmem:s11] =	stream.indirect.scatter.add.f32 [tilespmem:s2], [sflag:$0x3], $0x10, s31, s14, $0xb8;
	[tilespmem:$0x1F1B0] =	vst v63  }
0x22d: {  	_ =	swait.ge [sflag:s0], $0x200  }
0x22e: {  	[sflag:s0] =	ssyncset.done $0x0  }
0x22f: {  	[sflag:s0] =	ssyncadd.s32 $0xFFFFFE00  }
0x230: {  	_ =	swait.ge [sflag:s0], $0x2000  }
0x231: {  	[sflag:s0] =	ssyncset.done $0x0  }
0x232: {  	[sflag:s0] =	ssyncadd.s32 $0xFFFFE000  }
0x233: {  	[spmem:s11] =	stream.indirect.scatter.add.f32 [tilespmem:s9], [sflag:$0x4], $0x10, s8, s14, $0xb8;
	[tilespmem:$0x1F1B0] =	vst v63  }
0x234: {  	_ = 	snop  }
0x235: {  	[spmem:s11] =	stream.indirect.scatter.add.f32 [tilespmem:s18], [sflag:$0x4], $0x10, s3, s14, $0xb8;
	[tilespmem:$0x1F1B0] =	vst v63  }
0x236: {  	_ = 	snop  }
0x237: {  	[spmem:s11] =	stream.indirect.scatter.add.f32 [tilespmem:s20], [sflag:$0x4], $0x10, s19, s14, $0xb8;
	[tilespmem:$0x1F1B0] =	vst v63  }
0x238: {  	_ = 	snop  }
0x239: {  	[spmem:s11] =	stream.indirect.scatter.add.f32 [tilespmem:s22], [sflag:$0x4], $0x10, s21, s14, $0xb8;
	[tilespmem:$0x1F1B0] =	vst v63  }
0x23a: {  	_ =	swait.ge [sflag:s23], $0x800  }
0x23b: {  	[sflag:s23] =	ssyncset.done $0x0  }
0x23c: {  	[sflag:s23] =	ssyncadd.s32 $0xFFFFF800  }
0x23d: {  	_ =	swait.ge [sflag:s23], $0x800  }
0x23e: {  	[sflag:s23] =	ssyncset.done $0x0  }
0x23f: {  	[sflag:s23] =	ssyncadd.s32 $0xFFFFF800  }
0x240: {  	_ =	swait.ge [sflag:s23], $0x800  }
0x241: {  	[sflag:s23] =	ssyncset.done $0x0  }
0x242: {  	[sflag:s23] =	ssyncadd.s32 $0xFFFFF800  }
0x243: {  	_ =	swait.ge [sflag:s23], $0x800  }
0x244: {  	s12 =	sld [smem:$0x7F9]  }
0x245: {  	[sflag:s23] =	ssyncset.done $0x0  }
0x246: {  	s10 =	rddreg [dreg:$0x6];
	[sflag:s23] =	ssyncadd.s32 $0xFFFFF800  }
0x247: {  	[tilespmem:s5], [sflag:$0x1] =	stream.linear.gather [hbm4b:s12+s1], $0x200, $0x38;
	[tilespmem:$0x1F1B0] =	vst v63  }
0x248: {  	s4 =	sadd.s32 $0x0, s10  }
0x249: {  	[tilespmem:s1], [sflag:$0x1] =	stream.strided.gather [hbm4b:s4+s6], $0x2000, s7, s6, $0x38;
	[tilespmem:$0x1F1B0] =	vst v63  }
0x24a: {  	_ =	swait.ge [sflag:s13], $0x200  }
0x24b: {  	[sflag:s13] =	ssyncset.done $0x0  }
0x24c: {  	[sflag:s13] =	ssyncadd.s32 $0xFFFFFE00  }
0x24d: {  	_ =	swait.ge [sflag:s13], $0x2000  }
0x24e: {  	[sflag:s13] =	ssyncset.done $0x0  }
0x24f: {  	[sflag:s13] =	ssyncadd.s32 $0xFFFFE000  }
0x250: {  	[spmem:s11] =	stream.indirect.scatter.add.f32 [tilespmem:s1], [sflag:$0x3], $0x10, s5, s14, $0xb8;
	[tilespmem:$0x1F1B0] =	vst v63  }
0x251: {  	_ = 	snop  }
0x252: {  	[spmem:s11] =	stream.indirect.scatter.add.f32 [tilespmem:s17], [sflag:$0x3], $0x10, s16, s14, $0xb8;
	[tilespmem:$0x1F1B0] =	vst v63  }
0x253: {  	_ = 	snop  }
0x254: {  	[spmem:s11] =	stream.indirect.scatter.add.f32 [tilespmem:s30], [sflag:$0x3], $0x10, s29, s14, $0xb8;
	[tilespmem:$0x1F1B0] =	vst v63  }
0x255: {  	_ = 	snop  }
0x256: {  	[spmem:s11] =	stream.indirect.scatter.add.f32 [tilespmem:s2], [sflag:$0x3], $0x10, s31, s14, $0xb8;
	[tilespmem:$0x1F1B0] =	vst v63  }
0x257: {  	_ =	swait.ge [sflag:s24], $0x800  }
0x258: {  	[sflag:s24] =	ssyncset.done $0x0  }
0x259: {  	[sflag:s24] =	ssyncadd.s32 $0xFFFFF800  }
0x25a: {  	_ =	swait.ge [sflag:s24], $0x800  }
0x25b: {  	[sflag:s24] =	ssyncset.done $0x0  }
0x25c: {  	[sflag:s24] =	ssyncadd.s32 $0xFFFFF800  }
0x25d: {  	_ =	swait.ge [sflag:s24], $0x800  }
0x25e: {  	[sflag:s24] =	ssyncset.done $0x0  }
0x25f: {  	[sflag:s24] =	ssyncadd.s32 $0xFFFFF800  }
0x260: {  	_ =	swait.ge [sflag:s24], $0x800  }
0x261: {  	s26 =	sld [smem:$0x7D8]  }
0x262: {  	[sflag:s24] =	ssyncset.done $0x0  }
0x263: {  	s25 =	rddreg [dreg:$0x7];
	[sflag:s24] =	ssyncadd.s32 $0xFFFFF800  }
0x264: {  	[tilespmem:s8], [sflag:$0x2] =	stream.linear.gather [hbm4b:s26+s1], $0x200, $0x38;
	[tilespmem:$0x1F1B0] =	vst v63  }
0x265: {  	s4 =	simm.s32 $0x2000;
	s25 =	sadd.s32 $0x0, s25;
	s26 =	sadd.s32 $0x80, s12  }
.LBB2_4:
0x266: {  	[tilespmem:s9], [sflag:$0x2] =	stream.strided.gather [hbm4b:s25+s6], $0x2000, s7, s6, $0x38;
	[tilespmem:$0x1F1B0] =	vst v63  }
0x267: {  	_ =	swait.ge [sflag:s0], $0x200  }
0x268: {  	[sflag:s0] =	ssyncset.done $0x0  }
0x269: {  	[sflag:s0] =	ssyncadd.s32 $0xFFFFFE00  }
0x26a: {  	_ =	swait.ge [sflag:s0], $0x2000  }
0x26b: {  	[sflag:s0] =	ssyncset.done $0x0  }
0x26c: {  	[sflag:s0] =	ssyncadd.s32 $0xFFFFE000  }
0x26d: {  	[spmem:s11] =	stream.indirect.scatter.add.f32 [tilespmem:s9], [sflag:$0x4], $0x10, s8, s14, $0xb8;
	[tilespmem:$0x1F1B0] =	vst v63  }
0x26e: {  	_ = 	snop  }
0x26f: {  	[spmem:s11] =	stream.indirect.scatter.add.f32 [tilespmem:s18], [sflag:$0x4], $0x10, s3, s14, $0xb8;
	[tilespmem:$0x1F1B0] =	vst v63  }
0x270: {  	_ = 	snop  }
0x271: {  	[spmem:s11] =	stream.indirect.scatter.add.f32 [tilespmem:s20], [sflag:$0x4], $0x10, s19, s14, $0xb8;
	[tilespmem:$0x1F1B0] =	vst v63  }
0x272: {  	_ = 	snop  }
0x273: {  	[spmem:s11] =	stream.indirect.scatter.add.f32 [tilespmem:s22], [sflag:$0x4], $0x10, s21, s14, $0xb8;
	[tilespmem:$0x1F1B0] =	vst v63  }
0x274: {  	_ =	swait.ge [sflag:s23], $0x800  }
0x275: {  	[sflag:s23] =	ssyncset.done $0x0  }
0x276: {  	[sflag:s23] =	ssyncadd.s32 $0xFFFFF800  }
0x277: {  	_ =	swait.ge [sflag:s23], $0x800  }
0x278: {  	[sflag:s23] =	ssyncset.done $0x0  }
0x279: {  	[sflag:s23] =	ssyncadd.s32 $0xFFFFF800  }
0x27a: {  	_ =	swait.ge [sflag:s23], $0x800  }
0x27b: {  	[sflag:s23] =	ssyncset.done $0x0  }
0x27c: {  	[sflag:s23] =	ssyncadd.s32 $0xFFFFF800  }
0x27d: {  	_ =	swait.ge [sflag:s23], $0x800  }
0x27e: {  	[sflag:s23] =	ssyncset.done $0x0  }
0x27f: {  	s25 =	smov.u32 s4;
	s10 =	rddreg [dreg:$0x6];
	[sflag:s23] =	ssyncadd.s32 $0xFFFFF800  }
0x280: {  	[tilespmem:s5], [sflag:$0x1] =	stream.linear.gather [hbm4b:s26+s1], $0x200, $0x38;
	[tilespmem:$0x1F1B0] =	vst v63  }
0x281: {  	s10 =	sadd.s32 s25, s10  }
0x282: {  	[tilespmem:s1], [sflag:$0x1] =	stream.strided.gather [hbm4b:s10+s6], $0x2000, s7, s6, $0x38;
	[tilespmem:$0x1F1B0] =	vst v63  }
0x283: {  	_ =	swait.ge [sflag:s13], $0x200  }
0x284: {  	[sflag:s13] =	ssyncset.done $0x0  }
0x285: {  	[sflag:s13] =	ssyncadd.s32 $0xFFFFFE00  }
0x286: {  	_ =	swait.ge [sflag:s13], $0x2000  }
0x287: {  	[sflag:s13] =	ssyncset.done $0x0  }
0x288: {  	[sflag:s13] =	ssyncadd.s32 $0xFFFFE000  }
0x289: {  	[spmem:s11] =	stream.indirect.scatter.add.f32 [tilespmem:s1], [sflag:$0x3], $0x10, s5, s14, $0xb8;
	[tilespmem:$0x1F1B0] =	vst v63  }
0x28a: {  	_ = 	snop  }
0x28b: {  	[spmem:s11] =	stream.indirect.scatter.add.f32 [tilespmem:s17], [sflag:$0x3], $0x10, s16, s14, $0xb8;
	[tilespmem:$0x1F1B0] =	vst v63  }
0x28c: {  	_ = 	snop  }
0x28d: {  	[spmem:s11] =	stream.indirect.scatter.add.f32 [tilespmem:s30], [sflag:$0x3], $0x10, s29, s14, $0xb8;
	[tilespmem:$0x1F1B0] =	vst v63  }
0x28e: {  	_ = 	snop  }
0x28f: {  	[spmem:s11] =	stream.indirect.scatter.add.f32 [tilespmem:s2], [sflag:$0x3], $0x10, s31, s14, $0xb8;
	[tilespmem:$0x1F1B0] =	vst v63  }
0x290: {  	_ =	swait.ge [sflag:s24], $0x800  }
0x291: {  	[sflag:s24] =	ssyncset.done $0x0  }
0x292: {  	[sflag:s24] =	ssyncadd.s32 $0xFFFFF800  }
0x293: {  	_ =	swait.ge [sflag:s24], $0x800  }
0x294: {  	[sflag:s24] =	ssyncset.done $0x0  }
0x295: {  	[sflag:s24] =	ssyncadd.s32 $0xFFFFF800  }
0x296: {  	_ =	swait.ge [sflag:s24], $0x800  }
0x297: {  	p0 =	sne.s32 s4, $0x60000;
	[sflag:s24] =	ssyncset.done $0x0  }
.Ltmp1:
0x298: {  	[sflag:s24] =	ssyncadd.s32 $0xFFFFF800;
	(pc) =	sbr.rel @p0 .LBB2_4-.Ltmp1, $4  }
0x299: {  	s4 =	sadd.s32 $0x2000, s4;
	_ =	swait.ge [sflag:s24], $0x800  }
0x29a: {  	s12 =	sadd.s32 $0x40, s26;
	[sflag:s24] =	ssyncset.done $0x0;
	s10 =	rddreg [dreg:$0x7]  }
0x29b: {  	s26 =	sadd.s32 $0x80, s26;
	[sflag:s24] =	ssyncadd.s32 $0xFFFFF800;
	s25 =	sadd.s32 s25, s10  }
0x29c: {  	[tilespmem:s8], [sflag:$0x2] =	stream.linear.gather [hbm4b:s12+s1], $0x200, $0x38;
	[tilespmem:$0x1F1B0] =	vst v63  }
0x29d: {  	[tilespmem:s9], [sflag:$0x2] =	stream.strided.gather [hbm4b:s25+s6], $0x2000, s7, s6, $0x38;
	[tilespmem:$0x1F1B0] =	vst v63  }
0x29e: {  	_ =	swait.ge [sflag:s0], $0x200  }
0x29f: {  	[sflag:s0] =	ssyncset.done $0x0  }
0x2a0: {  	[sflag:s0] =	ssyncadd.s32 $0xFFFFFE00  }
0x2a1: {  	_ =	swait.ge [sflag:s0], $0x2000  }
0x2a2: {  	[sflag:s0] =	ssyncset.done $0x0  }
0x2a3: {  	[sflag:s0] =	ssyncadd.s32 $0xFFFFE000  }
0x2a4: {  	[spmem:s11] =	stream.indirect.scatter.add.f32 [tilespmem:s9], [sflag:$0x4], $0x10, s8, s14, $0xb8;
	[tilespmem:$0x1F1B0] =	vst v63  }
0x2a5: {  	_ = 	snop  }
0x2a6: {  	[spmem:s11] =	stream.indirect.scatter.add.f32 [tilespmem:s18], [sflag:$0x4], $0x10, s3, s14, $0xb8;
	[tilespmem:$0x1F1B0] =	vst v63  }
0x2a7: {  	_ = 	snop  }
0x2a8: {  	[spmem:s11] =	stream.indirect.scatter.add.f32 [tilespmem:s20], [sflag:$0x4], $0x10, s19, s14, $0xb8;
	[tilespmem:$0x1F1B0] =	vst v63  }
0x2a9: {  	_ = 	snop  }
0x2aa: {  	[spmem:s11] =	stream.indirect.scatter.add.f32 [tilespmem:s22], [sflag:$0x4], $0x10, s21, s14, $0xb8;
	[tilespmem:$0x1F1B0] =	vst v63  }
0x2ab: {  	_ =	swait.ge [sflag:s23], $0x800  }
0x2ac: {  	[sflag:s23] =	ssyncset.done $0x0  }
0x2ad: {  	[sflag:s23] =	ssyncadd.s32 $0xFFFFF800  }
0x2ae: {  	_ =	swait.ge [sflag:s23], $0x800  }
0x2af: {  	[sflag:s23] =	ssyncset.done $0x0  }
0x2b0: {  	[sflag:s23] =	ssyncadd.s32 $0xFFFFF800  }
0x2b1: {  	_ =	swait.ge [sflag:s23], $0x800  }
0x2b2: {  	[sflag:s23] =	ssyncset.done $0x0  }
0x2b3: {  	[sflag:s23] =	ssyncadd.s32 $0xFFFFF800  }
0x2b4: {  	_ =	swait.ge [sflag:s23], $0x800  }
0x2b5: {  	[sflag:s23] =	ssyncset.done $0x0  }
0x2b6: {  	[sflag:s23] =	ssyncadd.s32 $0xFFFFF800  }
0x2b7: {  	_ =	swait.ge [sflag:s24], $0x800  }
0x2b8: {  	[sflag:s24] =	ssyncset.done $0x0  }
0x2b9: {  	[sflag:s24] =	ssyncadd.s32 $0xFFFFF800  }
0x2ba: {  	_ =	swait.ge [sflag:s24], $0x800  }
0x2bb: {  	[sflag:s24] =	ssyncset.done $0x0  }
0x2bc: {  	[sflag:s24] =	ssyncadd.s32 $0xFFFFF800  }
0x2bd: {  	_ =	swait.ge [sflag:s24], $0x800  }
0x2be: {  	[sflag:s24] =	ssyncset.done $0x0  }
0x2bf: {  	[sflag:s24] =	ssyncadd.s32 $0xFFFFF800  }
0x2c0: {  	_ =	swait.ge [sflag:s24], $0x800  }
0x2c1: {  	[sflag:s24] =	ssyncset.done $0x0  }
0x2c2: {  	[sflag:s24] =	ssyncadd.s32 $0xFFFFF800  }
0x2c3: {  	[bflag:$0x0] =	sbarrier.arrive $0xFFFF  }
0x2c4: {  	s4 =	sld [smem:$0x7EC];
	_ =	sdelay $0x2  }
0x2c5: {  	[tilespmem:s28], [sflag:$0x5] =	stream.linear.gather [spmem:s4], $0x2710, $0x38;
	[tilespmem:$0x1F1B0] =	vst v63  }
0x2c6: {  	s28 =	simm.s32 $0x5  }
0x2c7: {  	_ =	swait.ge [sflag:s28], $0x2710  }
0x2c8: {  	s26 =	sld [smem:$0x7E0]  }
0x2c9: {  	[sflag:s28] =	ssyncset.done $0x0  }
0x2ca: {  	s10 =	simm.s32 $0x4400;
	[sflag:s28] =	ssyncadd.s32 $0xFFFFD8F0  }
0x2cb: {  	[hbm4b:s26+s6] =	stream.strided.scatter [tilespmem:s10], [sflag:$0x5], $0x2710, s7, s6, $0x38;
	[tilespmem:$0x1F1B0] =	vst v63  }
0x2cc: {  	_ =	swait.ge [sflag:s28], $0x2710  }
0x2cd: {  	s12 =	sld [smem:$0x7ED]  }
0x2ce: {  	[sflag:s28] =	ssyncset.done $0x0  }
0x2cf: {  	[sflag:s28] =	ssyncadd.s32 $0xFFFFD8F0  }
0x2d0: {  	[tilespmem:s10], [sflag:$0x5] =	stream.linear.gather [spmem:s12], $0x2710, $0x38;
	[tilespmem:$0x1F1B0] =	vst v63  }
0x2d1: {  	_ =	swait.ge [sflag:s28], $0x2710  }
0x2d2: {  	s25 =	sld [smem:$0x7E1]  }
0x2d3: {  	[sflag:s28] =	ssyncset.done $0x0  }
0x2d4: {  	[sflag:s28] =	ssyncadd.s32 $0xFFFFD8F0  }
0x2d5: {  	[hbm4b:s25+s6] =	stream.strided.scatter [tilespmem:s10], [sflag:$0x5], $0x2710, s7, s6, $0x38;
	[tilespmem:$0x1F1B0] =	vst v63  }
0x2d6: {  	_ =	swait.ge [sflag:s28], $0x2710  }
0x2d7: {  	s26 =	sld [smem:$0x7EE]  }
0x2d8: {  	[sflag:s28] =	ssyncset.done $0x0  }
0x2d9: {  	[sflag:s28] =	ssyncadd.s32 $0xFFFFD8F0  }
0x2da: {  	[tilespmem:s10], [sflag:$0x5] =	stream.linear.gather [spmem:s26], $0x2710, $0x38;
	[tilespmem:$0x1F1B0] =	vst v63  }
0x2db: {  	_ =	swait.ge [sflag:s28], $0x2710  }
0x2dc: {  	s12 =	sld [smem:$0x7E2]  }
0x2dd: {  	[sflag:s28] =	ssyncset.done $0x0  }
0x2de: {  	[sflag:s28] =	ssyncadd.s32 $0xFFFFD8F0  }
0x2df: {  	[hbm4b:s12+s6] =	stream.strided.scatter [tilespmem:s10], [sflag:$0x5], $0x2710, s7, s6, $0x38;
	[tilespmem:$0x1F1B0] =	vst v63  }
0x2e0: {  	_ =	swait.ge [sflag:s28], $0x2710  }
0x2e1: {  	s25 =	sld [smem:$0x7EF]  }
0x2e2: {  	[sflag:s28] =	ssyncset.done $0x0  }
0x2e3: {  	[sflag:s28] =	ssyncadd.s32 $0xFFFFD8F0  }
0x2e4: {  	[tilespmem:s10], [sflag:$0x5] =	stream.linear.gather [spmem:s25], $0x2710, $0x38;
	[tilespmem:$0x1F1B0] =	vst v63  }
0x2e5: {  	_ =	swait.ge [sflag:s28], $0x2710  }
0x2e6: {  	s26 =	sld [smem:$0x7E3]  }
0x2e7: {  	[sflag:s28] =	ssyncset.done $0x0  }
0x2e8: {  	[sflag:s28] =	ssyncadd.s32 $0xFFFFD8F0  }
0x2e9: {  	[hbm4b:s26+s6] =	stream.strided.scatter [tilespmem:s10], [sflag:$0x5], $0x2710, s7, s6, $0x38;
	[tilespmem:$0x1F1B0] =	vst v63  }
0x2ea: {  	_ =	swait.ge [sflag:s28], $0x2710  }
0x2eb: {  	s12 =	sld [smem:$0x7FB]  }
0x2ec: {  	[sflag:s28] =	ssyncset.done $0x0  }
0x2ed: {  	[sflag:s28] =	ssyncadd.s32 $0xFFFFD8F0  }
0x2ee: {  	[tilespmem:s10], [sflag:$0x5] =	stream.linear.gather [spmem:s12], $0x2710, $0x38;
	[tilespmem:$0x1F1B0] =	vst v63  }
0x2ef: {  	_ =	swait.ge [sflag:s28], $0x2710  }
0x2f0: {  	s25 =	sld [smem:$0x7E4]  }
0x2f1: {  	[sflag:s28] =	ssyncset.done $0x0  }
0x2f2: {  	[sflag:s28] =	ssyncadd.s32 $0xFFFFD8F0  }
0x2f3: {  	[hbm4b:s25+s6] =	stream.strided.scatter [tilespmem:s10], [sflag:$0x5], $0x2710, s7, s6, $0x38;
	[tilespmem:$0x1F1B0] =	vst v63  }
0x2f4: {  	_ =	swait.ge [sflag:s28], $0x2710  }
0x2f5: {  	s26 =	sld [smem:$0x7F0]  }
0x2f6: {  	[sflag:s28] =	ssyncset.done $0x0  }
0x2f7: {  	[sflag:s28] =	ssyncadd.s32 $0xFFFFD8F0  }
0x2f8: {  	[tilespmem:s10], [sflag:$0x5] =	stream.linear.gather [spmem:s26], $0x2710, $0x38;
	[tilespmem:$0x1F1B0] =	vst v63  }
0x2f9: {  	_ =	swait.ge [sflag:s28], $0x2710  }
0x2fa: {  	s12 =	sld [smem:$0x7E5]  }
0x2fb: {  	[sflag:s28] =	ssyncset.done $0x0  }
0x2fc: {  	[sflag:s28] =	ssyncadd.s32 $0xFFFFD8F0  }
0x2fd: {  	[hbm4b:s12+s6] =	stream.strided.scatter [tilespmem:s10], [sflag:$0x5], $0x2710, s7, s6, $0x38;
	[tilespmem:$0x1F1B0] =	vst v63  }
0x2fe: {  	_ =	swait.ge [sflag:s28], $0x2710  }
0x2ff: {  	s25 =	sld [smem:$0x7F1]  }
0x300: {  	[sflag:s28] =	ssyncset.done $0x0  }
0x301: {  	[sflag:s28] =	ssyncadd.s32 $0xFFFFD8F0  }
0x302: {  	[tilespmem:s10], [sflag:$0x5] =	stream.linear.gather [spmem:s25], $0x2710, $0x38;
	[tilespmem:$0x1F1B0] =	vst v63  }
0x303: {  	_ =	swait.ge [sflag:s28], $0x2710  }
0x304: {  	s26 =	sld [smem:$0x7E6]  }
0x305: {  	[sflag:s28] =	ssyncset.done $0x0  }
0x306: {  	[sflag:s28] =	ssyncadd.s32 $0xFFFFD8F0  }
0x307: {  	[hbm4b:s26+s6] =	stream.strided.scatter [tilespmem:s10], [sflag:$0x5], $0x2710, s7, s6, $0x38;
	[tilespmem:$0x1F1B0] =	vst v63  }
0x308: {  	_ =	swait.ge [sflag:s28], $0x2710  }
0x309: {  	s12 =	sld [smem:$0x7F2]  }
0x30a: {  	[sflag:s28] =	ssyncset.done $0x0  }
0x30b: {  	s26 =	simm.s32 $0x4400;
	[sflag:s28] =	ssyncadd.s32 $0xFFFFD8F0  }
0x30c: {  	[tilespmem:s26], [sflag:$0x5] =	stream.linear.gather [spmem:s12], $0x2710, $0x38;
	[tilespmem:$0x1F1B0] =	vst v63  }
0x30d: {  	_ =	swait.ge [sflag:s28], $0x2710  }
0x30e: {  	s25 =	sld [smem:$0x7E7]  }
0x30f: {  	[sflag:s28] =	ssyncset.done $0x0  }
0x310: {  	[sflag:s28] =	ssyncadd.s32 $0xFFFFD8F0  }
0x311: {  	[hbm4b:s25+s6] =	stream.strided.scatter [tilespmem:s26], [sflag:$0x5], $0x2710, s7, s6, $0x38;
	[tilespmem:$0x1F1B0] =	vst v63  }
0x312: {  	_ =	swait.ge [sflag:s28], $0x2710  }
0x313: {  	s25 =	sld [smem:$0x7FC]  }
0x314: {  	[sflag:s28] =	ssyncset.done $0x0  }
0x315: {  	[sflag:s28] =	ssyncadd.s32 $0xFFFFD8F0  }
0x316: {  	[tilespmem:s26], [sflag:$0x5] =	stream.linear.gather [spmem:s25], $0x2710, $0x38;
	[tilespmem:$0x1F1B0] =	vst v63  }
0x317: {  	_ =	swait.ge [sflag:s28], $0x2710  }
0x318: {  	s10 =	sld [smem:$0x7E8]  }
0x319: {  	[sflag:s28] =	ssyncset.done $0x0  }
0x31a: {  	[sflag:s28] =	ssyncadd.s32 $0xFFFFD8F0  }
0x31b: {  	[hbm4b:s10+s6] =	stream.strided.scatter [tilespmem:s26], [sflag:$0x5], $0x2710, s7, s6, $0x38;
	[tilespmem:$0x1F1B0] =	vst v63  }
0x31c: {  	_ =	swait.ge [sflag:s28], $0x2710  }
0x31d: {  	s10 =	sld [smem:$0x7FD]  }
0x31e: {  	[sflag:s28] =	ssyncset.done $0x0  }
0x31f: {  	[sflag:s28] =	ssyncadd.s32 $0xFFFFD8F0  }
0x320: {  	[tilespmem:s26], [sflag:$0x5] =	stream.linear.gather [spmem:s10], $0x2710, $0x38;
	[tilespmem:$0x1F1B0] =	vst v63  }
0x321: {  	_ =	swait.ge [sflag:s28], $0x2710  }
0x322: {  	s12 =	sld [smem:$0x7E9]  }
0x323: {  	[sflag:s28] =	ssyncset.done $0x0  }
0x324: {  	[sflag:s28] =	ssyncadd.s32 $0xFFFFD8F0  }
0x325: {  	[hbm4b:s12+s6] =	stream.strided.scatter [tilespmem:s26], [sflag:$0x5], $0x2710, s7, s6, $0x38;
	[tilespmem:$0x1F1B0] =	vst v63  }
0x326: {  	_ =	swait.ge [sflag:s28], $0x2710  }
0x327: {  	s12 =	sld [smem:$0x7FA]  }
0x328: {  	[sflag:s28] =	ssyncset.done $0x0;
	s28 =	sld [smem:$0x7F6];
	_ =	sdelay $0x1  }
0x329: {  	s12 =	sadd.s32 $0x1, s12  }
0x32a: {  	p0 =	sne.s32 s12, s28  }
.Ltmp2:
0x32b: {  	_ = 	snop;
	(pc) =	sbr.rel @p0 .LBB2_1-.Ltmp2, $3  }
0x32c: {  	_ =	sdelay $0x1  }
0x32d: {  	[smem:$0x7FA] =	sst s12;
	s28 =	simm.s32 $0x5  }
0x32e: {  	s12 =	sld [smem:$0x7FB];
	[sflag:s28] =	ssyncadd.s32 $0xFFFFD8F0  }
0x32f: {  	_ =	sfence.sel $0x180000  }
0x330: {  	[bflag:$0x0] =	sbarrier.arrive $0xFFFF  }
0x331: {  	_ =	strace $0x90000047  }
0x332: {  	s0 =	stileid.u32;
	[bflag:$0x2] =	sbarrier.arrive $0xFFFF  }
0x333: {  	p0 =	sne.s32 s0, $0x0;
	s0 =	rddreg [dreg:$0x4]  }
0x334: {  	s0 =	sadd.s32 @!p0 $0x100000, s0  }
0x335: {  	[sflag:s0] =	ssyncadd.tile.s32 @!p0 $0x1;
	_ =	shalt  }
.Lfunc_end2:
_tile_overlayer_lowered:
.L_overlay_start_2:
0x336: {  	(tag) =	ssettag $0x2  }
0x337: {  	s0 =	rddreg [dreg:$0x0];
	s2 =	stileid.u32  }
0x338: {  	s1 =	rddreg [dreg:$0x1];
	p0 =	sne.s32 s2, $0x0  }
0x339: {  	s3 =	rddreg [dreg:$0x2];
	[bflag:$0x3] =	sbarrier.arrive $0xFFFF;
	s2 =	simm.s32 @!p0 $0x1C05  }
0x33a: {  	[timem:s3], [sflag:s2] =	dma.local @!p0 [hbm:s0], s1  }
0x33b: {  	s0 =	simm.s32 @!p0 $0x5  }
0x33c: {  	_ =	swait.ge @!p0 [sflag:s0], s1  }
0x33d: {  	s1 =	ssub.s32 @!p0 $0x0, s1;
	[sflag:s0] =	ssyncset.done @!p0 $0x0  }
0x33e: {  	[sflag:s0] =	ssyncadd.s32 @!p0 s1  }
0x33f: {  	[bflag:$0x3] =	sbarrier.arrive $0xFFFF  }
0x340: {  	_ =	shalt  }

</sc_bundles>
